<compile_context>
chip_gen: v7x
topology: tpu7x:2x2x1
jax: 0.10.2.dev20260603
libtpu: 0.0.44.dev20260713+nightly
codegen_flags: <defaults>
</compile_context>

<pallas_src>
import functools

import jax
import jax.numpy as jnp
from jax import lax
from jax.experimental import pallas as pl
from jax.experimental.pallas import tpu as pltpu
from jax.experimental.pallas import tpu_sc as plsc

_CH = 128
_NZ = 16
_G = 128
_BN = 2000



def _sc_segsum_body(npad, n, d, ew, nchunk,
                    h_hbm, src_hbm, dst_hbm, zeros_hbm, out_hbm,
                    acc, sbuf, dbuf, rows, sem0, sem1, semd0, semd1):
  c = lax.axis_index("c")
  s = lax.axis_index("s")
  sems = (sem0, sem1)
  semd = (semd0, semd1)

  rows_per_sub = npad // 16
  pltpu.sync_copy(zeros_hbm, acc.at[pl.ds(s * rows_per_sub, rows_per_sub)])
  plsc.subcore_barrier()

  base = (c * 16 + s) * ew
  pltpu.sync_copy(src_hbm.at[pl.ds(base, ew)], sbuf)
  pltpu.async_copy(h_hbm.at[sbuf.at[pl.ds(0, _CH)]], rows.at[0], sems[0])
  pltpu.async_copy(dst_hbm.at[pl.ds(base, _CH)], dbuf.at[0], semd[0])

  def group(gi, _):
    for b in range(2):
      k = gi * 2 + b
      nxt = k + 1

      @pl.when(nxt < nchunk)
      def _():
        pltpu.async_copy(h_hbm.at[sbuf.at[pl.ds(nxt * _CH, _CH)]],
                         rows.at[1 - b], sems[1 - b])
        pltpu.async_copy(dst_hbm.at[pl.ds(base + nxt * _CH, _CH)],
                         dbuf.at[1 - b], semd[1 - b])

      pltpu.make_async_copy(dst_hbm.at[pl.ds(0, _CH)], dbuf.at[b],
                            semd[b]).wait()
      pltpu.make_async_copy(h_hbm.at[pl.ds(0, _CH)], rows.at[b],
                            sems[b]).wait()
      pltpu.sync_copy(rows.at[b], acc.at[dbuf.at[b]], add=True)
    return 0
  lax.fori_loop(0, nchunk // 2, group, 0)
  plsc.subcore_barrier()

  outr = ((n + 15) // 16 + 7) // 8 * 8
  last = n - 15 * outr

  @pl.when(s < 15)
  def _():
    pltpu.sync_copy(acc.at[pl.ds(s * outr, outr)],
                    out_hbm.at[pl.ds(c * n + s * outr, outr)])

  @pl.when(s == 15)
  def _():
    pltpu.sync_copy(acc.at[pl.ds(15 * outr, last)],
                    out_hbm.at[pl.ds(c * n + 15 * outr, last)])


def _sc_segsum(h, srcp, dstp, zeros, npad):
  n, d = h.shape
  epad = srcp.shape[0]
  ew = epad // 32
  nchunk = ew // _CH
  mesh = plsc.VectorSubcoreMesh(core_axis_name="c", subcore_axis_name="s")
  f = pl.kernel(
      functools.partial(_sc_segsum_body, npad, n, d, ew, nchunk),
      out_type=jax.ShapeDtypeStruct((2 * n, d), jnp.float32),
      mesh=mesh,
      scratch_types=[
          pltpu.VMEM_SHARED((npad, d), jnp.float32),
          pltpu.VMEM((ew,), jnp.int32),
          pltpu.VMEM((2, _CH), jnp.int32),
          pltpu.VMEM((2, _CH, d), jnp.float32),
          pltpu.SemaphoreType.DMA,
          pltpu.SemaphoreType.DMA,
          pltpu.SemaphoreType.DMA,
          pltpu.SemaphoreType.DMA,
      ],
  )
  return f(h, srcp, dstp, zeros)



def _mlp_body(relu_out, h_ref, ma_ref, mb_ref, w1_ref, b1_ref, g1_ref,
              t1_ref, w2_ref, b2_ref, bg_ref, bb_ref, row_ref, out_ref):
  z = h_ref[...] + ma_ref[...] + mb_ref[...]
  t = jnp.dot(z, w1_ref[...], preferred_element_type=jnp.float32)
  t = jnp.maximum((t + b1_ref[...]) * g1_ref[...] + t1_ref[...], 0.0)
  o = jnp.dot(t, w2_ref[...], preferred_element_type=jnp.float32)
  o = (o + b2_ref[...]) * bg_ref[...] + bb_ref[...]
  if relu_out:
    o = jnp.maximum(o, 0.0)
  out_ref[...] = o + row_ref[...]


def _tc_mlp(h, msg, w1, b1, g1, t1, w2, b2, bg, bb, row, relu_out):
  n, d = h.shape
  hd = w1.shape[1]
  grid = n // _BN
  nd = pl.BlockSpec((_BN, d), lambda i: (i, 0))
  mb = pl.BlockSpec((_BN, d), lambda i: (i + grid, 0))
  full = lambda shape: pl.BlockSpec(shape, lambda i: (0, 0))
  return pl.pallas_call(
      functools.partial(_mlp_body, relu_out),
      grid=(grid,),
      in_specs=[nd, nd, mb,
                full((d, hd)), full((1, hd)), full((1, hd)), full((1, hd)),
                full((hd, d)), full((1, d)), full((1, d)), full((1, d)),
                full((1, d))],
      out_specs=nd,
      out_shape=jax.ShapeDtypeStruct((n, d), jnp.float32),
  )(h, msg, msg, w1, b1, g1, t1, w2, b2, bg, bb, row)


def _pool_body(grid, h_ref, bf_ref, sum_ref, mean_ref, acc, cnt):
  i = pl.program_id(0)

  @pl.when(i == 0)
  def _():
    acc[...] = jnp.zeros_like(acc)
    cnt[...] = jnp.zeros_like(cnt)

  bn, d = h_ref.shape
  iota = lax.broadcasted_iota(jnp.int32, (bn, _G), 1).astype(jnp.float32)
  onehot = jnp.where(bf_ref[...] == iota, 1.0, 0.0)
  dims = (((0,), (0,)), ((), ()))
  acc[...] += lax.dot_general(onehot, h_ref[...], dims,
                              preferred_element_type=jnp.float32)
  cnt[...] += lax.dot_general(onehot, jnp.ones((bn, d), jnp.float32), dims,
                              preferred_element_type=jnp.float32)

  @pl.when(i == grid - 1)
  def _():
    sum_ref[...] = acc[...]
    mean_ref[...] = acc[...] / jnp.maximum(cnt[...], 1.0)


def _tc_pool(h, bf):
  n, d = h.shape
  grid = n // _BN
  out = jax.ShapeDtypeStruct((_G, d), jnp.float32)
  return pl.pallas_call(
      functools.partial(_pool_body, grid),
      grid=(grid,),
      in_specs=[pl.BlockSpec((_BN, d), lambda i: (i, 0)),
                pl.BlockSpec((_BN, 1), lambda i: (i, 0))],
      out_specs=[pl.BlockSpec((_G, d), lambda i: (0, 0))] * 2,
      out_shape=[out, out],
      scratch_shapes=[pltpu.VMEM((_G, d), jnp.float32),
                      pltpu.VMEM((_G, d), jnp.float32)],
  )(h, bf)


def _vmlp_body(p_ref, row_ref, w1_ref, b1_ref, g1_ref, t1_ref,
               w2_ref, b2_ref, g2_ref, t2_ref, out_ref):
  v = p_ref[...] + row_ref[...]
  t = jnp.dot(v, w1_ref[...], preferred_element_type=jnp.float32)
  t = jnp.maximum((t + b1_ref[...]) * g1_ref[...] + t1_ref[...], 0.0)
  o = jnp.dot(t, w2_ref[...], preferred_element_type=jnp.float32)
  o = jnp.maximum((o + b2_ref[...]) * g2_ref[...] + t2_ref[...], 0.0)
  out_ref[...] = o


def _tc_vmlp(p, row, w1, b1, g1, t1, w2, b2, g2, t2):
  return pl.pallas_call(
      _vmlp_body,
      out_shape=jax.ShapeDtypeStruct(p.shape, jnp.float32),
  )(p, row, w1, b1, g1, t1, w2, b2, g2, t2)


def _gadd_body(z_ref, bf_ref, v_ref, out_ref):
  bn, _ = z_ref.shape
  iota = lax.broadcasted_iota(jnp.int32, (bn, _G), 1).astype(jnp.float32)
  onehot = jnp.where(bf_ref[...] == iota, 1.0, 0.0)
  out_ref[...] = z_ref[...] + jnp.dot(onehot, v_ref[...],
                                      preferred_element_type=jnp.float32)


def _tc_gadd(z, bf, v):
  n, d = z.shape
  grid = n // _BN
  return pl.pallas_call(
      _gadd_body,
      grid=(grid,),
      in_specs=[pl.BlockSpec((_BN, d), lambda i: (i, 0)),
                pl.BlockSpec((_BN, 1), lambda i: (i, 0)),
                pl.BlockSpec((_G, d), lambda i: (0, 0))],
      out_specs=pl.BlockSpec((_BN, d), lambda i: (i, 0)),
      out_shape=jax.ShapeDtypeStruct((n, d), jnp.float32),
  )(z, bf, v)



def kernel(x, edge_index, batch, W1s, b1s, g1s, bt1s, W2s, b2s, bng, bnb,
           vn_emb, vW1, vb1, vg1, vbt1, vW2, vb2, vg2, vbt2):
  n, d = x.shape
  e = edge_index.shape[1]

  epw = 2 * 32 * _CH
  epad = ((e + epw - 1) // epw) * epw
  src = jnp.concatenate([edge_index[0], jnp.zeros((epad - e,), jnp.int32)])
  dst = jnp.concatenate([edge_index[1], jnp.full((epad - e,), n, jnp.int32)])
  unit = 16 * _NZ
  npad = ((n + 1 + unit - 1) // unit) * unit
  bf = batch.astype(jnp.float32).reshape(n, 1)
  zseg = jnp.zeros((npad // 16, d), jnp.float32)
  r = lambda a: a.reshape(1, -1)
  zrow = jnp.zeros((1, d), jnp.float32)

  msg0 = _sc_segsum(x, src, dst, zseg, npad)
  h1 = _tc_mlp(x, msg0, W1s[0], r(b1s[0]), r(g1s[0]), r(bt1s[0]),
               W2s[0], r(b2s[0]), r(bng[0]), r(bnb[0]), vn_emb, True)
  msg1 = _sc_segsum(h1, src, dst, zseg, npad)
  z2 = _tc_mlp(h1, msg1, W1s[1], r(b1s[1]), r(g1s[1]), r(bt1s[1]),
               W2s[1], r(b2s[1]), r(bng[1]), r(bnb[1]), zrow, True)
  pooled2, _ = _tc_pool(z2, bf)
  v1 = _tc_vmlp(pooled2, vn_emb, vW1, r(vb1), r(vg1), r(vbt1),
                vW2, r(vb2), r(vg2), r(vbt2))
  h2 = _tc_gadd(z2, bf, v1)
  msg2 = _sc_segsum(h2, src, dst, zseg, npad)
  z3 = _tc_mlp(h2, msg2, W1s[2], r(b1s[2]), r(g1s[2]), r(bt1s[2]),
               W2s[2], r(b2s[2]), r(bng[2]), r(bnb[2]), zrow, False)
  _, readout = _tc_pool(z3, bf)
  return (z3, readout, v1)

# --- scband reference (transcript-rebuilt; emitter-appended) ---
"""Pipeline reference for scband-v-ginencoder-41042707481020 (READ-ONLY COPY).

The authoritative reference and input builder live on the scoring server;
editing this copy changes nothing except your own understanding.
"""

import jax, jax.numpy as jnp
import numpy as np

N = 10000
E = 320000
D = 128
H = 256
L = 3
G = 128

def _bn(h, g, b):
    # eval-mode BatchNorm with fresh running stats (mean=0, var=1)
    return h * g + b

def setup_inputs(seed: int = 0):
    key = jax.random.key(seed)
    ks = jax.random.split(key, 16)
    s = 0.05
    inp = {}
    inp["x"] = jax.random.normal(ks[0], (N, D), jnp.float32)
    inp["edge_index"] = jax.random.randint(ks[1], (2, E), 0, N, dtype=jnp.int32)
    inp["batch"] = jnp.sort(jax.random.randint(ks[2], (N,), 0, G, dtype=jnp.int32))
    inp["W1s"] = jax.random.normal(ks[3], (L, D, H), jnp.float32) * s
    inp["b1s"] = jnp.zeros((L, H), jnp.float32)
    inp["g1s"] = jnp.ones((L, H), jnp.float32)
    inp["bt1s"] = jnp.zeros((L, H), jnp.float32)
    inp["W2s"] = jax.random.normal(ks[4], (L, H, D), jnp.float32) * s
    inp["b2s"] = jnp.zeros((L, D), jnp.float32)
    inp["bng"] = jnp.ones((L, D), jnp.float32)
    inp["bnb"] = jnp.zeros((L, D), jnp.float32)
    inp["vn_emb"] = jax.random.normal(ks[5], (1, D), jnp.float32) * s
    inp["vW1"] = jax.random.normal(ks[6], (D, H), jnp.float32) * s
    inp["vb1"] = jnp.zeros((H,), jnp.float32)
    inp["vg1"] = jnp.ones((H,), jnp.float32)
    inp["vbt1"] = jnp.zeros((H,), jnp.float32)
    inp["vW2"] = jax.random.normal(ks[7], (H, D), jnp.float32) * s
    inp["vb2"] = jnp.zeros((D,), jnp.float32)
    inp["vg2"] = jnp.ones((D,), jnp.float32)
    inp["vbt2"] = jnp.zeros((D,), jnp.float32)
    return inp

def reference(x, edge_index, batch, W1s, b1s, g1s, bt1s, W2s, b2s, bng, bnb,
              vn_emb, vW1, vb1, vg1, vbt1, vW2, vb2, vg2, vbt2):
    src = edge_index[0]
    dst = edge_index[1]
    # virtual node embedding row 0 broadcast to every graph in the batch
    vn = jnp.broadcast_to(vn_emb[0], (G, D))
    layer_feat = [x]
    virtual_feat = [vn]
    for i in range(L):
        h = layer_feat[-1]
        if i > 0:
            h = h + virtual_feat[-1][batch]
        # GIN conv (eps=0): (1+eps)*h + sum_{j in N(i)} h_j, then MLP(Lin,BN,ReLU,Lin)
        msg = jax.ops.segment_sum(h[src], dst, num_segments=N)
        z = h + msg
        z = jax.nn.relu(_bn(z @ W1s[i] + b1s[i], g1s[i], bt1s[i]))
        z = z @ W2s[i] + b2s[i]
        # outer per-layer BatchNorm
        z = _bn(z, bng[i], bnb[i])
        if i < L - 1:
            z = jax.nn.relu(z)
        # dropout is identity in eval mode
        layer_feat.append(z)
        if 0 < i < L - 1:
            # virtual_mlp(GlobalAddPool(feat) + vn_prev)
            pooled = jax.ops.segment_sum(layer_feat[-1], batch, num_segments=G)
            v = pooled + virtual_feat[-1]
            v = jax.nn.relu(_bn(v @ vW1 + vb1, vg1, vbt1))
            v = jax.nn.relu(_bn(v @ vW2 + vb2, vg2, vbt2))
            virtual_feat.append(v)
    # readout: global mean pool
    counts = jax.ops.segment_sum(jnp.ones((N,), jnp.float32), batch, num_segments=G)
    out_readout = jax.ops.segment_sum(layer_feat[-1], batch, num_segments=G) / jnp.maximum(counts, 1.0)[:, None]
    return (layer_feat[-1], out_readout, virtual_feat[-1])

if __name__ == "__main__":
    import jax
    _d = setup_inputs()
    print(jax.jit(kernel)(*tuple(_d.values())))

</pallas_src>

<mosaic_0001>
#map = affine_map<(d0, d1) -> (0, 0)>
#map1 = affine_map<(d0, d1) -> (0)>
module attributes {stable_mosaic.version = 14 : i64} {
  func.func @_sc_segsum_body(%arg0: i32, %arg1: i32, %arg2: memref<10000x128xf32, #tpu.memory_space<hbm>>, %arg3: memref<327680xi32, #tpu.memory_space<hbm>>, %arg4: memref<327680xi32, #tpu.memory_space<hbm>>, %arg5: memref<640x128xf32, #tpu.memory_space<hbm>>, %arg6: memref<20000x128xf32, #tpu.memory_space<hbm>>, %arg7: memref<10240x128xf32, #tpu.memory_space<vmem_shared>>, %arg8: memref<10240xi32, #tpu.memory_space<vmem>>, %arg9: memref<2x128xi32, #tpu.memory_space<vmem>>, %arg10: memref<2x128x128xf32, #tpu.memory_space<vmem>>, %arg11: memref<!tpu.dma_semaphore, #tpu.memory_space<semaphore_mem>>, %arg12: memref<!tpu.dma_semaphore, #tpu.memory_space<semaphore_mem>>, %arg13: memref<!tpu.dma_semaphore, #tpu.memory_space<semaphore_mem>>, %arg14: memref<!tpu.dma_semaphore, #tpu.memory_space<semaphore_mem>>) attributes {dimension_semantics = [#tpu.dimension_semantics<core_parallel>, #tpu.dimension_semantics<subcore_parallel>], iteration_bounds = array<i64: 2, 16>, scalar_prefetch = 0 : i64, scratch_operands = 8 : i64, tpu.core_type = #tpu.core_type<sc_vector_subcore>, window_params = [{transform_indices = #map}, {transform_indices = #map1}, {transform_indices = #map1}, {transform_indices = #map}, {transform_indices = #map}]} {
    %mul3A = arith.constant 640 : i32
    %mul3A_0 = arith.muli %arg1, %mul3A : i32
    "tpu.region"() ({
      %run_scoped3A = tpu.sem_alloc : memref<!tpu.dma_semaphore, #tpu.memory_space<semaphore_mem>>
      %dma_start3A_36 = arith.constant 0 : i32
      %dma_start3A_37 = tpu.memref_slice %arg7[%mul3A_0, %dma_start3A_36] : memref<10240x128xf32, #tpu.memory_space<vmem_shared>> -> memref<640x128xf32, #tpu.memory_space<vmem_shared>>
      tpu.enqueue_dma source(%arg5 : memref<640x128xf32, #tpu.memory_space<hbm>>) target(%dma_start3A_37 : memref<640x128xf32, #tpu.memory_space<vmem_shared>>) target_semaphore(%run_scoped3A : memref<!tpu.dma_semaphore, #tpu.memory_space<semaphore_mem>>)
      %dma_wait3A = arith.constant 0 : i32
      %dma_wait3A_38 = tpu.memref_slice %arg7[%mul3A_0, %dma_wait3A] : memref<10240x128xf32, #tpu.memory_space<vmem_shared>> -> memref<640x128xf32, #tpu.memory_space<vmem_shared>>
      tpu.wait_dma2 semaphore(%run_scoped3A : memref<!tpu.dma_semaphore, #tpu.memory_space<semaphore_mem>>) src(%arg5 : memref<640x128xf32, #tpu.memory_space<hbm>>) dst(%dma_wait3A_38 : memref<640x128xf32, #tpu.memory_space<vmem_shared>>)
      tpu.yield
    }) : () -> ()
    %barrier3A = arith.constant 0 : index
    tpu.barrier barrier_id(%barrier3A)
    %mul3A_1 = arith.constant 16 : i32
    %mul3A_2 = arith.muli %arg0, %mul3A_1 : i32
    %add3A = arith.addi %mul3A_2, %arg1 : i32
    %mul3A_3 = arith.constant 10240 : i32
    %mul3A_4 = arith.muli %add3A, %mul3A_3 : i32
    "tpu.region"() ({
      %run_scoped3A = tpu.sem_alloc : memref<!tpu.dma_semaphore, #tpu.memory_space<semaphore_mem>>
      %dma_start3A_36 = tpu.memref_slice %arg3[%mul3A_4] : memref<327680xi32, #tpu.memory_space<hbm>> -> memref<10240xi32, #tpu.memory_space<hbm>>
      %dma_start3A_37 = tpu.memref_slice %arg3[%mul3A_4] : memref<327680xi32, #tpu.memory_space<hbm>> -> memref<10240xi32, #tpu.memory_space<hbm>>
      tpu.enqueue_dma source(%dma_start3A_37 : memref<10240xi32, #tpu.memory_space<hbm>>) target(%arg8 : memref<10240xi32, #tpu.memory_space<vmem>>) target_semaphore(%run_scoped3A : memref<!tpu.dma_semaphore, #tpu.memory_space<semaphore_mem>>)
      %dma_wait3A = tpu.memref_slice %arg3[%mul3A_4] : memref<327680xi32, #tpu.memory_space<hbm>> -> memref<10240xi32, #tpu.memory_space<hbm>>
      %dma_wait3A_38 = tpu.memref_slice %arg3[%mul3A_4] : memref<327680xi32, #tpu.memory_space<hbm>> -> memref<10240xi32, #tpu.memory_space<hbm>>
      tpu.wait_dma2 semaphore(%run_scoped3A : memref<!tpu.dma_semaphore, #tpu.memory_space<semaphore_mem>>) src(%dma_wait3A_38 : memref<10240xi32, #tpu.memory_space<hbm>>) dst(%arg8 : memref<10240xi32, #tpu.memory_space<vmem>>)
      tpu.yield
    }) : () -> ()
    %dma_start3A = arith.constant 0 : i32
    %dma_start3A_5 = arith.constant 0 : i32
    %dma_start3A_6 = arith.constant 0 : i32
    %dma_start3A_7 = tpu.memref_slice %arg10[%dma_start3A, %dma_start3A_5, %dma_start3A_6] : memref<2x128x128xf32, #tpu.memory_space<vmem>> -> memref<1x128x128xf32, #tpu.memory_space<vmem>>
    %dma_start3A_8 = tpu.memref_squeeze %dma_start3A_7 : memref<1x128x128xf32, #tpu.memory_space<vmem>> -> memref<128x128xf32, #tpu.memory_space<vmem>>
    %dma_start3A_9 = arith.constant 0 : i32
    %dma_start3A_10 = tpu.memref_slice %arg8[%dma_start3A_9] : memref<10240xi32, #tpu.memory_space<vmem>> -> memref<128xi32, #tpu.memory_space<vmem>>
    %dma_start3A_11 = arith.constant 0 : i32
    %dma_start3A_12 = arith.constant 0 : i32
    %dma_start3A_13 = tpu.memref_slice %arg2[%dma_start3A_11, %dma_start3A_12] : memref<10000x128xf32, #tpu.memory_space<hbm>> -> memref<10000x128xf32, #tpu.memory_space<hbm>>
    tpu.enqueue_indirect_dma source(%dma_start3A_13 : memref<10000x128xf32, #tpu.memory_space<hbm>>) target(%dma_start3A_8 : memref<128x128xf32, #tpu.memory_space<vmem>>) offsets(%dma_start3A_10 : memref<128xi32, #tpu.memory_space<vmem>>) semaphore(%arg11 : memref<!tpu.dma_semaphore, #tpu.memory_space<semaphore_mem>>)
    %dma_start3A_14 = arith.constant 0 : i32
    %dma_start3A_15 = arith.constant 0 : i32
    %dma_start3A_16 = tpu.memref_slice %arg9[%dma_start3A_14, %dma_start3A_15] : memref<2x128xi32, #tpu.memory_space<vmem>> -> memref<1x128xi32, #tpu.memory_space<vmem>>
    %dma_start3A_17 = tpu.memref_squeeze %dma_start3A_16 : memref<1x128xi32, #tpu.memory_space<vmem>> -> memref<128xi32, #tpu.memory_space<vmem>>
    %dma_start3A_18 = tpu.memref_slice %arg4[%mul3A_4] : memref<327680xi32, #tpu.memory_space<hbm>> -> memref<128xi32, #tpu.memory_space<hbm>>
    %dma_start3A_19 = arith.constant 0 : i32
    %dma_start3A_20 = tpu.memref_slice %arg9[%dma_start3A_14, %dma_start3A_19] : memref<2x128xi32, #tpu.memory_space<vmem>> -> memref<1x128xi32, #tpu.memory_space<vmem>>
    %dma_start3A_21 = tpu.memref_squeeze %dma_start3A_20 : memref<1x128xi32, #tpu.memory_space<vmem>> -> memref<128xi32, #tpu.memory_space<vmem>>
    %dma_start3A_22 = tpu.memref_slice %arg4[%mul3A_4] : memref<327680xi32, #tpu.memory_space<hbm>> -> memref<128xi32, #tpu.memory_space<hbm>>
    tpu.enqueue_dma source(%dma_start3A_22 : memref<128xi32, #tpu.memory_space<hbm>>) target(%dma_start3A_21 : memref<128xi32, #tpu.memory_space<vmem>>) target_semaphore(%arg13 : memref<!tpu.dma_semaphore, #tpu.memory_space<semaphore_mem>>)
    %scan3A = arith.constant 0 : i32
    %scan3A_23 = arith.constant 0 : i32
    %scan3A_24 = arith.constant 40 : i32
    %scan3A_25 = arith.addi %scan3A_23, %scan3A_24 : i32
    %scan3A_26 = arith.constant 1 : i32
    %scan3A_27 = scf.for %scan3A_36 = %scan3A_23 to %scan3A_25 step %scan3A_26 iter_args(%scan3A_37 = %scan3A) -> (i32)  : i32 {
      %mul3A_38 = arith.constant 2 : i32
      %mul3A_39 = arith.muli %scan3A_36, %mul3A_38 : i32
      %add3A_40 = arith.constant 0 : i32
      %add3A_41 = arith.addi %mul3A_39, %add3A_40 : i32
      %add3A_42 = arith.constant 1 : i32
      %add3A_43 = arith.addi %add3A_41, %add3A_42 : i32
      %lt3A_44 = arith.constant 80 : i32
      %lt3A_45 = arith.cmpi slt, %add3A_43, %lt3A_44 : i32
      %convert_element_type3A_46 = arith.extui %lt3A_45 : i1 to i32
      %cond3A_47 = arith.constant 0 : i32
      %cond3A_48 = arith.cmpi ne, %convert_element_type3A_46, %cond3A_47 : i32
      scf.if %cond3A_48 {
        %mul3A_115 = arith.constant 128 : i32
        %mul3A_116 = arith.muli %add3A_43, %mul3A_115 : i32
        %dma_start3A_117 = arith.constant 1 : i32
        %dma_start3A_118 = arith.constant 0 : i32
        %dma_start3A_119 = arith.constant 0 : i32
        %dma_start3A_120 = tpu.memref_slice %arg10[%dma_start3A_117, %dma_start3A_118, %dma_start3A_119] : memref<2x128x128xf32, #tpu.memory_space<vmem>> -> memref<1x128x128xf32, #tpu.memory_space<vmem>>
        %dma_start3A_121 = tpu.memref_squeeze %dma_start3A_120 : memref<1x128x128xf32, #tpu.memory_space<vmem>> -> memref<128x128xf32, #tpu.memory_space<vmem>>
        %dma_start3A_122 = tpu.memref_slice %arg8[%mul3A_116] : memref<10240xi32, #tpu.memory_space<vmem>> -> memref<128xi32, #tpu.memory_space<vmem>>
        %dma_start3A_123 = arith.constant 0 : i32
        %dma_start3A_124 = arith.constant 0 : i32
        %dma_start3A_125 = tpu.memref_slice %arg2[%dma_start3A_123, %dma_start3A_124] : memref<10000x128xf32, #tpu.memory_space<hbm>> -> memref<10000x128xf32, #tpu.memory_space<hbm>>
        tpu.enqueue_indirect_dma source(%dma_start3A_125 : memref<10000x128xf32, #tpu.memory_space<hbm>>) target(%dma_start3A_121 : memref<128x128xf32, #tpu.memory_space<vmem>>) offsets(%dma_start3A_122 : memref<128xi32, #tpu.memory_space<vmem>>) semaphore(%arg12 : memref<!tpu.dma_semaphore, #tpu.memory_space<semaphore_mem>>)
        %mul3A_126 = arith.constant 128 : i32
        %mul3A_127 = arith.muli %add3A_43, %mul3A_126 : i32
        %add3A_128 = arith.addi %mul3A_4, %mul3A_127 : i32
        %dma_start3A_129 = arith.constant 1 : i32
        %dma_start3A_130 = arith.constant 0 : i32
        %dma_start3A_131 = tpu.memref_slice %arg9[%dma_start3A_129, %dma_start3A_130] : memref<2x128xi32, #tpu.memory_space<vmem>> -> memref<1x128xi32, #tpu.memory_space<vmem>>
        %dma_start3A_132 = tpu.memref_squeeze %dma_start3A_131 : memref<1x128xi32, #tpu.memory_space<vmem>> -> memref<128xi32, #tpu.memory_space<vmem>>
        %dma_start3A_133 = tpu.memref_slice %arg4[%add3A_128] : memref<327680xi32, #tpu.memory_space<hbm>> -> memref<128xi32, #tpu.memory_space<hbm>>
        %dma_start3A_134 = arith.constant 0 : i32
        %dma_start3A_135 = tpu.memref_slice %arg9[%dma_start3A_129, %dma_start3A_134] : memref<2x128xi32, #tpu.memory_space<vmem>> -> memref<1x128xi32, #tpu.memory_space<vmem>>
        %dma_start3A_136 = tpu.memref_squeeze %dma_start3A_135 : memref<1x128xi32, #tpu.memory_space<vmem>> -> memref<128xi32, #tpu.memory_space<vmem>>
        %dma_start3A_137 = tpu.memref_slice %arg4[%add3A_128] : memref<327680xi32, #tpu.memory_space<hbm>> -> memref<128xi32, #tpu.memory_space<hbm>>
        tpu.enqueue_dma source(%dma_start3A_137 : memref<128xi32, #tpu.memory_space<hbm>>) target(%dma_start3A_136 : memref<128xi32, #tpu.memory_space<vmem>>) target_semaphore(%arg14 : memref<!tpu.dma_semaphore, #tpu.memory_space<semaphore_mem>>)
      } else {
      }
      %dma_wait3A = arith.constant 0 : i32
      %dma_wait3A_49 = arith.constant 0 : i32
      %dma_wait3A_50 = tpu.memref_slice %arg9[%dma_wait3A, %dma_wait3A_49] : memref<2x128xi32, #tpu.memory_space<vmem>> -> memref<1x128xi32, #tpu.memory_space<vmem>>
      %dma_wait3A_51 = tpu.memref_squeeze %dma_wait3A_50 : memref<1x128xi32, #tpu.memory_space<vmem>> -> memref<128xi32, #tpu.memory_space<vmem>>
      %dma_wait3A_52 = arith.constant 0 : i32
      %dma_wait3A_53 = tpu.memref_slice %arg4[%dma_wait3A_52] : memref<327680xi32, #tpu.memory_space<hbm>> -> memref<128xi32, #tpu.memory_space<hbm>>
      %dma_wait3A_54 = arith.constant 0 : i32
      %dma_wait3A_55 = tpu.memref_slice %arg9[%dma_wait3A, %dma_wait3A_54] : memref<2x128xi32, #tpu.memory_space<vmem>> -> memref<1x128xi32, #tpu.memory_space<vmem>>
      %dma_wait3A_56 = tpu.memref_squeeze %dma_wait3A_55 : memref<1x128xi32, #tpu.memory_space<vmem>> -> memref<128xi32, #tpu.memory_space<vmem>>
      %dma_wait3A_57 = arith.constant 0 : i32
      %dma_wait3A_58 = tpu.memref_slice %arg4[%dma_wait3A_57] : memref<327680xi32, #tpu.memory_space<hbm>> -> memref<128xi32, #tpu.memory_space<hbm>>
      tpu.wait_dma2 semaphore(%arg13 : memref<!tpu.dma_semaphore, #tpu.memory_space<semaphore_mem>>) src(%dma_wait3A_58 : memref<128xi32, #tpu.memory_space<hbm>>) dst(%dma_wait3A_56 : memref<128xi32, #tpu.memory_space<vmem>>)
      %dma_wait3A_59 = arith.constant 0 : i32
      %dma_wait3A_60 = arith.constant 0 : i32
      %dma_wait3A_61 = arith.constant 0 : i32
      %dma_wait3A_62 = tpu.memref_slice %arg10[%dma_wait3A_59, %dma_wait3A_60, %dma_wait3A_61] : memref<2x128x128xf32, #tpu.memory_space<vmem>> -> memref<1x128x128xf32, #tpu.memory_space<vmem>>
      %dma_wait3A_63 = tpu.memref_squeeze %dma_wait3A_62 : memref<1x128x128xf32, #tpu.memory_space<vmem>> -> memref<128x128xf32, #tpu.memory_space<vmem>>
      %dma_wait3A_64 = arith.constant 0 : i32
      %dma_wait3A_65 = arith.constant 0 : i32
      %dma_wait3A_66 = tpu.memref_slice %arg2[%dma_wait3A_64, %dma_wait3A_65] : memref<10000x128xf32, #tpu.memory_space<hbm>> -> memref<128x128xf32, #tpu.memory_space<hbm>>
      %dma_wait3A_67 = arith.constant 0 : i32
      %dma_wait3A_68 = arith.constant 0 : i32
      %dma_wait3A_69 = tpu.memref_slice %arg10[%dma_wait3A_59, %dma_wait3A_67, %dma_wait3A_68] : memref<2x128x128xf32, #tpu.memory_space<vmem>> -> memref<1x128x128xf32, #tpu.memory_space<vmem>>
      %dma_wait3A_70 = tpu.memref_squeeze %dma_wait3A_69 : memref<1x128x128xf32, #tpu.memory_space<vmem>> -> memref<128x128xf32, #tpu.memory_space<vmem>>
      %dma_wait3A_71 = arith.constant 0 : i32
      %dma_wait3A_72 = arith.constant 0 : i32
      %dma_wait3A_73 = tpu.memref_slice %arg2[%dma_wait3A_71, %dma_wait3A_72] : memref<10000x128xf32, #tpu.memory_space<hbm>> -> memref<128x128xf32, #tpu.memory_space<hbm>>
      tpu.wait_dma2 semaphore(%arg11 : memref<!tpu.dma_semaphore, #tpu.memory_space<semaphore_mem>>) src(%dma_wait3A_73 : memref<128x128xf32, #tpu.memory_space<hbm>>) dst(%dma_wait3A_70 : memref<128x128xf32, #tpu.memory_space<vmem>>)
      %run_scoped3A = arith.constant 0 : i32
      %run_scoped3A_74 = arith.constant 0 : i32
      "tpu.region"() ({
        %run_scoped3A_115 = tpu.sem_alloc : memref<!tpu.dma_semaphore, #tpu.memory_space<semaphore_mem>>
        %dma_start3A_116 = arith.constant 0 : i32
        %dma_start3A_117 = arith.constant 0 : i32
        %dma_start3A_118 = tpu.memref_slice %arg10[%run_scoped3A, %dma_start3A_116, %dma_start3A_117] : memref<2x128x128xf32, #tpu.memory_space<vmem>> -> memref<1x128x128xf32, #tpu.memory_space<vmem>>
        %dma_start3A_119 = tpu.memref_squeeze %dma_start3A_118 : memref<1x128x128xf32, #tpu.memory_space<vmem>> -> memref<128x128xf32, #tpu.memory_space<vmem>>
        %dma_start3A_120 = arith.constant 0 : i32
        %dma_start3A_121 = tpu.memref_slice %arg9[%run_scoped3A_74, %dma_start3A_120] : memref<2x128xi32, #tpu.memory_space<vmem>> -> memref<1x128xi32, #tpu.memory_space<vmem>>
        %dma_start3A_122 = tpu.memref_squeeze %dma_start3A_121 : memref<1x128xi32, #tpu.memory_space<vmem>> -> memref<128xi32, #tpu.memory_space<vmem>>
        %dma_start3A_123 = arith.constant 0 : i32
        %dma_start3A_124 = arith.constant 0 : i32
        %dma_start3A_125 = tpu.memref_slice %arg7[%dma_start3A_123, %dma_start3A_124] : memref<10240x128xf32, #tpu.memory_space<vmem_shared>> -> memref<10240x128xf32, #tpu.memory_space<vmem_shared>>
        tpu.enqueue_indirect_dma source(%dma_start3A_119 : memref<128x128xf32, #tpu.memory_space<vmem>>) target(%dma_start3A_125 : memref<10240x128xf32, #tpu.memory_space<vmem_shared>>) offsets(%dma_start3A_122 : memref<128xi32, #tpu.memory_space<vmem>>) semaphore(%run_scoped3A_115 : memref<!tpu.dma_semaphore, #tpu.memory_space<semaphore_mem>>) {add = true}
        %dma_wait3A_126 = arith.constant 0 : i32
        %dma_wait3A_127 = arith.constant 0 : i32
        %dma_wait3A_128 = tpu.memref_slice %arg10[%run_scoped3A, %dma_wait3A_126, %dma_wait3A_127] : memref<2x128x128xf32, #tpu.memory_space<vmem>> -> memref<1x128x128xf32, #tpu.memory_space<vmem>>
        %dma_wait3A_129 = tpu.memref_squeeze %dma_wait3A_128 : memref<1x128x128xf32, #tpu.memory_space<vmem>> -> memref<128x128xf32, #tpu.memory_space<vmem>>
        %dma_wait3A_130 = arith.constant 0 : i32
        %dma_wait3A_131 = tpu.memref_slice %arg9[%run_scoped3A_74, %dma_wait3A_130] : memref<2x128xi32, #tpu.memory_space<vmem>> -> memref<1x128xi32, #tpu.memory_space<vmem>>
        %dma_wait3A_132 = tpu.memref_squeeze %dma_wait3A_131 : memref<1x128xi32, #tpu.memory_space<vmem>> -> memref<128xi32, #tpu.memory_space<vmem>>
        %dma_wait3A_133 = arith.constant 0 : i32
        %dma_wait3A_134 = arith.constant 0 : i32
        %dma_wait3A_135 = tpu.memref_slice %arg7[%dma_wait3A_133, %dma_wait3A_134] : memref<10240x128xf32, #tpu.memory_space<vmem_shared>> -> memref<10240x128xf32, #tpu.memory_space<vmem_shared>>
        tpu.wait_indirect_dma semaphore(%run_scoped3A_115 : memref<!tpu.dma_semaphore, #tpu.memory_space<semaphore_mem>>) src(%dma_wait3A_129 : memref<128x128xf32, #tpu.memory_space<vmem>>) dst(%dma_wait3A_135 : memref<10240x128xf32, #tpu.memory_space<vmem_shared>>)
        tpu.yield
      }) : () -> ()
      %mul3A_75 = arith.constant 2 : i32
      %mul3A_76 = arith.muli %scan3A_36, %mul3A_75 : i32
      %add3A_77 = arith.constant 1 : i32
      %add3A_78 = arith.addi %mul3A_76, %add3A_77 : i32
      %add3A_79 = arith.constant 1 : i32
      %add3A_80 = arith.addi %add3A_78, %add3A_79 : i32
      %lt3A_81 = arith.constant 80 : i32
      %lt3A_82 = arith.cmpi slt, %add3A_80, %lt3A_81 : i32
      %convert_element_type3A_83 = arith.extui %lt3A_82 : i1 to i32
      %cond3A_84 = arith.constant 0 : i32
      %cond3A_85 = arith.cmpi ne, %convert_element_type3A_83, %cond3A_84 : i32
      scf.if %cond3A_85 {
        %mul3A_115 = arith.constant 128 : i32
        %mul3A_116 = arith.muli %add3A_80, %mul3A_115 : i32
        %dma_start3A_117 = arith.constant 0 : i32
        %dma_start3A_118 = arith.constant 0 : i32
        %dma_start3A_119 = arith.constant 0 : i32
        %dma_start3A_120 = tpu.memref_slice %arg10[%dma_start3A_117, %dma_start3A_118, %dma_start3A_119] : memref<2x128x128xf32, #tpu.memory_space<vmem>> -> memref<1x128x128xf32, #tpu.memory_space<vmem>>
        %dma_start3A_121 = tpu.memref_squeeze %dma_start3A_120 : memref<1x128x128xf32, #tpu.memory_space<vmem>> -> memref<128x128xf32, #tpu.memory_space<vmem>>
        %dma_start3A_122 = tpu.memref_slice %arg8[%mul3A_116] : memref<10240xi32, #tpu.memory_space<vmem>> -> memref<128xi32, #tpu.memory_space<vmem>>
        %dma_start3A_123 = arith.constant 0 : i32
        %dma_start3A_124 = arith.constant 0 : i32
        %dma_start3A_125 = tpu.memref_slice %arg2[%dma_start3A_123, %dma_start3A_124] : memref<10000x128xf32, #tpu.memory_space<hbm>> -> memref<10000x128xf32, #tpu.memory_space<hbm>>
        tpu.enqueue_indirect_dma source(%dma_start3A_125 : memref<10000x128xf32, #tpu.memory_space<hbm>>) target(%dma_start3A_121 : memref<128x128xf32, #tpu.memory_space<vmem>>) offsets(%dma_start3A_122 : memref<128xi32, #tpu.memory_space<vmem>>) semaphore(%arg11 : memref<!tpu.dma_semaphore, #tpu.memory_space<semaphore_mem>>)
        %mul3A_126 = arith.constant 128 : i32
        %mul3A_127 = arith.muli %add3A_80, %mul3A_126 : i32
        %add3A_128 = arith.addi %mul3A_4, %mul3A_127 : i32
        %dma_start3A_129 = arith.constant 0 : i32
        %dma_start3A_130 = arith.constant 0 : i32
        %dma_start3A_131 = tpu.memref_slice %arg9[%dma_start3A_129, %dma_start3A_130] : memref<2x128xi32, #tpu.memory_space<vmem>> -> memref<1x128xi32, #tpu.memory_space<vmem>>
        %dma_start3A_132 = tpu.memref_squeeze %dma_start3A_131 : memref<1x128xi32, #tpu.memory_space<vmem>> -> memref<128xi32, #tpu.memory_space<vmem>>
        %dma_start3A_133 = tpu.memref_slice %arg4[%add3A_128] : memref<327680xi32, #tpu.memory_space<hbm>> -> memref<128xi32, #tpu.memory_space<hbm>>
        %dma_start3A_134 = arith.constant 0 : i32
        %dma_start3A_135 = tpu.memref_slice %arg9[%dma_start3A_129, %dma_start3A_134] : memref<2x128xi32, #tpu.memory_space<vmem>> -> memref<1x128xi32, #tpu.memory_space<vmem>>
        %dma_start3A_136 = tpu.memref_squeeze %dma_start3A_135 : memref<1x128xi32, #tpu.memory_space<vmem>> -> memref<128xi32, #tpu.memory_space<vmem>>
        %dma_start3A_137 = tpu.memref_slice %arg4[%add3A_128] : memref<327680xi32, #tpu.memory_space<hbm>> -> memref<128xi32, #tpu.memory_space<hbm>>
        tpu.enqueue_dma source(%dma_start3A_137 : memref<128xi32, #tpu.memory_space<hbm>>) target(%dma_start3A_136 : memref<128xi32, #tpu.memory_space<vmem>>) target_semaphore(%arg13 : memref<!tpu.dma_semaphore, #tpu.memory_space<semaphore_mem>>)
      } else {
      }
      %dma_wait3A_86 = arith.constant 1 : i32
      %dma_wait3A_87 = arith.constant 0 : i32
      %dma_wait3A_88 = tpu.memref_slice %arg9[%dma_wait3A_86, %dma_wait3A_87] : memref<2x128xi32, #tpu.memory_space<vmem>> -> memref<1x128xi32, #tpu.memory_space<vmem>>
      %dma_wait3A_89 = tpu.memref_squeeze %dma_wait3A_88 : memref<1x128xi32, #tpu.memory_space<vmem>> -> memref<128xi32, #tpu.memory_space<vmem>>
      %dma_wait3A_90 = arith.constant 0 : i32
      %dma_wait3A_91 = tpu.memref_slice %arg4[%dma_wait3A_90] : memref<327680xi32, #tpu.memory_space<hbm>> -> memref<128xi32, #tpu.memory_space<hbm>>
      %dma_wait3A_92 = arith.constant 0 : i32
      %dma_wait3A_93 = tpu.memref_slice %arg9[%dma_wait3A_86, %dma_wait3A_92] : memref<2x128xi32, #tpu.memory_space<vmem>> -> memref<1x128xi32, #tpu.memory_space<vmem>>
      %dma_wait3A_94 = tpu.memref_squeeze %dma_wait3A_93 : memref<1x128xi32, #tpu.memory_space<vmem>> -> memref<128xi32, #tpu.memory_space<vmem>>
      %dma_wait3A_95 = arith.constant 0 : i32
      %dma_wait3A_96 = tpu.memref_slice %arg4[%dma_wait3A_95] : memref<327680xi32, #tpu.memory_space<hbm>> -> memref<128xi32, #tpu.memory_space<hbm>>
      tpu.wait_dma2 semaphore(%arg14 : memref<!tpu.dma_semaphore, #tpu.memory_space<semaphore_mem>>) src(%dma_wait3A_96 : memref<128xi32, #tpu.memory_space<hbm>>) dst(%dma_wait3A_94 : memref<128xi32, #tpu.memory_space<vmem>>)
      %dma_wait3A_97 = arith.constant 1 : i32
      %dma_wait3A_98 = arith.constant 0 : i32
      %dma_wait3A_99 = arith.constant 0 : i32
      %dma_wait3A_100 = tpu.memref_slice %arg10[%dma_wait3A_97, %dma_wait3A_98, %dma_wait3A_99] : memref<2x128x128xf32, #tpu.memory_space<vmem>> -> memref<1x128x128xf32, #tpu.memory_space<vmem>>
      %dma_wait3A_101 = tpu.memref_squeeze %dma_wait3A_100 : memref<1x128x128xf32, #tpu.memory_space<vmem>> -> memref<128x128xf32, #tpu.memory_space<vmem>>
      %dma_wait3A_102 = arith.constant 0 : i32
      %dma_wait3A_103 = arith.constant 0 : i32
      %dma_wait3A_104 = tpu.memref_slice %arg2[%dma_wait3A_102, %dma_wait3A_103] : memref<10000x128xf32, #tpu.memory_space<hbm>> -> memref<128x128xf32, #tpu.memory_space<hbm>>
      %dma_wait3A_105 = arith.constant 0 : i32
      %dma_wait3A_106 = arith.constant 0 : i32
      %dma_wait3A_107 = tpu.memref_slice %arg10[%dma_wait3A_97, %dma_wait3A_105, %dma_wait3A_106] : memref<2x128x128xf32, #tpu.memory_space<vmem>> -> memref<1x128x128xf32, #tpu.memory_space<vmem>>
      %dma_wait3A_108 = tpu.memref_squeeze %dma_wait3A_107 : memref<1x128x128xf32, #tpu.memory_space<vmem>> -> memref<128x128xf32, #tpu.memory_space<vmem>>
      %dma_wait3A_109 = arith.constant 0 : i32
      %dma_wait3A_110 = arith.constant 0 : i32
      %dma_wait3A_111 = tpu.memref_slice %arg2[%dma_wait3A_109, %dma_wait3A_110] : memref<10000x128xf32, #tpu.memory_space<hbm>> -> memref<128x128xf32, #tpu.memory_space<hbm>>
      tpu.wait_dma2 semaphore(%arg12 : memref<!tpu.dma_semaphore, #tpu.memory_space<semaphore_mem>>) src(%dma_wait3A_111 : memref<128x128xf32, #tpu.memory_space<hbm>>) dst(%dma_wait3A_108 : memref<128x128xf32, #tpu.memory_space<vmem>>)
      %run_scoped3A_112 = arith.constant 1 : i32
      %run_scoped3A_113 = arith.constant 1 : i32
      "tpu.region"() ({
        %run_scoped3A_115 = tpu.sem_alloc : memref<!tpu.dma_semaphore, #tpu.memory_space<semaphore_mem>>
        %dma_start3A_116 = arith.constant 0 : i32
        %dma_start3A_117 = arith.constant 0 : i32
        %dma_start3A_118 = tpu.memref_slice %arg10[%run_scoped3A_112, %dma_start3A_116, %dma_start3A_117] : memref<2x128x128xf32, #tpu.memory_space<vmem>> -> memref<1x128x128xf32, #tpu.memory_space<vmem>>
        %dma_start3A_119 = tpu.memref_squeeze %dma_start3A_118 : memref<1x128x128xf32, #tpu.memory_space<vmem>> -> memref<128x128xf32, #tpu.memory_space<vmem>>
        %dma_start3A_120 = arith.constant 0 : i32
        %dma_start3A_121 = tpu.memref_slice %arg9[%run_scoped3A_113, %dma_start3A_120] : memref<2x128xi32, #tpu.memory_space<vmem>> -> memref<1x128xi32, #tpu.memory_space<vmem>>
        %dma_start3A_122 = tpu.memref_squeeze %dma_start3A_121 : memref<1x128xi32, #tpu.memory_space<vmem>> -> memref<128xi32, #tpu.memory_space<vmem>>
        %dma_start3A_123 = arith.constant 0 : i32
        %dma_start3A_124 = arith.constant 0 : i32
        %dma_start3A_125 = tpu.memref_slice %arg7[%dma_start3A_123, %dma_start3A_124] : memref<10240x128xf32, #tpu.memory_space<vmem_shared>> -> memref<10240x128xf32, #tpu.memory_space<vmem_shared>>
        tpu.enqueue_indirect_dma source(%dma_start3A_119 : memref<128x128xf32, #tpu.memory_space<vmem>>) target(%dma_start3A_125 : memref<10240x128xf32, #tpu.memory_space<vmem_shared>>) offsets(%dma_start3A_122 : memref<128xi32, #tpu.memory_space<vmem>>) semaphore(%run_scoped3A_115 : memref<!tpu.dma_semaphore, #tpu.memory_space<semaphore_mem>>) {add = true}
        %dma_wait3A_126 = arith.constant 0 : i32
        %dma_wait3A_127 = arith.constant 0 : i32
        %dma_wait3A_128 = tpu.memref_slice %arg10[%run_scoped3A_112, %dma_wait3A_126, %dma_wait3A_127] : memref<2x128x128xf32, #tpu.memory_space<vmem>> -> memref<1x128x128xf32, #tpu.memory_space<vmem>>
        %dma_wait3A_129 = tpu.memref_squeeze %dma_wait3A_128 : memref<1x128x128xf32, #tpu.memory_space<vmem>> -> memref<128x128xf32, #tpu.memory_space<vmem>>
        %dma_wait3A_130 = arith.constant 0 : i32
        %dma_wait3A_131 = tpu.memref_slice %arg9[%run_scoped3A_113, %dma_wait3A_130] : memref<2x128xi32, #tpu.memory_space<vmem>> -> memref<1x128xi32, #tpu.memory_space<vmem>>
        %dma_wait3A_132 = tpu.memref_squeeze %dma_wait3A_131 : memref<1x128xi32, #tpu.memory_space<vmem>> -> memref<128xi32, #tpu.memory_space<vmem>>
        %dma_wait3A_133 = arith.constant 0 : i32
        %dma_wait3A_134 = arith.constant 0 : i32
        %dma_wait3A_135 = tpu.memref_slice %arg7[%dma_wait3A_133, %dma_wait3A_134] : memref<10240x128xf32, #tpu.memory_space<vmem_shared>> -> memref<10240x128xf32, #tpu.memory_space<vmem_shared>>
        tpu.wait_indirect_dma semaphore(%run_scoped3A_115 : memref<!tpu.dma_semaphore, #tpu.memory_space<semaphore_mem>>) src(%dma_wait3A_129 : memref<128x128xf32, #tpu.memory_space<vmem>>) dst(%dma_wait3A_135 : memref<10240x128xf32, #tpu.memory_space<vmem_shared>>)
        tpu.yield
      }) : () -> ()
      %scan3A_114 = arith.constant 0 : i32
      scf.yield %scan3A_114 : i32
    }
    %scan3A_28 = arith.constant 40 : i32
    %barrier3A_29 = arith.constant 0 : index
    tpu.barrier barrier_id(%barrier3A_29)
    %lt3A = arith.constant 15 : i32
    %lt3A_30 = arith.cmpi slt, %arg1, %lt3A : i32
    %convert_element_type3A = arith.extui %lt3A_30 : i1 to i32
    %cond3A = arith.constant 0 : i32
    %cond3A_31 = arith.cmpi ne, %convert_element_type3A, %cond3A : i32
    scf.if %cond3A_31 {
      %mul3A_36 = arith.constant 632 : i32
      %mul3A_37 = arith.muli %arg1, %mul3A_36 : i32
      %mul3A_38 = arith.constant 10000 : i32
      %mul3A_39 = arith.muli %arg0, %mul3A_38 : i32
      %mul3A_40 = arith.constant 632 : i32
      %mul3A_41 = arith.muli %arg1, %mul3A_40 : i32
      %add3A_42 = arith.addi %mul3A_39, %mul3A_41 : i32
      "tpu.region"() ({
        %run_scoped3A = tpu.sem_alloc : memref<!tpu.dma_semaphore, #tpu.memory_space<semaphore_mem>>
        %dma_start3A_43 = arith.constant 0 : i32
        %dma_start3A_44 = tpu.memref_slice %arg6[%add3A_42, %dma_start3A_43] : memref<20000x128xf32, #tpu.memory_space<hbm>> -> memref<632x128xf32, #tpu.memory_space<hbm>>
        %dma_start3A_45 = arith.constant 0 : i32
        %dma_start3A_46 = tpu.memref_slice %arg7[%mul3A_37, %dma_start3A_45] : memref<10240x128xf32, #tpu.memory_space<vmem_shared>> -> memref<632x128xf32, #tpu.memory_space<vmem_shared>>
        tpu.enqueue_dma source(%dma_start3A_46 : memref<632x128xf32, #tpu.memory_space<vmem_shared>>) target(%dma_start3A_44 : memref<632x128xf32, #tpu.memory_space<hbm>>) target_semaphore(%run_scoped3A : memref<!tpu.dma_semaphore, #tpu.memory_space<semaphore_mem>>)
        %dma_wait3A = arith.constant 0 : i32
        %dma_wait3A_47 = tpu.memref_slice %arg6[%add3A_42, %dma_wait3A] : memref<20000x128xf32, #tpu.memory_space<hbm>> -> memref<632x128xf32, #tpu.memory_space<hbm>>
        %dma_wait3A_48 = arith.constant 0 : i32
        %dma_wait3A_49 = tpu.memref_slice %arg7[%mul3A_37, %dma_wait3A_48] : memref<10240x128xf32, #tpu.memory_space<vmem_shared>> -> memref<632x128xf32, #tpu.memory_space<vmem_shared>>
        tpu.wait_dma2 semaphore(%run_scoped3A : memref<!tpu.dma_semaphore, #tpu.memory_space<semaphore_mem>>) src(%dma_wait3A_49 : memref<632x128xf32, #tpu.memory_space<vmem_shared>>) dst(%dma_wait3A_47 : memref<632x128xf32, #tpu.memory_space<hbm>>)
        tpu.yield
      }) : () -> ()
    } else {
    }
    %eq3A = arith.constant 15 : i32
    %eq3A_32 = arith.cmpi eq, %arg1, %eq3A : i32
    %convert_element_type3A_33 = arith.extui %eq3A_32 : i1 to i32
    %cond3A_34 = arith.constant 0 : i32
    %cond3A_35 = arith.cmpi ne, %convert_element_type3A_33, %cond3A_34 : i32
    scf.if %cond3A_35 {
      %mul3A_36 = arith.constant 10000 : i32
      %mul3A_37 = arith.muli %arg0, %mul3A_36 : i32
      %add3A_38 = arith.constant 9480 : i32
      %add3A_39 = arith.addi %mul3A_37, %add3A_38 : i32
      "tpu.region"() ({
        %run_scoped3A = tpu.sem_alloc : memref<!tpu.dma_semaphore, #tpu.memory_space<semaphore_mem>>
        %dma_start3A_40 = arith.constant 0 : i32
        %dma_start3A_41 = tpu.memref_slice %arg6[%add3A_39, %dma_start3A_40] : memref<20000x128xf32, #tpu.memory_space<hbm>> -> memref<520x128xf32, #tpu.memory_space<hbm>>
        %dma_start3A_42 = arith.constant 9480 : i32
        %dma_start3A_43 = arith.constant 0 : i32
        %dma_start3A_44 = tpu.memref_slice %arg7[%dma_start3A_42, %dma_start3A_43] : memref<10240x128xf32, #tpu.memory_space<vmem_shared>> -> memref<520x128xf32, #tpu.memory_space<vmem_shared>>
        tpu.enqueue_dma source(%dma_start3A_44 : memref<520x128xf32, #tpu.memory_space<vmem_shared>>) target(%dma_start3A_41 : memref<520x128xf32, #tpu.memory_space<hbm>>) target_semaphore(%run_scoped3A : memref<!tpu.dma_semaphore, #tpu.memory_space<semaphore_mem>>)
        %dma_wait3A = arith.constant 0 : i32
        %dma_wait3A_45 = tpu.memref_slice %arg6[%add3A_39, %dma_wait3A] : memref<20000x128xf32, #tpu.memory_space<hbm>> -> memref<520x128xf32, #tpu.memory_space<hbm>>
        %dma_wait3A_46 = arith.constant 9480 : i32
        %dma_wait3A_47 = arith.constant 0 : i32
        %dma_wait3A_48 = tpu.memref_slice %arg7[%dma_wait3A_46, %dma_wait3A_47] : memref<10240x128xf32, #tpu.memory_space<vmem_shared>> -> memref<520x128xf32, #tpu.memory_space<vmem_shared>>
        tpu.wait_dma2 semaphore(%run_scoped3A : memref<!tpu.dma_semaphore, #tpu.memory_space<semaphore_mem>>) src(%dma_wait3A_48 : memref<520x128xf32, #tpu.memory_space<vmem_shared>>) dst(%dma_wait3A_45 : memref<520x128xf32, #tpu.memory_space<hbm>>)
        tpu.yield
      }) : () -> ()
    } else {
    }
    return
  }
}

#map = affine_map<(d0, d1) -> (0, 0)>
#map1 = affine_map<(d0, d1) -> (0)>
module attributes {stable_mosaic.version = 14 : i64} {
  func.func @_sc_segsum_body(%arg0: i32, %arg1: i32, %arg2: memref<10000x128xf32, #tpu.memory_space<hbm>>, %arg3: memref<327680xi32, #tpu.memory_space<hbm>>, %arg4: memref<327680xi32, #tpu.memory_space<hbm>>, %arg5: memref<640x128xf32, #tpu.memory_space<hbm>>, %arg6: memref<20000x128xf32, #tpu.memory_space<hbm>>, %arg7: memref<10240x128xf32, #tpu.memory_space<vmem_shared>>, %arg8: memref<10240xi32, #tpu.memory_space<vmem>>, %arg9: memref<2x128xi32, #tpu.memory_space<vmem>>, %arg10: memref<2x128x128xf32, #tpu.memory_space<vmem>>, %arg11: memref<!tpu.dma_semaphore, #tpu.memory_space<semaphore_mem>>, %arg12: memref<!tpu.dma_semaphore, #tpu.memory_space<semaphore_mem>>, %arg13: memref<!tpu.dma_semaphore, #tpu.memory_space<semaphore_mem>>, %arg14: memref<!tpu.dma_semaphore, #tpu.memory_space<semaphore_mem>>) attributes {dimension_semantics = [#tpu.dimension_semantics<core_parallel>, #tpu.dimension_semantics<subcore_parallel>], iteration_bounds = array<i64: 2, 16>, scalar_prefetch = 0 : i64, scratch_operands = 8 : i64, tpu.core_type = #tpu.core_type<sc_vector_subcore>, window_params = [{transform_indices = #map}, {transform_indices = #map1}, {transform_indices = #map1}, {transform_indices = #map}, {transform_indices = #map}]} {
    %mul3A = arith.constant 640 : i32
    %mul3A_0 = arith.muli %arg1, %mul3A : i32
    "tpu.region"() ({
      %run_scoped3A = tpu.sem_alloc : memref<!tpu.dma_semaphore, #tpu.memory_space<semaphore_mem>>
      %dma_start3A_36 = arith.constant 0 : i32
      %dma_start3A_37 = tpu.memref_slice %arg7[%mul3A_0, %dma_start3A_36] : memref<10240x128xf32, #tpu.memory_space<vmem_shared>> -> memref<640x128xf32, #tpu.memory_space<vmem_shared>>
      tpu.enqueue_dma source(%arg5 : memref<640x128xf32, #tpu.memory_space<hbm>>) target(%dma_start3A_37 : memref<640x128xf32, #tpu.memory_space<vmem_shared>>) target_semaphore(%run_scoped3A : memref<!tpu.dma_semaphore, #tpu.memory_space<semaphore_mem>>)
      %dma_wait3A = arith.constant 0 : i32
      %dma_wait3A_38 = tpu.memref_slice %arg7[%mul3A_0, %dma_wait3A] : memref<10240x128xf32, #tpu.memory_space<vmem_shared>> -> memref<640x128xf32, #tpu.memory_space<vmem_shared>>
      tpu.wait_dma2 semaphore(%run_scoped3A : memref<!tpu.dma_semaphore, #tpu.memory_space<semaphore_mem>>) src(%arg5 : memref<640x128xf32, #tpu.memory_space<hbm>>) dst(%dma_wait3A_38 : memref<640x128xf32, #tpu.memory_space<vmem_shared>>)
      tpu.yield
    }) : () -> ()
    %barrier3A = arith.constant 0 : index
    tpu.barrier barrier_id(%barrier3A)
    %mul3A_1 = arith.constant 16 : i32
    %mul3A_2 = arith.muli %arg0, %mul3A_1 : i32
    %add3A = arith.addi %mul3A_2, %arg1 : i32
    %mul3A_3 = arith.constant 10240 : i32
    %mul3A_4 = arith.muli %add3A, %mul3A_3 : i32
    "tpu.region"() ({
      %run_scoped3A = tpu.sem_alloc : memref<!tpu.dma_semaphore, #tpu.memory_space<semaphore_mem>>
      %dma_start3A_36 = tpu.memref_slice %arg3[%mul3A_4] : memref<327680xi32, #tpu.memory_space<hbm>> -> memref<10240xi32, #tpu.memory_space<hbm>>
      %dma_start3A_37 = tpu.memref_slice %arg3[%mul3A_4] : memref<327680xi32, #tpu.memory_space<hbm>> -> memref<10240xi32, #tpu.memory_space<hbm>>
      tpu.enqueue_dma source(%dma_start3A_37 : memref<10240xi32, #tpu.memory_space<hbm>>) target(%arg8 : memref<10240xi32, #tpu.memory_space<vmem>>) target_semaphore(%run_scoped3A : memref<!tpu.dma_semaphore, #tpu.memory_space<semaphore_mem>>)
      %dma_wait3A = tpu.memref_slice %arg3[%mul3A_4] : memref<327680xi32, #tpu.memory_space<hbm>> -> memref<10240xi32, #tpu.memory_space<hbm>>
      %dma_wait3A_38 = tpu.memref_slice %arg3[%mul3A_4] : memref<327680xi32, #tpu.memory_space<hbm>> -> memref<10240xi32, #tpu.memory_space<hbm>>
      tpu.wait_dma2 semaphore(%run_scoped3A : memref<!tpu.dma_semaphore, #tpu.memory_space<semaphore_mem>>) src(%dma_wait3A_38 : memref<10240xi32, #tpu.memory_space<hbm>>) dst(%arg8 : memref<10240xi32, #tpu.memory_space<vmem>>)
      tpu.yield
    }) : () -> ()
    %dma_start3A = arith.constant 0 : i32
    %dma_start3A_5 = arith.constant 0 : i32
    %dma_start3A_6 = arith.constant 0 : i32
    %dma_start3A_7 = tpu.memref_slice %arg10[%dma_start3A, %dma_start3A_5, %dma_start3A_6] : memref<2x128x128xf32, #tpu.memory_space<vmem>> -> memref<1x128x128xf32, #tpu.memory_space<vmem>>
    %dma_start3A_8 = tpu.memref_squeeze %dma_start3A_7 : memref<1x128x128xf32, #tpu.memory_space<vmem>> -> memref<128x128xf32, #tpu.memory_space<vmem>>
    %dma_start3A_9 = arith.constant 0 : i32
    %dma_start3A_10 = tpu.memref_slice %arg8[%dma_start3A_9] : memref<10240xi32, #tpu.memory_space<vmem>> -> memref<128xi32, #tpu.memory_space<vmem>>
    %dma_start3A_11 = arith.constant 0 : i32
    %dma_start3A_12 = arith.constant 0 : i32
    %dma_start3A_13 = tpu.memref_slice %arg2[%dma_start3A_11, %dma_start3A_12] : memref<10000x128xf32, #tpu.memory_space<hbm>> -> memref<10000x128xf32, #tpu.memory_space<hbm>>
    tpu.enqueue_indirect_dma source(%dma_start3A_13 : memref<10000x128xf32, #tpu.memory_space<hbm>>) target(%dma_start3A_8 : memref<128x128xf32, #tpu.memory_space<vmem>>) offsets(%dma_start3A_10 : memref<128xi32, #tpu.memory_space<vmem>>) semaphore(%arg11 : memref<!tpu.dma_semaphore, #tpu.memory_space<semaphore_mem>>)
    %dma_start3A_14 = arith.constant 0 : i32
    %dma_start3A_15 = arith.constant 0 : i32
    %dma_start3A_16 = tpu.memref_slice %arg9[%dma_start3A_14, %dma_start3A_15] : memref<2x128xi32, #tpu.memory_space<vmem>> -> memref<1x128xi32, #tpu.memory_space<vmem>>
    %dma_start3A_17 = tpu.memref_squeeze %dma_start3A_16 : memref<1x128xi32, #tpu.memory_space<vmem>> -> memref<128xi32, #tpu.memory_space<vmem>>
    %dma_start3A_18 = tpu.memref_slice %arg4[%mul3A_4] : memref<327680xi32, #tpu.memory_space<hbm>> -> memref<128xi32, #tpu.memory_space<hbm>>
    %dma_start3A_19 = arith.constant 0 : i32
    %dma_start3A_20 = tpu.memref_slice %arg9[%dma_start3A_14, %dma_start3A_19] : memref<2x128xi32, #tpu.memory_space<vmem>> -> memref<1x128xi32, #tpu.memory_space<vmem>>
    %dma_start3A_21 = tpu.memref_squeeze %dma_start3A_20 : memref<1x128xi32, #tpu.memory_space<vmem>> -> memref<128xi32, #tpu.memory_space<vmem>>
    %dma_start3A_22 = tpu.memref_slice %arg4[%mul3A_4] : memref<327680xi32, #tpu.memory_space<hbm>> -> memref<128xi32, #tpu.memory_space<hbm>>
    tpu.enqueue_dma source(%dma_start3A_22 : memref<128xi32, #tpu.memory_space<hbm>>) target(%dma_start3A_21 : memref<128xi32, #tpu.memory_space<vmem>>) target_semaphore(%arg13 : memref<!tpu.dma_semaphore, #tpu.memory_space<semaphore_mem>>)
    %scan3A = arith.constant 0 : i32
    %scan3A_23 = arith.constant 0 : i32
    %scan3A_24 = arith.constant 40 : i32
    %scan3A_25 = arith.addi %scan3A_23, %scan3A_24 : i32
    %scan3A_26 = arith.constant 1 : i32
    %scan3A_27 = scf.for %scan3A_36 = %scan3A_23 to %scan3A_25 step %scan3A_26 iter_args(%scan3A_37 = %scan3A) -> (i32)  : i32 {
      %mul3A_38 = arith.constant 2 : i32
      %mul3A_39 = arith.muli %scan3A_36, %mul3A_38 : i32
      %add3A_40 = arith.constant 0 : i32
      %add3A_41 = arith.addi %mul3A_39, %add3A_40 : i32
      %add3A_42 = arith.constant 1 : i32
      %add3A_43 = arith.addi %add3A_41, %add3A_42 : i32
      %lt3A_44 = arith.constant 80 : i32
      %lt3A_45 = arith.cmpi slt, %add3A_43, %lt3A_44 : i32
      %convert_element_type3A_46 = arith.extui %lt3A_45 : i1 to i32
      %cond3A_47 = arith.constant 0 : i32
      %cond3A_48 = arith.cmpi ne, %convert_element_type3A_46, %cond3A_47 : i32
      scf.if %cond3A_48 {
        %mul3A_115 = arith.constant 128 : i32
        %mul3A_116 = arith.muli %add3A_43, %mul3A_115 : i32
        %dma_start3A_117 = arith.constant 1 : i32
        %dma_start3A_118 = arith.constant 0 : i32
        %dma_start3A_119 = arith.constant 0 : i32
        %dma_start3A_120 = tpu.memref_slice %arg10[%dma_start3A_117, %dma_start3A_118, %dma_start3A_119] : memref<2x128x128xf32, #tpu.memory_space<vmem>> -> memref<1x128x128xf32, #tpu.memory_space<vmem>>
        %dma_start3A_121 = tpu.memref_squeeze %dma_start3A_120 : memref<1x128x128xf32, #tpu.memory_space<vmem>> -> memref<128x128xf32, #tpu.memory_space<vmem>>
        %dma_start3A_122 = tpu.memref_slice %arg8[%mul3A_116] : memref<10240xi32, #tpu.memory_space<vmem>> -> memref<128xi32, #tpu.memory_space<vmem>>
        %dma_start3A_123 = arith.constant 0 : i32
        %dma_start3A_124 = arith.constant 0 : i32
        %dma_start3A_125 = tpu.memref_slice %arg2[%dma_start3A_123, %dma_start3A_124] : memref<10000x128xf32, #tpu.memory_space<hbm>> -> memref<10000x128xf32, #tpu.memory_space<hbm>>
        tpu.enqueue_indirect_dma source(%dma_start3A_125 : memref<10000x128xf32, #tpu.memory_space<hbm>>) target(%dma_start3A_121 : memref<128x128xf32, #tpu.memory_space<vmem>>) offsets(%dma_start3A_122 : memref<128xi32, #tpu.memory_space<vmem>>) semaphore(%arg12 : memref<!tpu.dma_semaphore, #tpu.memory_space<semaphore_mem>>)
        %mul3A_126 = arith.constant 128 : i32
        %mul3A_127 = arith.muli %add3A_43, %mul3A_126 : i32
        %add3A_128 = arith.addi %mul3A_4, %mul3A_127 : i32
        %dma_start3A_129 = arith.constant 1 : i32
        %dma_start3A_130 = arith.constant 0 : i32
        %dma_start3A_131 = tpu.memref_slice %arg9[%dma_start3A_129, %dma_start3A_130] : memref<2x128xi32, #tpu.memory_space<vmem>> -> memref<1x128xi32, #tpu.memory_space<vmem>>
        %dma_start3A_132 = tpu.memref_squeeze %dma_start3A_131 : memref<1x128xi32, #tpu.memory_space<vmem>> -> memref<128xi32, #tpu.memory_space<vmem>>
        %dma_start3A_133 = tpu.memref_slice %arg4[%add3A_128] : memref<327680xi32, #tpu.memory_space<hbm>> -> memref<128xi32, #tpu.memory_space<hbm>>
        %dma_start3A_134 = arith.constant 0 : i32
        %dma_start3A_135 = tpu.memref_slice %arg9[%dma_start3A_129, %dma_start3A_134] : memref<2x128xi32, #tpu.memory_space<vmem>> -> memref<1x128xi32, #tpu.memory_space<vmem>>
        %dma_start3A_136 = tpu.memref_squeeze %dma_start3A_135 : memref<1x128xi32, #tpu.memory_space<vmem>> -> memref<128xi32, #tpu.memory_space<vmem>>
        %dma_start3A_137 = tpu.memref_slice %arg4[%add3A_128] : memref<327680xi32, #tpu.memory_space<hbm>> -> memref<128xi32, #tpu.memory_space<hbm>>
        tpu.enqueue_dma source(%dma_start3A_137 : memref<128xi32, #tpu.memory_space<hbm>>) target(%dma_start3A_136 : memref<128xi32, #tpu.memory_space<vmem>>) target_semaphore(%arg14 : memref<!tpu.dma_semaphore, #tpu.memory_space<semaphore_mem>>)
      } else {
      }
      %dma_wait3A = arith.constant 0 : i32
      %dma_wait3A_49 = arith.constant 0 : i32
      %dma_wait3A_50 = tpu.memref_slice %arg9[%dma_wait3A, %dma_wait3A_49] : memref<2x128xi32, #tpu.memory_space<vmem>> -> memref<1x128xi32, #tpu.memory_space<vmem>>
      %dma_wait3A_51 = tpu.memref_squeeze %dma_wait3A_50 : memref<1x128xi32, #tpu.memory_space<vmem>> -> memref<128xi32, #tpu.memory_space<vmem>>
      %dma_wait3A_52 = arith.constant 0 : i32
      %dma_wait3A_53 = tpu.memref_slice %arg4[%dma_wait3A_52] : memref<327680xi32, #tpu.memory_space<hbm>> -> memref<128xi32, #tpu.memory_space<hbm>>
      %dma_wait3A_54 = arith.constant 0 : i32
      %dma_wait3A_55 = tpu.memref_slice %arg9[%dma_wait3A, %dma_wait3A_54] : memref<2x128xi32, #tpu.memory_space<vmem>> -> memref<1x128xi32, #tpu.memory_space<vmem>>
      %dma_wait3A_56 = tpu.memref_squeeze %dma_wait3A_55 : memref<1x128xi32, #tpu.memory_space<vmem>> -> memref<128xi32, #tpu.memory_space<vmem>>
      %dma_wait3A_57 = arith.constant 0 : i32
      %dma_wait3A_58 = tpu.memref_slice %arg4[%dma_wait3A_57] : memref<327680xi32, #tpu.memory_space<hbm>> -> memref<128xi32, #tpu.memory_space<hbm>>
      tpu.wait_dma2 semaphore(%arg13 : memref<!tpu.dma_semaphore, #tpu.memory_space<semaphore_mem>>) src(%dma_wait3A_58 : memref<128xi32, #tpu.memory_space<hbm>>) dst(%dma_wait3A_56 : memref<128xi32, #tpu.memory_space<vmem>>)
      %dma_wait3A_59 = arith.constant 0 : i32
      %dma_wait3A_60 = arith.constant 0 : i32
      %dma_wait3A_61 = arith.constant 0 : i32
      %dma_wait3A_62 = tpu.memref_slice %arg10[%dma_wait3A_59, %dma_wait3A_60, %dma_wait3A_61] : memref<2x128x128xf32, #tpu.memory_space<vmem>> -> memref<1x128x128xf32, #tpu.memory_space<vmem>>
      %dma_wait3A_63 = tpu.memref_squeeze %dma_wait3A_62 : memref<1x128x128xf32, #tpu.memory_space<vmem>> -> memref<128x128xf32, #tpu.memory_space<vmem>>
      %dma_wait3A_64 = arith.constant 0 : i32
      %dma_wait3A_65 = arith.constant 0 : i32
      %dma_wait3A_66 = tpu.memref_slice %arg2[%dma_wait3A_64, %dma_wait3A_65] : memref<10000x128xf32, #tpu.memory_space<hbm>> -> memref<128x128xf32, #tpu.memory_space<hbm>>
      %dma_wait3A_67 = arith.constant 0 : i32
      %dma_wait3A_68 = arith.constant 0 : i32
      %dma_wait3A_69 = tpu.memref_slice %arg10[%dma_wait3A_59, %dma_wait3A_67, %dma_wait3A_68] : memref<2x128x128xf32, #tpu.memory_space<vmem>> -> memref<1x128x128xf32, #tpu.memory_space<vmem>>
      %dma_wait3A_70 = tpu.memref_squeeze %dma_wait3A_69 : memref<1x128x128xf32, #tpu.memory_space<vmem>> -> memref<128x128xf32, #tpu.memory_space<vmem>>
      %dma_wait3A_71 = arith.constant 0 : i32
      %dma_wait3A_72 = arith.constant 0 : i32
      %dma_wait3A_73 = tpu.memref_slice %arg2[%dma_wait3A_71, %dma_wait3A_72] : memref<10000x128xf32, #tpu.memory_space<hbm>> -> memref<128x128xf32, #tpu.memory_space<hbm>>
      tpu.wait_dma2 semaphore(%arg11 : memref<!tpu.dma_semaphore, #tpu.memory_space<semaphore_mem>>) src(%dma_wait3A_73 : memref<128x128xf32, #tpu.memory_space<hbm>>) dst(%dma_wait3A_70 : memref<128x128xf32, #tpu.memory_space<vmem>>)
      %run_scoped3A = arith.constant 0 : i32
      %run_scoped3A_74 = arith.constant 0 : i32
      "tpu.region"() ({
        %run_scoped3A_115 = tpu.sem_alloc : memref<!tpu.dma_semaphore, #tpu.memory_space<semaphore_mem>>
        %dma_start3A_116 = arith.constant 0 : i32
        %dma_start3A_117 = arith.constant 0 : i32
        %dma_start3A_118 = tpu.memref_slice %arg10[%run_scoped3A, %dma_start3A_116, %dma_start3A_117] : memref<2x128x128xf32, #tpu.memory_space<vmem>> -> memref<1x128x128xf32, #tpu.memory_space<vmem>>
        %dma_start3A_119 = tpu.memref_squeeze %dma_start3A_118 : memref<1x128x128xf32, #tpu.memory_space<vmem>> -> memref<128x128xf32, #tpu.memory_space<vmem>>
        %dma_start3A_120 = arith.constant 0 : i32
        %dma_start3A_121 = tpu.memref_slice %arg9[%run_scoped3A_74, %dma_start3A_120] : memref<2x128xi32, #tpu.memory_space<vmem>> -> memref<1x128xi32, #tpu.memory_space<vmem>>
        %dma_start3A_122 = tpu.memref_squeeze %dma_start3A_121 : memref<1x128xi32, #tpu.memory_space<vmem>> -> memref<128xi32, #tpu.memory_space<vmem>>
        %dma_start3A_123 = arith.constant 0 : i32
        %dma_start3A_124 = arith.constant 0 : i32
        %dma_start3A_125 = tpu.memref_slice %arg7[%dma_start3A_123, %dma_start3A_124] : memref<10240x128xf32, #tpu.memory_space<vmem_shared>> -> memref<10240x128xf32, #tpu.memory_space<vmem_shared>>
        tpu.enqueue_indirect_dma source(%dma_start3A_119 : memref<128x128xf32, #tpu.memory_space<vmem>>) target(%dma_start3A_125 : memref<10240x128xf32, #tpu.memory_space<vmem_shared>>) offsets(%dma_start3A_122 : memref<128xi32, #tpu.memory_space<vmem>>) semaphore(%run_scoped3A_115 : memref<!tpu.dma_semaphore, #tpu.memory_space<semaphore_mem>>) {add = true}
        %dma_wait3A_126 = arith.constant 0 : i32
        %dma_wait3A_127 = arith.constant 0 : i32
        %dma_wait3A_128 = tpu.memref_slice %arg10[%run_scoped3A, %dma_wait3A_126, %dma_wait3A_127] : memref<2x128x128xf32, #tpu.memory_space<vmem>> -> memref<1x128x128xf32, #tpu.memory_space<vmem>>
        %dma_wait3A_129 = tpu.memref_squeeze %dma_wait3A_128 : memref<1x128x128xf32, #tpu.memory_space<vmem>> -> memref<128x128xf32, #tpu.memory_space<vmem>>
        %dma_wait3A_130 = arith.constant 0 : i32
        %dma_wait3A_131 = tpu.memref_slice %arg9[%run_scoped3A_74, %dma_wait3A_130] : memref<2x128xi32, #tpu.memory_space<vmem>> -> memref<1x128xi32, #tpu.memory_space<vmem>>
        %dma_wait3A_132 = tpu.memref_squeeze %dma_wait3A_131 : memref<1x128xi32, #tpu.memory_space<vmem>> -> memref<128xi32, #tpu.memory_space<vmem>>
        %dma_wait3A_133 = arith.constant 0 : i32
        %dma_wait3A_134 = arith.constant 0 : i32
        %dma_wait3A_135 = tpu.memref_slice %arg7[%dma_wait3A_133, %dma_wait3A_134] : memref<10240x128xf32, #tpu.memory_space<vmem_shared>> -> memref<10240x128xf32, #tpu.memory_space<vmem_shared>>
        tpu.wait_indirect_dma semaphore(%run_scoped3A_115 : memref<!tpu.dma_semaphore, #tpu.memory_space<semaphore_mem>>) src(%dma_wait3A_129 : memref<128x128xf32, #tpu.memory_space<vmem>>) dst(%dma_wait3A_135 : memref<10240x128xf32, #tpu.memory_space<vmem_shared>>)
        tpu.yield
      }) : () -> ()
      %mul3A_75 = arith.constant 2 : i32
      %mul3A_76 = arith.muli %scan3A_36, %mul3A_75 : i32
      %add3A_77 = arith.constant 1 : i32
      %add3A_78 = arith.addi %mul3A_76, %add3A_77 : i32
      %add3A_79 = arith.constant 1 : i32
      %add3A_80 = arith.addi %add3A_78, %add3A_79 : i32
      %lt3A_81 = arith.constant 80 : i32
      %lt3A_82 = arith.cmpi slt, %add3A_80, %lt3A_81 : i32
      %convert_element_type3A_83 = arith.extui %lt3A_82 : i1 to i32
      %cond3A_84 = arith.constant 0 : i32
      %cond3A_85 = arith.cmpi ne, %convert_element_type3A_83, %cond3A_84 : i32
      scf.if %cond3A_85 {
        %mul3A_115 = arith.constant 128 : i32
        %mul3A_116 = arith.muli %add3A_80, %mul3A_115 : i32
        %dma_start3A_117 = arith.constant 0 : i32
        %dma_start3A_118 = arith.constant 0 : i32
        %dma_start3A_119 = arith.constant 0 : i32
        %dma_start3A_120 = tpu.memref_slice %arg10[%dma_start3A_117, %dma_start3A_118, %dma_start3A_119] : memref<2x128x128xf32, #tpu.memory_space<vmem>> -> memref<1x128x128xf32, #tpu.memory_space<vmem>>
        %dma_start3A_121 = tpu.memref_squeeze %dma_start3A_120 : memref<1x128x128xf32, #tpu.memory_space<vmem>> -> memref<128x128xf32, #tpu.memory_space<vmem>>
        %dma_start3A_122 = tpu.memref_slice %arg8[%mul3A_116] : memref<10240xi32, #tpu.memory_space<vmem>> -> memref<128xi32, #tpu.memory_space<vmem>>
        %dma_start3A_123 = arith.constant 0 : i32
        %dma_start3A_124 = arith.constant 0 : i32
        %dma_start3A_125 = tpu.memref_slice %arg2[%dma_start3A_123, %dma_start3A_124] : memref<10000x128xf32, #tpu.memory_space<hbm>> -> memref<10000x128xf32, #tpu.memory_space<hbm>>
        tpu.enqueue_indirect_dma source(%dma_start3A_125 : memref<10000x128xf32, #tpu.memory_space<hbm>>) target(%dma_start3A_121 : memref<128x128xf32, #tpu.memory_space<vmem>>) offsets(%dma_start3A_122 : memref<128xi32, #tpu.memory_space<vmem>>) semaphore(%arg11 : memref<!tpu.dma_semaphore, #tpu.memory_space<semaphore_mem>>)
        %mul3A_126 = arith.constant 128 : i32
        %mul3A_127 = arith.muli %add3A_80, %mul3A_126 : i32
        %add3A_128 = arith.addi %mul3A_4, %mul3A_127 : i32
        %dma_start3A_129 = arith.constant 0 : i32
        %dma_start3A_130 = arith.constant 0 : i32
        %dma_start3A_131 = tpu.memref_slice %arg9[%dma_start3A_129, %dma_start3A_130] : memref<2x128xi32, #tpu.memory_space<vmem>> -> memref<1x128xi32, #tpu.memory_space<vmem>>
        %dma_start3A_132 = tpu.memref_squeeze %dma_start3A_131 : memref<1x128xi32, #tpu.memory_space<vmem>> -> memref<128xi32, #tpu.memory_space<vmem>>
        %dma_start3A_133 = tpu.memref_slice %arg4[%add3A_128] : memref<327680xi32, #tpu.memory_space<hbm>> -> memref<128xi32, #tpu.memory_space<hbm>>
        %dma_start3A_134 = arith.constant 0 : i32
        %dma_start3A_135 = tpu.memref_slice %arg9[%dma_start3A_129, %dma_start3A_134] : memref<2x128xi32, #tpu.memory_space<vmem>> -> memref<1x128xi32, #tpu.memory_space<vmem>>
        %dma_start3A_136 = tpu.memref_squeeze %dma_start3A_135 : memref<1x128xi32, #tpu.memory_space<vmem>> -> memref<128xi32, #tpu.memory_space<vmem>>
        %dma_start3A_137 = tpu.memref_slice %arg4[%add3A_128] : memref<327680xi32, #tpu.memory_space<hbm>> -> memref<128xi32, #tpu.memory_space<hbm>>
        tpu.enqueue_dma source(%dma_start3A_137 : memref<128xi32, #tpu.memory_space<hbm>>) target(%dma_start3A_136 : memref<128xi32, #tpu.memory_space<vmem>>) target_semaphore(%arg13 : memref<!tpu.dma_semaphore, #tpu.memory_space<semaphore_mem>>)
      } else {
      }
      %dma_wait3A_86 = arith.constant 1 : i32
      %dma_wait3A_87 = arith.constant 0 : i32
      %dma_wait3A_88 = tpu.memref_slice %arg9[%dma_wait3A_86, %dma_wait3A_87] : memref<2x128xi32, #tpu.memory_space<vmem>> -> memref<1x128xi32, #tpu.memory_space<vmem>>
      %dma_wait3A_89 = tpu.memref_squeeze %dma_wait3A_88 : memref<1x128xi32, #tpu.memory_space<vmem>> -> memref<128xi32, #tpu.memory_space<vmem>>
      %dma_wait3A_90 = arith.constant 0 : i32
      %dma_wait3A_91 = tpu.memref_slice %arg4[%dma_wait3A_90] : memref<327680xi32, #tpu.memory_space<hbm>> -> memref<128xi32, #tpu.memory_space<hbm>>
      %dma_wait3A_92 = arith.constant 0 : i32
      %dma_wait3A_93 = tpu.memref_slice %arg9[%dma_wait3A_86, %dma_wait3A_92] : memref<2x128xi32, #tpu.memory_space<vmem>> -> memref<1x128xi32, #tpu.memory_space<vmem>>
      %dma_wait3A_94 = tpu.memref_squeeze %dma_wait3A_93 : memref<1x128xi32, #tpu.memory_space<vmem>> -> memref<128xi32, #tpu.memory_space<vmem>>
      %dma_wait3A_95 = arith.constant 0 : i32
      %dma_wait3A_96 = tpu.memref_slice %arg4[%dma_wait3A_95] : memref<327680xi32, #tpu.memory_space<hbm>> -> memref<128xi32, #tpu.memory_space<hbm>>
      tpu.wait_dma2 semaphore(%arg14 : memref<!tpu.dma_semaphore, #tpu.memory_space<semaphore_mem>>) src(%dma_wait3A_96 : memref<128xi32, #tpu.memory_space<hbm>>) dst(%dma_wait3A_94 : memref<128xi32, #tpu.memory_space<vmem>>)
      %dma_wait3A_97 = arith.constant 1 : i32
      %dma_wait3A_98 = arith.constant 0 : i32
      %dma_wait3A_99 = arith.constant 0 : i32
      %dma_wait3A_100 = tpu.memref_slice %arg10[%dma_wait3A_97, %dma_wait3A_98, %dma_wait3A_99] : memref<2x128x128xf32, #tpu.memory_space<vmem>> -> memref<1x128x128xf32, #tpu.memory_space<vmem>>
      %dma_wait3A_101 = tpu.memref_squeeze %dma_wait3A_100 : memref<1x128x128xf32, #tpu.memory_space<vmem>> -> memref<128x128xf32, #tpu.memory_space<vmem>>
      %dma_wait3A_102 = arith.constant 0 : i32
      %dma_wait3A_103 = arith.constant 0 : i32
      %dma_wait3A_104 = tpu.memref_slice %arg2[%dma_wait3A_102, %dma_wait3A_103] : memref<10000x128xf32, #tpu.memory_space<hbm>> -> memref<128x128xf32, #tpu.memory_space<hbm>>
      %dma_wait3A_105 = arith.constant 0 : i32
      %dma_wait3A_106 = arith.constant 0 : i32
      %dma_wait3A_107 = tpu.memref_slice %arg10[%dma_wait3A_97, %dma_wait3A_105, %dma_wait3A_106] : memref<2x128x128xf32, #tpu.memory_space<vmem>> -> memref<1x128x128xf32, #tpu.memory_space<vmem>>
      %dma_wait3A_108 = tpu.memref_squeeze %dma_wait3A_107 : memref<1x128x128xf32, #tpu.memory_space<vmem>> -> memref<128x128xf32, #tpu.memory_space<vmem>>
      %dma_wait3A_109 = arith.constant 0 : i32
      %dma_wait3A_110 = arith.constant 0 : i32
      %dma_wait3A_111 = tpu.memref_slice %arg2[%dma_wait3A_109, %dma_wait3A_110] : memref<10000x128xf32, #tpu.memory_space<hbm>> -> memref<128x128xf32, #tpu.memory_space<hbm>>
      tpu.wait_dma2 semaphore(%arg12 : memref<!tpu.dma_semaphore, #tpu.memory_space<semaphore_mem>>) src(%dma_wait3A_111 : memref<128x128xf32, #tpu.memory_space<hbm>>) dst(%dma_wait3A_108 : memref<128x128xf32, #tpu.memory_space<vmem>>)
      %run_scoped3A_112 = arith.constant 1 : i32
      %run_scoped3A_113 = arith.constant 1 : i32
      "tpu.region"() ({
        %run_scoped3A_115 = tpu.sem_alloc : memref<!tpu.dma_semaphore, #tpu.memory_space<semaphore_mem>>
        %dma_start3A_116 = arith.constant 0 : i32
        %dma_start3A_117 = arith.constant 0 : i32
        %dma_start3A_118 = tpu.memref_slice %arg10[%run_scoped3A_112, %dma_start3A_116, %dma_start3A_117] : memref<2x128x128xf32, #tpu.memory_space<vmem>> -> memref<1x128x128xf32, #tpu.memory_space<vmem>>
        %dma_start3A_119 = tpu.memref_squeeze %dma_start3A_118 : memref<1x128x128xf32, #tpu.memory_space<vmem>> -> memref<128x128xf32, #tpu.memory_space<vmem>>
        %dma_start3A_120 = arith.constant 0 : i32
        %dma_start3A_121 = tpu.memref_slice %arg9[%run_scoped3A_113, %dma_start3A_120] : memref<2x128xi32, #tpu.memory_space<vmem>> -> memref<1x128xi32, #tpu.memory_space<vmem>>
        %dma_start3A_122 = tpu.memref_squeeze %dma_start3A_121 : memref<1x128xi32, #tpu.memory_space<vmem>> -> memref<128xi32, #tpu.memory_space<vmem>>
        %dma_start3A_123 = arith.constant 0 : i32
        %dma_start3A_124 = arith.constant 0 : i32
        %dma_start3A_125 = tpu.memref_slice %arg7[%dma_start3A_123, %dma_start3A_124] : memref<10240x128xf32, #tpu.memory_space<vmem_shared>> -> memref<10240x128xf32, #tpu.memory_space<vmem_shared>>
        tpu.enqueue_indirect_dma source(%dma_start3A_119 : memref<128x128xf32, #tpu.memory_space<vmem>>) target(%dma_start3A_125 : memref<10240x128xf32, #tpu.memory_space<vmem_shared>>) offsets(%dma_start3A_122 : memref<128xi32, #tpu.memory_space<vmem>>) semaphore(%run_scoped3A_115 : memref<!tpu.dma_semaphore, #tpu.memory_space<semaphore_mem>>) {add = true}
        %dma_wait3A_126 = arith.constant 0 : i32
        %dma_wait3A_127 = arith.constant 0 : i32
        %dma_wait3A_128 = tpu.memref_slice %arg10[%run_scoped3A_112, %dma_wait3A_126, %dma_wait3A_127] : memref<2x128x128xf32, #tpu.memory_space<vmem>> -> memref<1x128x128xf32, #tpu.memory_space<vmem>>
        %dma_wait3A_129 = tpu.memref_squeeze %dma_wait3A_128 : memref<1x128x128xf32, #tpu.memory_space<vmem>> -> memref<128x128xf32, #tpu.memory_space<vmem>>
        %dma_wait3A_130 = arith.constant 0 : i32
        %dma_wait3A_131 = tpu.memref_slice %arg9[%run_scoped3A_113, %dma_wait3A_130] : memref<2x128xi32, #tpu.memory_space<vmem>> -> memref<1x128xi32, #tpu.memory_space<vmem>>
        %dma_wait3A_132 = tpu.memref_squeeze %dma_wait3A_131 : memref<1x128xi32, #tpu.memory_space<vmem>> -> memref<128xi32, #tpu.memory_space<vmem>>
        %dma_wait3A_133 = arith.constant 0 : i32
        %dma_wait3A_134 = arith.constant 0 : i32
        %dma_wait3A_135 = tpu.memref_slice %arg7[%dma_wait3A_133, %dma_wait3A_134] : memref<10240x128xf32, #tpu.memory_space<vmem_shared>> -> memref<10240x128xf32, #tpu.memory_space<vmem_shared>>
        tpu.wait_indirect_dma semaphore(%run_scoped3A_115 : memref<!tpu.dma_semaphore, #tpu.memory_space<semaphore_mem>>) src(%dma_wait3A_129 : memref<128x128xf32, #tpu.memory_space<vmem>>) dst(%dma_wait3A_135 : memref<10240x128xf32, #tpu.memory_space<vmem_shared>>)
        tpu.yield
      }) : () -> ()
      %scan3A_114 = arith.constant 0 : i32
      scf.yield %scan3A_114 : i32
    }
    %scan3A_28 = arith.constant 40 : i32
    %barrier3A_29 = arith.constant 0 : index
    tpu.barrier barrier_id(%barrier3A_29)
    %lt3A = arith.constant 15 : i32
    %lt3A_30 = arith.cmpi slt, %arg1, %lt3A : i32
    %convert_element_type3A = arith.extui %lt3A_30 : i1 to i32
    %cond3A = arith.constant 0 : i32
    %cond3A_31 = arith.cmpi ne, %convert_element_type3A, %cond3A : i32
    scf.if %cond3A_31 {
      %mul3A_36 = arith.constant 632 : i32
      %mul3A_37 = arith.muli %arg1, %mul3A_36 : i32
      %mul3A_38 = arith.constant 10000 : i32
      %mul3A_39 = arith.muli %arg0, %mul3A_38 : i32
      %mul3A_40 = arith.constant 632 : i32
      %mul3A_41 = arith.muli %arg1, %mul3A_40 : i32
      %add3A_42 = arith.addi %mul3A_39, %mul3A_41 : i32
      "tpu.region"() ({
        %run_scoped3A = tpu.sem_alloc : memref<!tpu.dma_semaphore, #tpu.memory_space<semaphore_mem>>
        %dma_start3A_43 = arith.constant 0 : i32
        %dma_start3A_44 = tpu.memref_slice %arg6[%add3A_42, %dma_start3A_43] : memref<20000x128xf32, #tpu.memory_space<hbm>> -> memref<632x128xf32, #tpu.memory_space<hbm>>
        %dma_start3A_45 = arith.constant 0 : i32
        %dma_start3A_46 = tpu.memref_slice %arg7[%mul3A_37, %dma_start3A_45] : memref<10240x128xf32, #tpu.memory_space<vmem_shared>> -> memref<632x128xf32, #tpu.memory_space<vmem_shared>>
        tpu.enqueue_dma source(%dma_start3A_46 : memref<632x128xf32, #tpu.memory_space<vmem_shared>>) target(%dma_start3A_44 : memref<632x128xf32, #tpu.memory_space<hbm>>) target_semaphore(%run_scoped3A : memref<!tpu.dma_semaphore, #tpu.memory_space<semaphore_mem>>)
        %dma_wait3A = arith.constant 0 : i32
        %dma_wait3A_47 = tpu.memref_slice %arg6[%add3A_42, %dma_wait3A] : memref<20000x128xf32, #tpu.memory_space<hbm>> -> memref<632x128xf32, #tpu.memory_space<hbm>>
        %dma_wait3A_48 = arith.constant 0 : i32
        %dma_wait3A_49 = tpu.memref_slice %arg7[%mul3A_37, %dma_wait3A_48] : memref<10240x128xf32, #tpu.memory_space<vmem_shared>> -> memref<632x128xf32, #tpu.memory_space<vmem_shared>>
        tpu.wait_dma2 semaphore(%run_scoped3A : memref<!tpu.dma_semaphore, #tpu.memory_space<semaphore_mem>>) src(%dma_wait3A_49 : memref<632x128xf32, #tpu.memory_space<vmem_shared>>) dst(%dma_wait3A_47 : memref<632x128xf32, #tpu.memory_space<hbm>>)
        tpu.yield
      }) : () -> ()
    } else {
    }
    %eq3A = arith.constant 15 : i32
    %eq3A_32 = arith.cmpi eq, %arg1, %eq3A : i32
    %convert_element_type3A_33 = arith.extui %eq3A_32 : i1 to i32
    %cond3A_34 = arith.constant 0 : i32
    %cond3A_35 = arith.cmpi ne, %convert_element_type3A_33, %cond3A_34 : i32
    scf.if %cond3A_35 {
      %mul3A_36 = arith.constant 10000 : i32
      %mul3A_37 = arith.muli %arg0, %mul3A_36 : i32
      %add3A_38 = arith.constant 9480 : i32
      %add3A_39 = arith.addi %mul3A_37, %add3A_38 : i32
      "tpu.region"() ({
        %run_scoped3A = tpu.sem_alloc : memref<!tpu.dma_semaphore, #tpu.memory_space<semaphore_mem>>
        %dma_start3A_40 = arith.constant 0 : i32
        %dma_start3A_41 = tpu.memref_slice %arg6[%add3A_39, %dma_start3A_40] : memref<20000x128xf32, #tpu.memory_space<hbm>> -> memref<520x128xf32, #tpu.memory_space<hbm>>
        %dma_start3A_42 = arith.constant 9480 : i32
        %dma_start3A_43 = arith.constant 0 : i32
        %dma_start3A_44 = tpu.memref_slice %arg7[%dma_start3A_42, %dma_start3A_43] : memref<10240x128xf32, #tpu.memory_space<vmem_shared>> -> memref<520x128xf32, #tpu.memory_space<vmem_shared>>
        tpu.enqueue_dma source(%dma_start3A_44 : memref<520x128xf32, #tpu.memory_space<vmem_shared>>) target(%dma_start3A_41 : memref<520x128xf32, #tpu.memory_space<hbm>>) target_semaphore(%run_scoped3A : memref<!tpu.dma_semaphore, #tpu.memory_space<semaphore_mem>>)
        %dma_wait3A = arith.constant 0 : i32
        %dma_wait3A_45 = tpu.memref_slice %arg6[%add3A_39, %dma_wait3A] : memref<20000x128xf32, #tpu.memory_space<hbm>> -> memref<520x128xf32, #tpu.memory_space<hbm>>
        %dma_wait3A_46 = arith.constant 9480 : i32
        %dma_wait3A_47 = arith.constant 0 : i32
        %dma_wait3A_48 = tpu.memref_slice %arg7[%dma_wait3A_46, %dma_wait3A_47] : memref<10240x128xf32, #tpu.memory_space<vmem_shared>> -> memref<520x128xf32, #tpu.memory_space<vmem_shared>>
        tpu.wait_dma2 semaphore(%run_scoped3A : memref<!tpu.dma_semaphore, #tpu.memory_space<semaphore_mem>>) src(%dma_wait3A_48 : memref<520x128xf32, #tpu.memory_space<vmem_shared>>) dst(%dma_wait3A_45 : memref<520x128xf32, #tpu.memory_space<hbm>>)
        tpu.yield
      }) : () -> ()
    } else {
    }
    return
  }
}

#map = affine_map<(d0, d1) -> (0, 0)>
#map1 = affine_map<(d0, d1) -> (0)>
module attributes {stable_mosaic.version = 14 : i64} {
  func.func @_sc_segsum_body(%arg0: i32, %arg1: i32, %arg2: memref<10000x128xf32, #tpu.memory_space<hbm>>, %arg3: memref<327680xi32, #tpu.memory_space<hbm>>, %arg4: memref<327680xi32, #tpu.memory_space<hbm>>, %arg5: memref<640x128xf32, #tpu.memory_space<hbm>>, %arg6: memref<20000x128xf32, #tpu.memory_space<hbm>>, %arg7: memref<10240x128xf32, #tpu.memory_space<vmem_shared>>, %arg8: memref<10240xi32, #tpu.memory_space<vmem>>, %arg9: memref<2x128xi32, #tpu.memory_space<vmem>>, %arg10: memref<2x128x128xf32, #tpu.memory_space<vmem>>, %arg11: memref<!tpu.dma_semaphore, #tpu.memory_space<semaphore_mem>>, %arg12: memref<!tpu.dma_semaphore, #tpu.memory_space<semaphore_mem>>, %arg13: memref<!tpu.dma_semaphore, #tpu.memory_space<semaphore_mem>>, %arg14: memref<!tpu.dma_semaphore, #tpu.memory_space<semaphore_mem>>) attributes {dimension_semantics = [#tpu.dimension_semantics<core_parallel>, #tpu.dimension_semantics<subcore_parallel>], iteration_bounds = array<i64: 2, 16>, scalar_prefetch = 0 : i64, scratch_operands = 8 : i64, tpu.core_type = #tpu.core_type<sc_vector_subcore>, window_params = [{transform_indices = #map}, {transform_indices = #map1}, {transform_indices = #map1}, {transform_indices = #map}, {transform_indices = #map}]} {
    %mul3A = arith.constant 640 : i32
    %mul3A_0 = arith.muli %arg1, %mul3A : i32
    "tpu.region"() ({
      %run_scoped3A = tpu.sem_alloc : memref<!tpu.dma_semaphore, #tpu.memory_space<semaphore_mem>>
      %dma_start3A_36 = arith.constant 0 : i32
      %dma_start3A_37 = tpu.memref_slice %arg7[%mul3A_0, %dma_start3A_36] : memref<10240x128xf32, #tpu.memory_space<vmem_shared>> -> memref<640x128xf32, #tpu.memory_space<vmem_shared>>
      tpu.enqueue_dma source(%arg5 : memref<640x128xf32, #tpu.memory_space<hbm>>) target(%dma_start3A_37 : memref<640x128xf32, #tpu.memory_space<vmem_shared>>) target_semaphore(%run_scoped3A : memref<!tpu.dma_semaphore, #tpu.memory_space<semaphore_mem>>)
      %dma_wait3A = arith.constant 0 : i32
      %dma_wait3A_38 = tpu.memref_slice %arg7[%mul3A_0, %dma_wait3A] : memref<10240x128xf32, #tpu.memory_space<vmem_shared>> -> memref<640x128xf32, #tpu.memory_space<vmem_shared>>
      tpu.wait_dma2 semaphore(%run_scoped3A : memref<!tpu.dma_semaphore, #tpu.memory_space<semaphore_mem>>) src(%arg5 : memref<640x128xf32, #tpu.memory_space<hbm>>) dst(%dma_wait3A_38 : memref<640x128xf32, #tpu.memory_space<vmem_shared>>)
      tpu.yield
    }) : () -> ()
    %barrier3A = arith.constant 0 : index
    tpu.barrier barrier_id(%barrier3A)
    %mul3A_1 = arith.constant 16 : i32
    %mul3A_2 = arith.muli %arg0, %mul3A_1 : i32
    %add3A = arith.addi %mul3A_2, %arg1 : i32
    %mul3A_3 = arith.constant 10240 : i32
    %mul3A_4 = arith.muli %add3A, %mul3A_3 : i32
    "tpu.region"() ({
      %run_scoped3A = tpu.sem_alloc : memref<!tpu.dma_semaphore, #tpu.memory_space<semaphore_mem>>
      %dma_start3A_36 = tpu.memref_slice %arg3[%mul3A_4] : memref<327680xi32, #tpu.memory_space<hbm>> -> memref<10240xi32, #tpu.memory_space<hbm>>
      %dma_start3A_37 = tpu.memref_slice %arg3[%mul3A_4] : memref<327680xi32, #tpu.memory_space<hbm>> -> memref<10240xi32, #tpu.memory_space<hbm>>
      tpu.enqueue_dma source(%dma_start3A_37 : memref<10240xi32, #tpu.memory_space<hbm>>) target(%arg8 : memref<10240xi32, #tpu.memory_space<vmem>>) target_semaphore(%run_scoped3A : memref<!tpu.dma_semaphore, #tpu.memory_space<semaphore_mem>>)
      %dma_wait3A = tpu.memref_slice %arg3[%mul3A_4] : memref<327680xi32, #tpu.memory_space<hbm>> -> memref<10240xi32, #tpu.memory_space<hbm>>
      %dma_wait3A_38 = tpu.memref_slice %arg3[%mul3A_4] : memref<327680xi32, #tpu.memory_space<hbm>> -> memref<10240xi32, #tpu.memory_space<hbm>>
      tpu.wait_dma2 semaphore(%run_scoped3A : memref<!tpu.dma_semaphore, #tpu.memory_space<semaphore_mem>>) src(%dma_wait3A_38 : memref<10240xi32, #tpu.memory_space<hbm>>) dst(%arg8 : memref<10240xi32, #tpu.memory_space<vmem>>)
      tpu.yield
    }) : () -> ()
    %dma_start3A = arith.constant 0 : i32
    %dma_start3A_5 = arith.constant 0 : i32
    %dma_start3A_6 = arith.constant 0 : i32
    %dma_start3A_7 = tpu.memref_slice %arg10[%dma_start3A, %dma_start3A_5, %dma_start3A_6] : memref<2x128x128xf32, #tpu.memory_space<vmem>> -> memref<1x128x128xf32, #tpu.memory_space<vmem>>
    %dma_start3A_8 = tpu.memref_squeeze %dma_start3A_7 : memref<1x128x128xf32, #tpu.memory_space<vmem>> -> memref<128x128xf32, #tpu.memory_space<vmem>>
    %dma_start3A_9 = arith.constant 0 : i32
    %dma_start3A_10 = tpu.memref_slice %arg8[%dma_start3A_9] : memref<10240xi32, #tpu.memory_space<vmem>> -> memref<128xi32, #tpu.memory_space<vmem>>
    %dma_start3A_11 = arith.constant 0 : i32
    %dma_start3A_12 = arith.constant 0 : i32
    %dma_start3A_13 = tpu.memref_slice %arg2[%dma_start3A_11, %dma_start3A_12] : memref<10000x128xf32, #tpu.memory_space<hbm>> -> memref<10000x128xf32, #tpu.memory_space<hbm>>
    tpu.enqueue_indirect_dma source(%dma_start3A_13 : memref<10000x128xf32, #tpu.memory_space<hbm>>) target(%dma_start3A_8 : memref<128x128xf32, #tpu.memory_space<vmem>>) offsets(%dma_start3A_10 : memref<128xi32, #tpu.memory_space<vmem>>) semaphore(%arg11 : memref<!tpu.dma_semaphore, #tpu.memory_space<semaphore_mem>>)
    %dma_start3A_14 = arith.constant 0 : i32
    %dma_start3A_15 = arith.constant 0 : i32
    %dma_start3A_16 = tpu.memref_slice %arg9[%dma_start3A_14, %dma_start3A_15] : memref<2x128xi32, #tpu.memory_space<vmem>> -> memref<1x128xi32, #tpu.memory_space<vmem>>
    %dma_start3A_17 = tpu.memref_squeeze %dma_start3A_16 : memref<1x128xi32, #tpu.memory_space<vmem>> -> memref<128xi32, #tpu.memory_space<vmem>>
    %dma_start3A_18 = tpu.memref_slice %arg4[%mul3A_4] : memref<327680xi32, #tpu.memory_space<hbm>> -> memref<128xi32, #tpu.memory_space<hbm>>
    %dma_start3A_19 = arith.constant 0 : i32
    %dma_start3A_20 = tpu.memref_slice %arg9[%dma_start3A_14, %dma_start3A_19] : memref<2x128xi32, #tpu.memory_space<vmem>> -> memref<1x128xi32, #tpu.memory_space<vmem>>
    %dma_start3A_21 = tpu.memref_squeeze %dma_start3A_20 : memref<1x128xi32, #tpu.memory_space<vmem>> -> memref<128xi32, #tpu.memory_space<vmem>>
    %dma_start3A_22 = tpu.memref_slice %arg4[%mul3A_4] : memref<327680xi32, #tpu.memory_space<hbm>> -> memref<128xi32, #tpu.memory_space<hbm>>
    tpu.enqueue_dma source(%dma_start3A_22 : memref<128xi32, #tpu.memory_space<hbm>>) target(%dma_start3A_21 : memref<128xi32, #tpu.memory_space<vmem>>) target_semaphore(%arg13 : memref<!tpu.dma_semaphore, #tpu.memory_space<semaphore_mem>>)
    %scan3A = arith.constant 0 : i32
    %scan3A_23 = arith.constant 0 : i32
    %scan3A_24 = arith.constant 40 : i32
    %scan3A_25 = arith.addi %scan3A_23, %scan3A_24 : i32
    %scan3A_26 = arith.constant 1 : i32
    %scan3A_27 = scf.for %scan3A_36 = %scan3A_23 to %scan3A_25 step %scan3A_26 iter_args(%scan3A_37 = %scan3A) -> (i32)  : i32 {
      %mul3A_38 = arith.constant 2 : i32
      %mul3A_39 = arith.muli %scan3A_36, %mul3A_38 : i32
      %add3A_40 = arith.constant 0 : i32
      %add3A_41 = arith.addi %mul3A_39, %add3A_40 : i32
      %add3A_42 = arith.constant 1 : i32
      %add3A_43 = arith.addi %add3A_41, %add3A_42 : i32
      %lt3A_44 = arith.constant 80 : i32
      %lt3A_45 = arith.cmpi slt, %add3A_43, %lt3A_44 : i32
      %convert_element_type3A_46 = arith.extui %lt3A_45 : i1 to i32
      %cond3A_47 = arith.constant 0 : i32
      %cond3A_48 = arith.cmpi ne, %convert_element_type3A_46, %cond3A_47 : i32
      scf.if %cond3A_48 {
        %mul3A_115 = arith.constant 128 : i32
        %mul3A_116 = arith.muli %add3A_43, %mul3A_115 : i32
        %dma_start3A_117 = arith.constant 1 : i32
        %dma_start3A_118 = arith.constant 0 : i32
        %dma_start3A_119 = arith.constant 0 : i32
        %dma_start3A_120 = tpu.memref_slice %arg10[%dma_start3A_117, %dma_start3A_118, %dma_start3A_119] : memref<2x128x128xf32, #tpu.memory_space<vmem>> -> memref<1x128x128xf32, #tpu.memory_space<vmem>>
        %dma_start3A_121 = tpu.memref_squeeze %dma_start3A_120 : memref<1x128x128xf32, #tpu.memory_space<vmem>> -> memref<128x128xf32, #tpu.memory_space<vmem>>
        %dma_start3A_122 = tpu.memref_slice %arg8[%mul3A_116] : memref<10240xi32, #tpu.memory_space<vmem>> -> memref<128xi32, #tpu.memory_space<vmem>>
        %dma_start3A_123 = arith.constant 0 : i32
        %dma_start3A_124 = arith.constant 0 : i32
        %dma_start3A_125 = tpu.memref_slice %arg2[%dma_start3A_123, %dma_start3A_124] : memref<10000x128xf32, #tpu.memory_space<hbm>> -> memref<10000x128xf32, #tpu.memory_space<hbm>>
        tpu.enqueue_indirect_dma source(%dma_start3A_125 : memref<10000x128xf32, #tpu.memory_space<hbm>>) target(%dma_start3A_121 : memref<128x128xf32, #tpu.memory_space<vmem>>) offsets(%dma_start3A_122 : memref<128xi32, #tpu.memory_space<vmem>>) semaphore(%arg12 : memref<!tpu.dma_semaphore, #tpu.memory_space<semaphore_mem>>)
        %mul3A_126 = arith.constant 128 : i32
        %mul3A_127 = arith.muli %add3A_43, %mul3A_126 : i32
        %add3A_128 = arith.addi %mul3A_4, %mul3A_127 : i32
        %dma_start3A_129 = arith.constant 1 : i32
        %dma_start3A_130 = arith.constant 0 : i32
        %dma_start3A_131 = tpu.memref_slice %arg9[%dma_start3A_129, %dma_start3A_130] : memref<2x128xi32, #tpu.memory_space<vmem>> -> memref<1x128xi32, #tpu.memory_space<vmem>>
        %dma_start3A_132 = tpu.memref_squeeze %dma_start3A_131 : memref<1x128xi32, #tpu.memory_space<vmem>> -> memref<128xi32, #tpu.memory_space<vmem>>
        %dma_start3A_133 = tpu.memref_slice %arg4[%add3A_128] : memref<327680xi32, #tpu.memory_space<hbm>> -> memref<128xi32, #tpu.memory_space<hbm>>
        %dma_start3A_134 = arith.constant 0 : i32
        %dma_start3A_135 = tpu.memref_slice %arg9[%dma_start3A_129, %dma_start3A_134] : memref<2x128xi32, #tpu.memory_space<vmem>> -> memref<1x128xi32, #tpu.memory_space<vmem>>
        %dma_start3A_136 = tpu.memref_squeeze %dma_start3A_135 : memref<1x128xi32, #tpu.memory_space<vmem>> -> memref<128xi32, #tpu.memory_space<vmem>>
        %dma_start3A_137 = tpu.memref_slice %arg4[%add3A_128] : memref<327680xi32, #tpu.memory_space<hbm>> -> memref<128xi32, #tpu.memory_space<hbm>>
        tpu.enqueue_dma source(%dma_start3A_137 : memref<128xi32, #tpu.memory_space<hbm>>) target(%dma_start3A_136 : memref<128xi32, #tpu.memory_space<vmem>>) target_semaphore(%arg14 : memref<!tpu.dma_semaphore, #tpu.memory_space<semaphore_mem>>)
      } else {
      }
      %dma_wait3A = arith.constant 0 : i32
      %dma_wait3A_49 = arith.constant 0 : i32
      %dma_wait3A_50 = tpu.memref_slice %arg9[%dma_wait3A, %dma_wait3A_49] : memref<2x128xi32, #tpu.memory_space<vmem>> -> memref<1x128xi32, #tpu.memory_space<vmem>>
      %dma_wait3A_51 = tpu.memref_squeeze %dma_wait3A_50 : memref<1x128xi32, #tpu.memory_space<vmem>> -> memref<128xi32, #tpu.memory_space<vmem>>
      %dma_wait3A_52 = arith.constant 0 : i32
      %dma_wait3A_53 = tpu.memref_slice %arg4[%dma_wait3A_52] : memref<327680xi32, #tpu.memory_space<hbm>> -> memref<128xi32, #tpu.memory_space<hbm>>
      %dma_wait3A_54 = arith.constant 0 : i32
      %dma_wait3A_55 = tpu.memref_slice %arg9[%dma_wait3A, %dma_wait3A_54] : memref<2x128xi32, #tpu.memory_space<vmem>> -> memref<1x128xi32, #tpu.memory_space<vmem>>
      %dma_wait3A_56 = tpu.memref_squeeze %dma_wait3A_55 : memref<1x128xi32, #tpu.memory_space<vmem>> -> memref<128xi32, #tpu.memory_space<vmem>>
      %dma_wait3A_57 = arith.constant 0 : i32
      %dma_wait3A_58 = tpu.memref_slice %arg4[%dma_wait3A_57] : memref<327680xi32, #tpu.memory_space<hbm>> -> memref<128xi32, #tpu.memory_space<hbm>>
      tpu.wait_dma2 semaphore(%arg13 : memref<!tpu.dma_semaphore, #tpu.memory_space<semaphore_mem>>) src(%dma_wait3A_58 : memref<128xi32, #tpu.memory_space<hbm>>) dst(%dma_wait3A_56 : memref<128xi32, #tpu.memory_space<vmem>>)
      %dma_wait3A_59 = arith.constant 0 : i32
      %dma_wait3A_60 = arith.constant 0 : i32
      %dma_wait3A_61 = arith.constant 0 : i32
      %dma_wait3A_62 = tpu.memref_slice %arg10[%dma_wait3A_59, %dma_wait3A_60, %dma_wait3A_61] : memref<2x128x128xf32, #tpu.memory_space<vmem>> -> memref<1x128x128xf32, #tpu.memory_space<vmem>>
      %dma_wait3A_63 = tpu.memref_squeeze %dma_wait3A_62 : memref<1x128x128xf32, #tpu.memory_space<vmem>> -> memref<128x128xf32, #tpu.memory_space<vmem>>
      %dma_wait3A_64 = arith.constant 0 : i32
      %dma_wait3A_65 = arith.constant 0 : i32
      %dma_wait3A_66 = tpu.memref_slice %arg2[%dma_wait3A_64, %dma_wait3A_65] : memref<10000x128xf32, #tpu.memory_space<hbm>> -> memref<128x128xf32, #tpu.memory_space<hbm>>
      %dma_wait3A_67 = arith.constant 0 : i32
      %dma_wait3A_68 = arith.constant 0 : i32
      %dma_wait3A_69 = tpu.memref_slice %arg10[%dma_wait3A_59, %dma_wait3A_67, %dma_wait3A_68] : memref<2x128x128xf32, #tpu.memory_space<vmem>> -> memref<1x128x128xf32, #tpu.memory_space<vmem>>
      %dma_wait3A_70 = tpu.memref_squeeze %dma_wait3A_69 : memref<1x128x128xf32, #tpu.memory_space<vmem>> -> memref<128x128xf32, #tpu.memory_space<vmem>>
      %dma_wait3A_71 = arith.constant 0 : i32
      %dma_wait3A_72 = arith.constant 0 : i32
      %dma_wait3A_73 = tpu.memref_slice %arg2[%dma_wait3A_71, %dma_wait3A_72] : memref<10000x128xf32, #tpu.memory_space<hbm>> -> memref<128x128xf32, #tpu.memory_space<hbm>>
      tpu.wait_dma2 semaphore(%arg11 : memref<!tpu.dma_semaphore, #tpu.memory_space<semaphore_mem>>) src(%dma_wait3A_73 : memref<128x128xf32, #tpu.memory_space<hbm>>) dst(%dma_wait3A_70 : memref<128x128xf32, #tpu.memory_space<vmem>>)
      %run_scoped3A = arith.constant 0 : i32
      %run_scoped3A_74 = arith.constant 0 : i32
      "tpu.region"() ({
        %run_scoped3A_115 = tpu.sem_alloc : memref<!tpu.dma_semaphore, #tpu.memory_space<semaphore_mem>>
        %dma_start3A_116 = arith.constant 0 : i32
        %dma_start3A_117 = arith.constant 0 : i32
        %dma_start3A_118 = tpu.memref_slice %arg10[%run_scoped3A, %dma_start3A_116, %dma_start3A_117] : memref<2x128x128xf32, #tpu.memory_space<vmem>> -> memref<1x128x128xf32, #tpu.memory_space<vmem>>
        %dma_start3A_119 = tpu.memref_squeeze %dma_start3A_118 : memref<1x128x128xf32, #tpu.memory_space<vmem>> -> memref<128x128xf32, #tpu.memory_space<vmem>>
        %dma_start3A_120 = arith.constant 0 : i32
        %dma_start3A_121 = tpu.memref_slice %arg9[%run_scoped3A_74, %dma_start3A_120] : memref<2x128xi32, #tpu.memory_space<vmem>> -> memref<1x128xi32, #tpu.memory_space<vmem>>
        %dma_start3A_122 = tpu.memref_squeeze %dma_start3A_121 : memref<1x128xi32, #tpu.memory_space<vmem>> -> memref<128xi32, #tpu.memory_space<vmem>>
        %dma_start3A_123 = arith.constant 0 : i32
        %dma_start3A_124 = arith.constant 0 : i32
        %dma_start3A_125 = tpu.memref_slice %arg7[%dma_start3A_123, %dma_start3A_124] : memref<10240x128xf32, #tpu.memory_space<vmem_shared>> -> memref<10240x128xf32, #tpu.memory_space<vmem_shared>>
        tpu.enqueue_indirect_dma source(%dma_start3A_119 : memref<128x128xf32, #tpu.memory_space<vmem>>) target(%dma_start3A_125 : memref<10240x128xf32, #tpu.memory_space<vmem_shared>>) offsets(%dma_start3A_122 : memref<128xi32, #tpu.memory_space<vmem>>) semaphore(%run_scoped3A_115 : memref<!tpu.dma_semaphore, #tpu.memory_space<semaphore_mem>>) {add = true}
        %dma_wait3A_126 = arith.constant 0 : i32
        %dma_wait3A_127 = arith.constant 0 : i32
        %dma_wait3A_128 = tpu.memref_slice %arg10[%run_scoped3A, %dma_wait3A_126, %dma_wait3A_127] : memref<2x128x128xf32, #tpu.memory_space<vmem>> -> memref<1x128x128xf32, #tpu.memory_space<vmem>>
        %dma_wait3A_129 = tpu.memref_squeeze %dma_wait3A_128 : memref<1x128x128xf32, #tpu.memory_space<vmem>> -> memref<128x128xf32, #tpu.memory_space<vmem>>
        %dma_wait3A_130 = arith.constant 0 : i32
        %dma_wait3A_131 = tpu.memref_slice %arg9[%run_scoped3A_74, %dma_wait3A_130] : memref<2x128xi32, #tpu.memory_space<vmem>> -> memref<1x128xi32, #tpu.memory_space<vmem>>
        %dma_wait3A_132 = tpu.memref_squeeze %dma_wait3A_131 : memref<1x128xi32, #tpu.memory_space<vmem>> -> memref<128xi32, #tpu.memory_space<vmem>>
        %dma_wait3A_133 = arith.constant 0 : i32
        %dma_wait3A_134 = arith.constant 0 : i32
        %dma_wait3A_135 = tpu.memref_slice %arg7[%dma_wait3A_133, %dma_wait3A_134] : memref<10240x128xf32, #tpu.memory_space<vmem_shared>> -> memref<10240x128xf32, #tpu.memory_space<vmem_shared>>
        tpu.wait_indirect_dma semaphore(%run_scoped3A_115 : memref<!tpu.dma_semaphore, #tpu.memory_space<semaphore_mem>>) src(%dma_wait3A_129 : memref<128x128xf32, #tpu.memory_space<vmem>>) dst(%dma_wait3A_135 : memref<10240x128xf32, #tpu.memory_space<vmem_shared>>)
        tpu.yield
      }) : () -> ()
      %mul3A_75 = arith.constant 2 : i32
      %mul3A_76 = arith.muli %scan3A_36, %mul3A_75 : i32
      %add3A_77 = arith.constant 1 : i32
      %add3A_78 = arith.addi %mul3A_76, %add3A_77 : i32
      %add3A_79 = arith.constant 1 : i32
      %add3A_80 = arith.addi %add3A_78, %add3A_79 : i32
      %lt3A_81 = arith.constant 80 : i32
      %lt3A_82 = arith.cmpi slt, %add3A_80, %lt3A_81 : i32
      %convert_element_type3A_83 = arith.extui %lt3A_82 : i1 to i32
      %cond3A_84 = arith.constant 0 : i32
      %cond3A_85 = arith.cmpi ne, %convert_element_type3A_83, %cond3A_84 : i32
      scf.if %cond3A_85 {
        %mul3A_115 = arith.constant 128 : i32
        %mul3A_116 = arith.muli %add3A_80, %mul3A_115 : i32
        %dma_start3A_117 = arith.constant 0 : i32
        %dma_start3A_118 = arith.constant 0 : i32
        %dma_start3A_119 = arith.constant 0 : i32
        %dma_start3A_120 = tpu.memref_slice %arg10[%dma_start3A_117, %dma_start3A_118, %dma_start3A_119] : memref<2x128x128xf32, #tpu.memory_space<vmem>> -> memref<1x128x128xf32, #tpu.memory_space<vmem>>
        %dma_start3A_121 = tpu.memref_squeeze %dma_start3A_120 : memref<1x128x128xf32, #tpu.memory_space<vmem>> -> memref<128x128xf32, #tpu.memory_space<vmem>>
        %dma_start3A_122 = tpu.memref_slice %arg8[%mul3A_116] : memref<10240xi32, #tpu.memory_space<vmem>> -> memref<128xi32, #tpu.memory_space<vmem>>
        %dma_start3A_123 = arith.constant 0 : i32
        %dma_start3A_124 = arith.constant 0 : i32
        %dma_start3A_125 = tpu.memref_slice %arg2[%dma_start3A_123, %dma_start3A_124] : memref<10000x128xf32, #tpu.memory_space<hbm>> -> memref<10000x128xf32, #tpu.memory_space<hbm>>
        tpu.enqueue_indirect_dma source(%dma_start3A_125 : memref<10000x128xf32, #tpu.memory_space<hbm>>) target(%dma_start3A_121 : memref<128x128xf32, #tpu.memory_space<vmem>>) offsets(%dma_start3A_122 : memref<128xi32, #tpu.memory_space<vmem>>) semaphore(%arg11 : memref<!tpu.dma_semaphore, #tpu.memory_space<semaphore_mem>>)
        %mul3A_126 = arith.constant 128 : i32
        %mul3A_127 = arith.muli %add3A_80, %mul3A_126 : i32
        %add3A_128 = arith.addi %mul3A_4, %mul3A_127 : i32
        %dma_start3A_129 = arith.constant 0 : i32
        %dma_start3A_130 = arith.constant 0 : i32
        %dma_start3A_131 = tpu.memref_slice %arg9[%dma_start3A_129, %dma_start3A_130] : memref<2x128xi32, #tpu.memory_space<vmem>> -> memref<1x128xi32, #tpu.memory_space<vmem>>
        %dma_start3A_132 = tpu.memref_squeeze %dma_start3A_131 : memref<1x128xi32, #tpu.memory_space<vmem>> -> memref<128xi32, #tpu.memory_space<vmem>>
        %dma_start3A_133 = tpu.memref_slice %arg4[%add3A_128] : memref<327680xi32, #tpu.memory_space<hbm>> -> memref<128xi32, #tpu.memory_space<hbm>>
        %dma_start3A_134 = arith.constant 0 : i32
        %dma_start3A_135 = tpu.memref_slice %arg9[%dma_start3A_129, %dma_start3A_134] : memref<2x128xi32, #tpu.memory_space<vmem>> -> memref<1x128xi32, #tpu.memory_space<vmem>>
        %dma_start3A_136 = tpu.memref_squeeze %dma_start3A_135 : memref<1x128xi32, #tpu.memory_space<vmem>> -> memref<128xi32, #tpu.memory_space<vmem>>
        %dma_start3A_137 = tpu.memref_slice %arg4[%add3A_128] : memref<327680xi32, #tpu.memory_space<hbm>> -> memref<128xi32, #tpu.memory_space<hbm>>
        tpu.enqueue_dma source(%dma_start3A_137 : memref<128xi32, #tpu.memory_space<hbm>>) target(%dma_start3A_136 : memref<128xi32, #tpu.memory_space<vmem>>) target_semaphore(%arg13 : memref<!tpu.dma_semaphore, #tpu.memory_space<semaphore_mem>>)
      } else {
      }
      %dma_wait3A_86 = arith.constant 1 : i32
      %dma_wait3A_87 = arith.constant 0 : i32
      %dma_wait3A_88 = tpu.memref_slice %arg9[%dma_wait3A_86, %dma_wait3A_87] : memref<2x128xi32, #tpu.memory_space<vmem>> -> memref<1x128xi32, #tpu.memory_space<vmem>>
      %dma_wait3A_89 = tpu.memref_squeeze %dma_wait3A_88 : memref<1x128xi32, #tpu.memory_space<vmem>> -> memref<128xi32, #tpu.memory_space<vmem>>
      %dma_wait3A_90 = arith.constant 0 : i32
      %dma_wait3A_91 = tpu.memref_slice %arg4[%dma_wait3A_90] : memref<327680xi32, #tpu.memory_space<hbm>> -> memref<128xi32, #tpu.memory_space<hbm>>
      %dma_wait3A_92 = arith.constant 0 : i32
      %dma_wait3A_93 = tpu.memref_slice %arg9[%dma_wait3A_86, %dma_wait3A_92] : memref<2x128xi32, #tpu.memory_space<vmem>> -> memref<1x128xi32, #tpu.memory_space<vmem>>
      %dma_wait3A_94 = tpu.memref_squeeze %dma_wait3A_93 : memref<1x128xi32, #tpu.memory_space<vmem>> -> memref<128xi32, #tpu.memory_space<vmem>>
      %dma_wait3A_95 = arith.constant 0 : i32
      %dma_wait3A_96 = tpu.memref_slice %arg4[%dma_wait3A_95] : memref<327680xi32, #tpu.memory_space<hbm>> -> memref<128xi32, #tpu.memory_space<hbm>>
      tpu.wait_dma2 semaphore(%arg14 : memref<!tpu.dma_semaphore, #tpu.memory_space<semaphore_mem>>) src(%dma_wait3A_96 : memref<128xi32, #tpu.memory_space<hbm>>) dst(%dma_wait3A_94 : memref<128xi32, #tpu.memory_space<vmem>>)
      %dma_wait3A_97 = arith.constant 1 : i32
      %dma_wait3A_98 = arith.constant 0 : i32
      %dma_wait3A_99 = arith.constant 0 : i32
      %dma_wait3A_100 = tpu.memref_slice %arg10[%dma_wait3A_97, %dma_wait3A_98, %dma_wait3A_99] : memref<2x128x128xf32, #tpu.memory_space<vmem>> -> memref<1x128x128xf32, #tpu.memory_space<vmem>>
      %dma_wait3A_101 = tpu.memref_squeeze %dma_wait3A_100 : memref<1x128x128xf32, #tpu.memory_space<vmem>> -> memref<128x128xf32, #tpu.memory_space<vmem>>
      %dma_wait3A_102 = arith.constant 0 : i32
      %dma_wait3A_103 = arith.constant 0 : i32
      %dma_wait3A_104 = tpu.memref_slice %arg2[%dma_wait3A_102, %dma_wait3A_103] : memref<10000x128xf32, #tpu.memory_space<hbm>> -> memref<128x128xf32, #tpu.memory_space<hbm>>
      %dma_wait3A_105 = arith.constant 0 : i32
      %dma_wait3A_106 = arith.constant 0 : i32
      %dma_wait3A_107 = tpu.memref_slice %arg10[%dma_wait3A_97, %dma_wait3A_105, %dma_wait3A_106] : memref<2x128x128xf32, #tpu.memory_space<vmem>> -> memref<1x128x128xf32, #tpu.memory_space<vmem>>
      %dma_wait3A_108 = tpu.memref_squeeze %dma_wait3A_107 : memref<1x128x128xf32, #tpu.memory_space<vmem>> -> memref<128x128xf32, #tpu.memory_space<vmem>>
      %dma_wait3A_109 = arith.constant 0 : i32
      %dma_wait3A_110 = arith.constant 0 : i32
      %dma_wait3A_111 = tpu.memref_slice %arg2[%dma_wait3A_109, %dma_wait3A_110] : memref<10000x128xf32, #tpu.memory_space<hbm>> -> memref<128x128xf32, #tpu.memory_space<hbm>>
      tpu.wait_dma2 semaphore(%arg12 : memref<!tpu.dma_semaphore, #tpu.memory_space<semaphore_mem>>) src(%dma_wait3A_111 : memref<128x128xf32, #tpu.memory_space<hbm>>) dst(%dma_wait3A_108 : memref<128x128xf32, #tpu.memory_space<vmem>>)
      %run_scoped3A_112 = arith.constant 1 : i32
      %run_scoped3A_113 = arith.constant 1 : i32
      "tpu.region"() ({
        %run_scoped3A_115 = tpu.sem_alloc : memref<!tpu.dma_semaphore, #tpu.memory_space<semaphore_mem>>
        %dma_start3A_116 = arith.constant 0 : i32
        %dma_start3A_117 = arith.constant 0 : i32
        %dma_start3A_118 = tpu.memref_slice %arg10[%run_scoped3A_112, %dma_start3A_116, %dma_start3A_117] : memref<2x128x128xf32, #tpu.memory_space<vmem>> -> memref<1x128x128xf32, #tpu.memory_space<vmem>>
        %dma_start3A_119 = tpu.memref_squeeze %dma_start3A_118 : memref<1x128x128xf32, #tpu.memory_space<vmem>> -> memref<128x128xf32, #tpu.memory_space<vmem>>
        %dma_start3A_120 = arith.constant 0 : i32
        %dma_start3A_121 = tpu.memref_slice %arg9[%run_scoped3A_113, %dma_start3A_120] : memref<2x128xi32, #tpu.memory_space<vmem>> -> memref<1x128xi32, #tpu.memory_space<vmem>>
        %dma_start3A_122 = tpu.memref_squeeze %dma_start3A_121 : memref<1x128xi32, #tpu.memory_space<vmem>> -> memref<128xi32, #tpu.memory_space<vmem>>
        %dma_start3A_123 = arith.constant 0 : i32
        %dma_start3A_124 = arith.constant 0 : i32
        %dma_start3A_125 = tpu.memref_slice %arg7[%dma_start3A_123, %dma_start3A_124] : memref<10240x128xf32, #tpu.memory_space<vmem_shared>> -> memref<10240x128xf32, #tpu.memory_space<vmem_shared>>
        tpu.enqueue_indirect_dma source(%dma_start3A_119 : memref<128x128xf32, #tpu.memory_space<vmem>>) target(%dma_start3A_125 : memref<10240x128xf32, #tpu.memory_space<vmem_shared>>) offsets(%dma_start3A_122 : memref<128xi32, #tpu.memory_space<vmem>>) semaphore(%run_scoped3A_115 : memref<!tpu.dma_semaphore, #tpu.memory_space<semaphore_mem>>) {add = true}
        %dma_wait3A_126 = arith.constant 0 : i32
        %dma_wait3A_127 = arith.constant 0 : i32
        %dma_wait3A_128 = tpu.memref_slice %arg10[%run_scoped3A_112, %dma_wait3A_126, %dma_wait3A_127] : memref<2x128x128xf32, #tpu.memory_space<vmem>> -> memref<1x128x128xf32, #tpu.memory_space<vmem>>
        %dma_wait3A_129 = tpu.memref_squeeze %dma_wait3A_128 : memref<1x128x128xf32, #tpu.memory_space<vmem>> -> memref<128x128xf32, #tpu.memory_space<vmem>>
        %dma_wait3A_130 = arith.constant 0 : i32
        %dma_wait3A_131 = tpu.memref_slice %arg9[%run_scoped3A_113, %dma_wait3A_130] : memref<2x128xi32, #tpu.memory_space<vmem>> -> memref<1x128xi32, #tpu.memory_space<vmem>>
        %dma_wait3A_132 = tpu.memref_squeeze %dma_wait3A_131 : memref<1x128xi32, #tpu.memory_space<vmem>> -> memref<128xi32, #tpu.memory_space<vmem>>
        %dma_wait3A_133 = arith.constant 0 : i32
        %dma_wait3A_134 = arith.constant 0 : i32
        %dma_wait3A_135 = tpu.memref_slice %arg7[%dma_wait3A_133, %dma_wait3A_134] : memref<10240x128xf32, #tpu.memory_space<vmem_shared>> -> memref<10240x128xf32, #tpu.memory_space<vmem_shared>>
        tpu.wait_indirect_dma semaphore(%run_scoped3A_115 : memref<!tpu.dma_semaphore, #tpu.memory_space<semaphore_mem>>) src(%dma_wait3A_129 : memref<128x128xf32, #tpu.memory_space<vmem>>) dst(%dma_wait3A_135 : memref<10240x128xf32, #tpu.memory_space<vmem_shared>>)
        tpu.yield
      }) : () -> ()
      %scan3A_114 = arith.constant 0 : i32
      scf.yield %scan3A_114 : i32
    }
    %scan3A_28 = arith.constant 40 : i32
    %barrier3A_29 = arith.constant 0 : index
    tpu.barrier barrier_id(%barrier3A_29)
    %lt3A = arith.constant 15 : i32
    %lt3A_30 = arith.cmpi slt, %arg1, %lt3A : i32
    %convert_element_type3A = arith.extui %lt3A_30 : i1 to i32
    %cond3A = arith.constant 0 : i32
    %cond3A_31 = arith.cmpi ne, %convert_element_type3A, %cond3A : i32
    scf.if %cond3A_31 {
      %mul3A_36 = arith.constant 632 : i32
      %mul3A_37 = arith.muli %arg1, %mul3A_36 : i32
      %mul3A_38 = arith.constant 10000 : i32
      %mul3A_39 = arith.muli %arg0, %mul3A_38 : i32
      %mul3A_40 = arith.constant 632 : i32
      %mul3A_41 = arith.muli %arg1, %mul3A_40 : i32
      %add3A_42 = arith.addi %mul3A_39, %mul3A_41 : i32
      "tpu.region"() ({
        %run_scoped3A = tpu.sem_alloc : memref<!tpu.dma_semaphore, #tpu.memory_space<semaphore_mem>>
        %dma_start3A_43 = arith.constant 0 : i32
        %dma_start3A_44 = tpu.memref_slice %arg6[%add3A_42, %dma_start3A_43] : memref<20000x128xf32, #tpu.memory_space<hbm>> -> memref<632x128xf32, #tpu.memory_space<hbm>>
        %dma_start3A_45 = arith.constant 0 : i32
        %dma_start3A_46 = tpu.memref_slice %arg7[%mul3A_37, %dma_start3A_45] : memref<10240x128xf32, #tpu.memory_space<vmem_shared>> -> memref<632x128xf32, #tpu.memory_space<vmem_shared>>
        tpu.enqueue_dma source(%dma_start3A_46 : memref<632x128xf32, #tpu.memory_space<vmem_shared>>) target(%dma_start3A_44 : memref<632x128xf32, #tpu.memory_space<hbm>>) target_semaphore(%run_scoped3A : memref<!tpu.dma_semaphore, #tpu.memory_space<semaphore_mem>>)
        %dma_wait3A = arith.constant 0 : i32
        %dma_wait3A_47 = tpu.memref_slice %arg6[%add3A_42, %dma_wait3A] : memref<20000x128xf32, #tpu.memory_space<hbm>> -> memref<632x128xf32, #tpu.memory_space<hbm>>
        %dma_wait3A_48 = arith.constant 0 : i32
        %dma_wait3A_49 = tpu.memref_slice %arg7[%mul3A_37, %dma_wait3A_48] : memref<10240x128xf32, #tpu.memory_space<vmem_shared>> -> memref<632x128xf32, #tpu.memory_space<vmem_shared>>
        tpu.wait_dma2 semaphore(%run_scoped3A : memref<!tpu.dma_semaphore, #tpu.memory_space<semaphore_mem>>) src(%dma_wait3A_49 : memref<632x128xf32, #tpu.memory_space<vmem_shared>>) dst(%dma_wait3A_47 : memref<632x128xf32, #tpu.memory_space<hbm>>)
        tpu.yield
      }) : () -> ()
    } else {
    }
    %eq3A = arith.constant 15 : i32
    %eq3A_32 = arith.cmpi eq, %arg1, %eq3A : i32
    %convert_element_type3A_33 = arith.extui %eq3A_32 : i1 to i32
    %cond3A_34 = arith.constant 0 : i32
    %cond3A_35 = arith.cmpi ne, %convert_element_type3A_33, %cond3A_34 : i32
    scf.if %cond3A_35 {
      %mul3A_36 = arith.constant 10000 : i32
      %mul3A_37 = arith.muli %arg0, %mul3A_36 : i32
      %add3A_38 = arith.constant 9480 : i32
      %add3A_39 = arith.addi %mul3A_37, %add3A_38 : i32
      "tpu.region"() ({
        %run_scoped3A = tpu.sem_alloc : memref<!tpu.dma_semaphore, #tpu.memory_space<semaphore_mem>>
        %dma_start3A_40 = arith.constant 0 : i32
        %dma_start3A_41 = tpu.memref_slice %arg6[%add3A_39, %dma_start3A_40] : memref<20000x128xf32, #tpu.memory_space<hbm>> -> memref<520x128xf32, #tpu.memory_space<hbm>>
        %dma_start3A_42 = arith.constant 9480 : i32
        %dma_start3A_43 = arith.constant 0 : i32
        %dma_start3A_44 = tpu.memref_slice %arg7[%dma_start3A_42, %dma_start3A_43] : memref<10240x128xf32, #tpu.memory_space<vmem_shared>> -> memref<520x128xf32, #tpu.memory_space<vmem_shared>>
        tpu.enqueue_dma source(%dma_start3A_44 : memref<520x128xf32, #tpu.memory_space<vmem_shared>>) target(%dma_start3A_41 : memref<520x128xf32, #tpu.memory_space<hbm>>) target_semaphore(%run_scoped3A : memref<!tpu.dma_semaphore, #tpu.memory_space<semaphore_mem>>)
        %dma_wait3A = arith.constant 0 : i32
        %dma_wait3A_45 = tpu.memref_slice %arg6[%add3A_39, %dma_wait3A] : memref<20000x128xf32, #tpu.memory_space<hbm>> -> memref<520x128xf32, #tpu.memory_space<hbm>>
        %dma_wait3A_46 = arith.constant 9480 : i32
        %dma_wait3A_47 = arith.constant 0 : i32
        %dma_wait3A_48 = tpu.memref_slice %arg7[%dma_wait3A_46, %dma_wait3A_47] : memref<10240x128xf32, #tpu.memory_space<vmem_shared>> -> memref<520x128xf32, #tpu.memory_space<vmem_shared>>
        tpu.wait_dma2 semaphore(%run_scoped3A : memref<!tpu.dma_semaphore, #tpu.memory_space<semaphore_mem>>) src(%dma_wait3A_48 : memref<520x128xf32, #tpu.memory_space<vmem_shared>>) dst(%dma_wait3A_45 : memref<520x128xf32, #tpu.memory_space<hbm>>)
        tpu.yield
      }) : () -> ()
    } else {
    }
    return
  }
}

module attributes {stable_mosaic.version = 14 : i64} {
  func.func @_mlp_body(%arg0: i32, %arg1: memref<2000x128xf32, #tpu.memory_space<vmem>>, %arg2: memref<2000x128xf32, #tpu.memory_space<vmem>>, %arg3: memref<2000x128xf32, #tpu.memory_space<vmem>>, %arg4: memref<128x256xf32, #tpu.memory_space<vmem>>, %arg5: memref<1x256xf32, #tpu.memory_space<vmem>>, %arg6: memref<1x256xf32, #tpu.memory_space<vmem>>, %arg7: memref<1x256xf32, #tpu.memory_space<vmem>>, %arg8: memref<256x128xf32, #tpu.memory_space<vmem>>, %arg9: memref<1x128xf32, #tpu.memory_space<vmem>>, %arg10: memref<1x128xf32, #tpu.memory_space<vmem>>, %arg11: memref<1x128xf32, #tpu.memory_space<vmem>>, %arg12: memref<1x128xf32, #tpu.memory_space<vmem>>, %arg13: memref<2000x128xf32, #tpu.memory_space<vmem>>) attributes {dimension_semantics = [#tpu.dimension_semantics<arbitrary>], iteration_bounds = array<i64: 5>, scalar_prefetch = 0 : i64, scratch_operands = 0 : i64, tpu.core_type = #tpu.core_type<tc>, window_params = [{transform_indices = @transform_0, window_bounds = array<i64: 2000, 128>}, {transform_indices = @transform_1, window_bounds = array<i64: 2000, 128>}, {transform_indices = @transform_2, window_bounds = array<i64: 2000, 128>}, {pipeline_mode = #tpu.pipeline_mode<synchronous>, transform_indices = @transform_3, window_bounds = array<i64: 128, 256>}, {pipeline_mode = #tpu.pipeline_mode<synchronous>, transform_indices = @transform_4, window_bounds = array<i64: 1, 256>}, {pipeline_mode = #tpu.pipeline_mode<synchronous>, transform_indices = @transform_5, window_bounds = array<i64: 1, 256>}, {pipeline_mode = #tpu.pipeline_mode<synchronous>, transform_indices = @transform_6, window_bounds = array<i64: 1, 256>}, {pipeline_mode = #tpu.pipeline_mode<synchronous>, transform_indices = @transform_7, window_bounds = array<i64: 256, 128>}, {pipeline_mode = #tpu.pipeline_mode<synchronous>, transform_indices = @transform_8, window_bounds = array<i64: 1, 128>}, {pipeline_mode = #tpu.pipeline_mode<synchronous>, transform_indices = @transform_9, window_bounds = array<i64: 1, 128>}, {pipeline_mode = #tpu.pipeline_mode<synchronous>, transform_indices = @transform_10, window_bounds = array<i64: 1, 128>}, {pipeline_mode = #tpu.pipeline_mode<synchronous>, transform_indices = @transform_11, window_bounds = array<i64: 1, 128>}, {transform_indices = @transform_12, window_bounds = array<i64: 2000, 128>}]} {
    %get3A = arith.constant 0 : index
    %get3A_0 = arith.constant 0 : index
    %get3A_1 = vector.load %arg1[%get3A, %get3A_0] : memref<2000x128xf32, #tpu.memory_space<vmem>>, vector<2000x128xf32>
    %get3A_2 = arith.constant 0 : index
    %get3A_3 = arith.constant 0 : index
    %get3A_4 = vector.load %arg2[%get3A_2, %get3A_3] : memref<2000x128xf32, #tpu.memory_space<vmem>>, vector<2000x128xf32>
    %add3A = arith.addf %get3A_1, %get3A_4 : vector<2000x128xf32>
    %get3A_5 = arith.constant 0 : index
    %get3A_6 = arith.constant 0 : index
    %get3A_7 = vector.load %arg3[%get3A_5, %get3A_6] : memref<2000x128xf32, #tpu.memory_space<vmem>>, vector<2000x128xf32>
    %add3A_8 = arith.addf %add3A, %get3A_7 : vector<2000x128xf32>
    %get3A_9 = arith.constant 0 : index
    %get3A_10 = arith.constant 0 : index
    %get3A_11 = vector.load %arg4[%get3A_9, %get3A_10] : memref<128x256xf32, #tpu.memory_space<vmem>>, vector<128x256xf32>
    %dot_general3A = arith.constant dense<0.000000e+00> : vector<2000x256xf32>
    %dot_general3A_12 = tpu.matmul %add3A_8, %get3A_11, %dot_general3A {dimension_numbers = #tpu.dot_dimension_numbers<[1], [0], [0], [1], [0, 0, 1, 1], [], []>, transpose_lhs_hint = false} : vector<2000x128xf32>, vector<128x256xf32>, vector<2000x256xf32> -> vector<2000x256xf32>
    %get3A_13 = arith.constant 0 : index
    %get3A_14 = arith.constant 0 : index
    %get3A_15 = vector.load %arg5[%get3A_13, %get3A_14] : memref<1x256xf32, #tpu.memory_space<vmem>>, vector<1x256xf32>
    %add3A_16 = vector.broadcast %get3A_15 : vector<1x256xf32> to vector<2000x256xf32>
    %add3A_17 = arith.addf %dot_general3A_12, %add3A_16 : vector<2000x256xf32>
    %get3A_18 = arith.constant 0 : index
    %get3A_19 = arith.constant 0 : index
    %get3A_20 = vector.load %arg6[%get3A_18, %get3A_19] : memref<1x256xf32, #tpu.memory_space<vmem>>, vector<1x256xf32>
    %mul3A = vector.broadcast %get3A_20 : vector<1x256xf32> to vector<2000x256xf32>
    %mul3A_21 = arith.mulf %add3A_17, %mul3A : vector<2000x256xf32>
    %get3A_22 = arith.constant 0 : index
    %get3A_23 = arith.constant 0 : index
    %get3A_24 = vector.load %arg7[%get3A_22, %get3A_23] : memref<1x256xf32, #tpu.memory_space<vmem>>, vector<1x256xf32>
    %add3A_25 = vector.broadcast %get3A_24 : vector<1x256xf32> to vector<2000x256xf32>
    %add3A_26 = arith.addf %mul3A_21, %add3A_25 : vector<2000x256xf32>
    %max3A = arith.constant 0.000000e+00 : f32
    %max3A_27 = vector.broadcast %max3A : f32 to vector<2000x256xf32>
    %max3A_28 = arith.maximumf %add3A_26, %max3A_27 : vector<2000x256xf32>
    %get3A_29 = arith.constant 0 : index
    %get3A_30 = arith.constant 0 : index
    %get3A_31 = vector.load %arg8[%get3A_29, %get3A_30] : memref<256x128xf32, #tpu.memory_space<vmem>>, vector<256x128xf32>
    %dot_general3A_32 = arith.constant dense<0.000000e+00> : vector<2000x128xf32>
    %dot_general3A_33 = tpu.matmul %max3A_28, %get3A_31, %dot_general3A_32 {dimension_numbers = #tpu.dot_dimension_numbers<[1], [0], [0], [1], [0, 0, 1, 1], [], []>, transpose_lhs_hint = false} : vector<2000x256xf32>, vector<256x128xf32>, vector<2000x128xf32> -> vector<2000x128xf32>
    %get3A_34 = arith.constant 0 : index
    %get3A_35 = arith.constant 0 : index
    %get3A_36 = vector.load %arg9[%get3A_34, %get3A_35] : memref<1x128xf32, #tpu.memory_space<vmem>>, vector<1x128xf32>
    %add3A_37 = vector.broadcast %get3A_36 : vector<1x128xf32> to vector<2000x128xf32>
    %add3A_38 = arith.addf %dot_general3A_33, %add3A_37 : vector<2000x128xf32>
    %get3A_39 = arith.constant 0 : index
    %get3A_40 = arith.constant 0 : index
    %get3A_41 = vector.load %arg10[%get3A_39, %get3A_40] : memref<1x128xf32, #tpu.memory_space<vmem>>, vector<1x128xf32>
    %mul3A_42 = vector.broadcast %get3A_41 : vector<1x128xf32> to vector<2000x128xf32>
    %mul3A_43 = arith.mulf %add3A_38, %mul3A_42 : vector<2000x128xf32>
    %get3A_44 = arith.constant 0 : index
    %get3A_45 = arith.constant 0 : index
    %get3A_46 = vector.load %arg11[%get3A_44, %get3A_45] : memref<1x128xf32, #tpu.memory_space<vmem>>, vector<1x128xf32>
    %add3A_47 = vector.broadcast %get3A_46 : vector<1x128xf32> to vector<2000x128xf32>
    %add3A_48 = arith.addf %mul3A_43, %add3A_47 : vector<2000x128xf32>
    %max3A_49 = arith.constant 0.000000e+00 : f32
    %max3A_50 = vector.broadcast %max3A_49 : f32 to vector<2000x128xf32>
    %max3A_51 = arith.maximumf %add3A_48, %max3A_50 : vector<2000x128xf32>
    %get3A_52 = arith.constant 0 : index
    %get3A_53 = arith.constant 0 : index
    %get3A_54 = vector.load %arg12[%get3A_52, %get3A_53] : memref<1x128xf32, #tpu.memory_space<vmem>>, vector<1x128xf32>
    %add3A_55 = vector.broadcast %get3A_54 : vector<1x128xf32> to vector<2000x128xf32>
    %add3A_56 = arith.addf %max3A_51, %add3A_55 : vector<2000x128xf32>
    %swap3A = arith.constant 0 : index
    %swap3A_57 = arith.constant 0 : index
    %swap3A_58 = vector.load %arg13[%swap3A, %swap3A_57] : memref<2000x128xf32, #tpu.memory_space<vmem>>, vector<2000x128xf32>
    tpu.vector_store %arg13[%swap3A, %swap3A_57], %add3A_56 {strides = array<i32>} : memref<2000x128xf32, #tpu.memory_space<vmem>>, vector<2000x128xf32>,
    return
  }
  func.func @transform_0(%arg0: i32) -> (i32, i32) {
    %c0_i32 = arith.constant 0 : i32
    %c0_i32_0 = arith.constant 0 : i32
    return %arg0, %c0_i32 : i32, i32
  }
  func.func @transform_1(%arg0: i32) -> (i32, i32) {
    %c0_i32 = arith.constant 0 : i32
    %c0_i32_0 = arith.constant 0 : i32
    return %arg0, %c0_i32 : i32, i32
  }
  func.func @transform_2(%arg0: i32) -> (i32, i32) {
    %add3A = arith.constant 5 : i32
    %add3A_0 = arith.addi %arg0, %add3A : i32
    %c0_i32 = arith.constant 0 : i32
    %c0_i32_1 = arith.constant 0 : i32
    return %add3A_0, %c0_i32 : i32, i32
  }
  func.func @transform_3(%arg0: i32) -> (i32, i32) {
    %c0_i32 = arith.constant 0 : i32
    %c0_i32_0 = arith.constant 0 : i32
    %c0_i32_1 = arith.constant 0 : i32
    return %c0_i32, %c0_i32_0 : i32, i32
  }
  func.func @transform_4(%arg0: i32) -> (i32, i32) {
    %c0_i32 = arith.constant 0 : i32
    %c0_i32_0 = arith.constant 0 : i32
    %c0_i32_1 = arith.constant 0 : i32
    return %c0_i32, %c0_i32_0 : i32, i32
  }
  func.func @transform_5(%arg0: i32) -> (i32, i32) {
    %c0_i32 = arith.constant 0 : i32
    %c0_i32_0 = arith.constant 0 : i32
    %c0_i32_1 = arith.constant 0 : i32
    return %c0_i32, %c0_i32_0 : i32, i32
  }
  func.func @transform_6(%arg0: i32) -> (i32, i32) {
    %c0_i32 = arith.constant 0 : i32
    %c0_i32_0 = arith.constant 0 : i32
    %c0_i32_1 = arith.constant 0 : i32
    return %c0_i32, %c0_i32_0 : i32, i32
  }
  func.func @transform_7(%arg0: i32) -> (i32, i32) {
    %c0_i32 = arith.constant 0 : i32
    %c0_i32_0 = arith.constant 0 : i32
    %c0_i32_1 = arith.constant 0 : i32
    return %c0_i32, %c0_i32_0 : i32, i32
  }
  func.func @transform_8(%arg0: i32) -> (i32, i32) {
    %c0_i32 = arith.constant 0 : i32
    %c0_i32_0 = arith.constant 0 : i32
    %c0_i32_1 = arith.constant 0 : i32
    return %c0_i32, %c0_i32_0 : i32, i32
  }
  func.func @transform_9(%arg0: i32) -> (i32, i32) {
    %c0_i32 = arith.constant 0 : i32
    %c0_i32_0 = arith.constant 0 : i32
    %c0_i32_1 = arith.constant 0 : i32
    return %c0_i32, %c0_i32_0 : i32, i32
  }
  func.func @transform_10(%arg0: i32) -> (i32, i32) {
    %c0_i32 = arith.constant 0 : i32
    %c0_i32_0 = arith.constant 0 : i32
    %c0_i32_1 = arith.constant 0 : i32
    return %c0_i32, %c0_i32_0 : i32, i32
  }
  func.func @transform_11(%arg0: i32) -> (i32, i32) {
    %c0_i32 = arith.constant 0 : i32
    %c0_i32_0 = arith.constant 0 : i32
    %c0_i32_1 = arith.constant 0 : i32
    return %c0_i32, %c0_i32_0 : i32, i32
  }
  func.func @transform_12(%arg0: i32) -> (i32, i32) {
    %c0_i32 = arith.constant 0 : i32
    %c0_i32_0 = arith.constant 0 : i32
    return %arg0, %c0_i32 : i32, i32
  }
}

module attributes {stable_mosaic.version = 14 : i64} {
  func.func @_pool_body(%arg0: i32, %arg1: memref<2000x128xf32, #tpu.memory_space<vmem>>, %arg2: memref<2000x1xf32, #tpu.memory_space<vmem>>, %arg3: memref<128x128xf32, #tpu.memory_space<vmem>>, %arg4: memref<128x128xf32, #tpu.memory_space<vmem>>, %arg5: memref<128x128xf32, #tpu.memory_space<vmem>>, %arg6: memref<128x128xf32, #tpu.memory_space<vmem>>) attributes {dimension_semantics = [#tpu.dimension_semantics<arbitrary>], iteration_bounds = array<i64: 5>, scalar_prefetch = 0 : i64, scratch_operands = 2 : i64, tpu.core_type = #tpu.core_type<tc>, window_params = [{transform_indices = @transform_0, window_bounds = array<i64: 2000, 128>}, {transform_indices = @transform_1, window_bounds = array<i64: 2000, 1>}, {pipeline_mode = #tpu.pipeline_mode<synchronous>, transform_indices = @transform_2, window_bounds = array<i64: 128, 128>}, {pipeline_mode = #tpu.pipeline_mode<synchronous>, transform_indices = @transform_3, window_bounds = array<i64: 128, 128>}]} {
    %eq3A = arith.constant 0 : i32
    %eq3A_0 = arith.cmpi eq, %arg0, %eq3A : i32
    %convert_element_type3A = arith.extui %eq3A_0 : i1 to i32
    %cond3A = arith.constant 0 : i32
    %cond3A_1 = arith.cmpi ne, %convert_element_type3A, %cond3A : i32
    scf.if %cond3A_1 {
      %broadcast_in_dim3A_34 = arith.constant 0.000000e+00 : f32
      %broadcast_in_dim3A_35 = vector.broadcast %broadcast_in_dim3A_34 : f32 to vector<128x128xf32>
      %swap3A_36 = arith.constant 0 : index
      %swap3A_37 = arith.constant 0 : index
      %swap3A_38 = vector.load %arg5[%swap3A_36, %swap3A_37] : memref<128x128xf32, #tpu.memory_space<vmem>>, vector<128x128xf32>
      tpu.vector_store %arg5[%swap3A_36, %swap3A_37], %broadcast_in_dim3A_35 {strides = array<i32>} : memref<128x128xf32, #tpu.memory_space<vmem>>, vector<128x128xf32>,
      %broadcast_in_dim3A_39 = arith.constant 0.000000e+00 : f32
      %broadcast_in_dim3A_40 = vector.broadcast %broadcast_in_dim3A_39 : f32 to vector<128x128xf32>
      %swap3A_41 = arith.constant 0 : index
      %swap3A_42 = arith.constant 0 : index
      %swap3A_43 = vector.load %arg6[%swap3A_41, %swap3A_42] : memref<128x128xf32, #tpu.memory_space<vmem>>, vector<128x128xf32>
      tpu.vector_store %arg6[%swap3A_41, %swap3A_42], %broadcast_in_dim3A_40 {strides = array<i32>} : memref<128x128xf32, #tpu.memory_space<vmem>>, vector<128x128xf32>,
    } else {
    }
    %iota3A = tpu.iota {dimensions = array<i32: 1>} : vector<2000x128xi32>
    %convert_element_type3A_2 = arith.sitofp %iota3A : vector<2000x128xi32> to vector<2000x128xf32>
    %get3A = arith.constant 0 : index
    %get3A_3 = arith.constant 0 : index
    %get3A_4 = vector.load %arg2[%get3A, %get3A_3] : memref<2000x1xf32, #tpu.memory_space<vmem>>, vector<2000x1xf32>
    %eq3A_5 = vector.broadcast %get3A_4 : vector<2000x1xf32> to vector<2000x128xf32>
    %eq3A_6 = arith.cmpf oeq, %eq3A_5, %convert_element_type3A_2 : vector<2000x128xf32>
    %jit3A = arith.constant 1.000000e+00 : f32
    %jit3A_7 = arith.constant 0.000000e+00 : f32
    %broadcast_in_dim3A = vector.broadcast %jit3A : f32 to vector<2000x128xf32>
    %broadcast_in_dim3A_8 = vector.broadcast %jit3A_7 : f32 to vector<2000x128xf32>
    %select_n3A = arith.select %eq3A_6, %broadcast_in_dim3A, %broadcast_in_dim3A_8 : vector<2000x128xi1>, vector<2000x128xf32>
    %get3A_9 = arith.constant 0 : index
    %get3A_10 = arith.constant 0 : index
    %get3A_11 = vector.load %arg5[%get3A_9, %get3A_10] : memref<128x128xf32, #tpu.memory_space<vmem>>, vector<128x128xf32>
    %get3A_12 = arith.constant 0 : index
    %get3A_13 = arith.constant 0 : index
    %get3A_14 = vector.load %arg1[%get3A_12, %get3A_13] : memref<2000x128xf32, #tpu.memory_space<vmem>>, vector<2000x128xf32>
    %dot_general3A = arith.constant dense<0.000000e+00> : vector<128x128xf32>
    %dot_general3A_15 = tpu.matmul %select_n3A, %get3A_14, %dot_general3A {dimension_numbers = #tpu.dot_dimension_numbers<[0], [0], [1], [1], [0, 1, 1, 1], [], []>, transpose_lhs_hint = false} : vector<2000x128xf32>, vector<2000x128xf32>, vector<128x128xf32> -> vector<128x128xf32>
    %add3A = arith.addf %get3A_11, %dot_general3A_15 : vector<128x128xf32>
    %swap3A = arith.constant 0 : index
    %swap3A_16 = arith.constant 0 : index
    %swap3A_17 = vector.load %arg5[%swap3A, %swap3A_16] : memref<128x128xf32, #tpu.memory_space<vmem>>, vector<128x128xf32>
    tpu.vector_store %arg5[%swap3A, %swap3A_16], %add3A {strides = array<i32>} : memref<128x128xf32, #tpu.memory_space<vmem>>, vector<128x128xf32>,
    %get3A_18 = arith.constant 0 : index
    %get3A_19 = arith.constant 0 : index
    %get3A_20 = vector.load %arg6[%get3A_18, %get3A_19] : memref<128x128xf32, #tpu.memory_space<vmem>>, vector<128x128xf32>
    %broadcast_in_dim3A_21 = arith.constant 1.000000e+00 : f32
    %broadcast_in_dim3A_22 = vector.broadcast %broadcast_in_dim3A_21 : f32 to vector<2000x128xf32>
    %dot_general3A_23 = arith.constant dense<0.000000e+00> : vector<128x128xf32>
    %dot_general3A_24 = tpu.matmul %select_n3A, %broadcast_in_dim3A_22, %dot_general3A_23 {dimension_numbers = #tpu.dot_dimension_numbers<[0], [0], [1], [1], [0, 1, 1, 1], [], []>, transpose_lhs_hint = false} : vector<2000x128xf32>, vector<2000x128xf32>, vector<128x128xf32> -> vector<128x128xf32>
    %add3A_25 = arith.addf %get3A_20, %dot_general3A_24 : vector<128x128xf32>
    %swap3A_26 = arith.constant 0 : index
    %swap3A_27 = arith.constant 0 : index
    %swap3A_28 = vector.load %arg6[%swap3A_26, %swap3A_27] : memref<128x128xf32, #tpu.memory_space<vmem>>, vector<128x128xf32>
    tpu.vector_store %arg6[%swap3A_26, %swap3A_27], %add3A_25 {strides = array<i32>} : memref<128x128xf32, #tpu.memory_space<vmem>>, vector<128x128xf32>,
    %eq3A_29 = arith.constant 4 : i32
    %eq3A_30 = arith.cmpi eq, %arg0, %eq3A_29 : i32
    %convert_element_type3A_31 = arith.extui %eq3A_30 : i1 to i32
    %cond3A_32 = arith.constant 0 : i32
    %cond3A_33 = arith.cmpi ne, %convert_element_type3A_31, %cond3A_32 : i32
    scf.if %cond3A_33 {
      %get3A_34 = arith.constant 0 : index
      %get3A_35 = arith.constant 0 : index
      %get3A_36 = vector.load %arg5[%get3A_34, %get3A_35] : memref<128x128xf32, #tpu.memory_space<vmem>>, vector<128x128xf32>
      %swap3A_37 = arith.constant 0 : index
      %swap3A_38 = arith.constant 0 : index
      %swap3A_39 = vector.load %arg3[%swap3A_37, %swap3A_38] : memref<128x128xf32, #tpu.memory_space<vmem>>, vector<128x128xf32>
      tpu.vector_store %arg3[%swap3A_37, %swap3A_38], %get3A_36 {strides = array<i32>} : memref<128x128xf32, #tpu.memory_space<vmem>>, vector<128x128xf32>,
      %get3A_40 = arith.constant 0 : index
      %get3A_41 = arith.constant 0 : index
      %get3A_42 = vector.load %arg5[%get3A_40, %get3A_41] : memref<128x128xf32, #tpu.memory_space<vmem>>, vector<128x128xf32>
      %get3A_43 = arith.constant 0 : index
      %get3A_44 = arith.constant 0 : index
      %get3A_45 = vector.load %arg6[%get3A_43, %get3A_44] : memref<128x128xf32, #tpu.memory_space<vmem>>, vector<128x128xf32>
      %max3A = arith.constant 1.000000e+00 : f32
      %max3A_46 = vector.broadcast %max3A : f32 to vector<128x128xf32>
      %max3A_47 = arith.maximumf %get3A_45, %max3A_46 : vector<128x128xf32>
      %div3A = arith.divf %get3A_42, %max3A_47 : vector<128x128xf32>
      %swap3A_48 = arith.constant 0 : index
      %swap3A_49 = arith.constant 0 : index
      %swap3A_50 = vector.load %arg4[%swap3A_48, %swap3A_49] : memref<128x128xf32, #tpu.memory_space<vmem>>, vector<128x128xf32>
      tpu.vector_store %arg4[%swap3A_48, %swap3A_49], %div3A {strides = array<i32>} : memref<128x128xf32, #tpu.memory_space<vmem>>, vector<128x128xf32>,
    } else {
    }
    return
  }
  func.func @transform_0(%arg0: i32) -> (i32, i32) {
    %c0_i32 = arith.constant 0 : i32
    %c0_i32_0 = arith.constant 0 : i32
    return %arg0, %c0_i32 : i32, i32
  }
  func.func @transform_1(%arg0: i32) -> (i32, i32) {
    %c0_i32 = arith.constant 0 : i32
    %c0_i32_0 = arith.constant 0 : i32
    return %arg0, %c0_i32 : i32, i32
  }
  func.func @transform_2(%arg0: i32) -> (i32, i32) {
    %c0_i32 = arith.constant 0 : i32
    %c0_i32_0 = arith.constant 0 : i32
    %c0_i32_1 = arith.constant 0 : i32
    return %c0_i32, %c0_i32_0 : i32, i32
  }
  func.func @transform_3(%arg0: i32) -> (i32, i32) {
    %c0_i32 = arith.constant 0 : i32
    %c0_i32_0 = arith.constant 0 : i32
    %c0_i32_1 = arith.constant 0 : i32
    return %c0_i32, %c0_i32_0 : i32, i32
  }
}

module attributes {stable_mosaic.version = 14 : i64} {
  func.func @_vmlp_body(%arg0: memref<128x128xf32, #tpu.memory_space<vmem>>, %arg1: memref<1x128xf32, #tpu.memory_space<vmem>>, %arg2: memref<128x256xf32, #tpu.memory_space<vmem>>, %arg3: memref<1x256xf32, #tpu.memory_space<vmem>>, %arg4: memref<1x256xf32, #tpu.memory_space<vmem>>, %arg5: memref<1x256xf32, #tpu.memory_space<vmem>>, %arg6: memref<256x128xf32, #tpu.memory_space<vmem>>, %arg7: memref<1x128xf32, #tpu.memory_space<vmem>>, %arg8: memref<1x128xf32, #tpu.memory_space<vmem>>, %arg9: memref<1x128xf32, #tpu.memory_space<vmem>>, %arg10: memref<128x128xf32, #tpu.memory_space<vmem>>) attributes {dimension_semantics = [], scalar_prefetch = 0 : i64, scratch_operands = 0 : i64, tpu.core_type = #tpu.core_type<tc>} {
    %get3A = arith.constant 0 : index
    %get3A_0 = arith.constant 0 : index
    %get3A_1 = vector.load %arg0[%get3A, %get3A_0] : memref<128x128xf32, #tpu.memory_space<vmem>>, vector<128x128xf32>
    %get3A_2 = arith.constant 0 : index
    %get3A_3 = arith.constant 0 : index
    %get3A_4 = vector.load %arg1[%get3A_2, %get3A_3] : memref<1x128xf32, #tpu.memory_space<vmem>>, vector<1x128xf32>
    %add3A = vector.broadcast %get3A_4 : vector<1x128xf32> to vector<128x128xf32>
    %add3A_5 = arith.addf %get3A_1, %add3A : vector<128x128xf32>
    %get3A_6 = arith.constant 0 : index
    %get3A_7 = arith.constant 0 : index
    %get3A_8 = vector.load %arg2[%get3A_6, %get3A_7] : memref<128x256xf32, #tpu.memory_space<vmem>>, vector<128x256xf32>
    %dot_general3A = arith.constant dense<0.000000e+00> : vector<128x256xf32>
    %dot_general3A_9 = tpu.matmul %add3A_5, %get3A_8, %dot_general3A {dimension_numbers = #tpu.dot_dimension_numbers<[1], [0], [0], [1], [0, 0, 1, 1], [], []>, transpose_lhs_hint = false} : vector<128x128xf32>, vector<128x256xf32>, vector<128x256xf32> -> vector<128x256xf32>
    %get3A_10 = arith.constant 0 : index
    %get3A_11 = arith.constant 0 : index
    %get3A_12 = vector.load %arg3[%get3A_10, %get3A_11] : memref<1x256xf32, #tpu.memory_space<vmem>>, vector<1x256xf32>
    %add3A_13 = vector.broadcast %get3A_12 : vector<1x256xf32> to vector<128x256xf32>
    %add3A_14 = arith.addf %dot_general3A_9, %add3A_13 : vector<128x256xf32>
    %get3A_15 = arith.constant 0 : index
    %get3A_16 = arith.constant 0 : index
    %get3A_17 = vector.load %arg4[%get3A_15, %get3A_16] : memref<1x256xf32, #tpu.memory_space<vmem>>, vector<1x256xf32>
    %mul3A = vector.broadcast %get3A_17 : vector<1x256xf32> to vector<128x256xf32>
    %mul3A_18 = arith.mulf %add3A_14, %mul3A : vector<128x256xf32>
    %get3A_19 = arith.constant 0 : index
    %get3A_20 = arith.constant 0 : index
    %get3A_21 = vector.load %arg5[%get3A_19, %get3A_20] : memref<1x256xf32, #tpu.memory_space<vmem>>, vector<1x256xf32>
    %add3A_22 = vector.broadcast %get3A_21 : vector<1x256xf32> to vector<128x256xf32>
    %add3A_23 = arith.addf %mul3A_18, %add3A_22 : vector<128x256xf32>
    %max3A = arith.constant 0.000000e+00 : f32
    %max3A_24 = vector.broadcast %max3A : f32 to vector<128x256xf32>
    %max3A_25 = arith.maximumf %add3A_23, %max3A_24 : vector<128x256xf32>
    %get3A_26 = arith.constant 0 : index
    %get3A_27 = arith.constant 0 : index
    %get3A_28 = vector.load %arg6[%get3A_26, %get3A_27] : memref<256x128xf32, #tpu.memory_space<vmem>>, vector<256x128xf32>
    %dot_general3A_29 = arith.constant dense<0.000000e+00> : vector<128x128xf32>
    %dot_general3A_30 = tpu.matmul %max3A_25, %get3A_28, %dot_general3A_29 {dimension_numbers = #tpu.dot_dimension_numbers<[1], [0], [0], [1], [0, 0, 1, 1], [], []>, transpose_lhs_hint = false} : vector<128x256xf32>, vector<256x128xf32>, vector<128x128xf32> -> vector<128x128xf32>
    %get3A_31 = arith.constant 0 : index
    %get3A_32 = arith.constant 0 : index
    %get3A_33 = vector.load %arg7[%get3A_31, %get3A_32] : memref<1x128xf32, #tpu.memory_space<vmem>>, vector<1x128xf32>
    %add3A_34 = vector.broadcast %get3A_33 : vector<1x128xf32> to vector<128x128xf32>
    %add3A_35 = arith.addf %dot_general3A_30, %add3A_34 : vector<128x128xf32>
    %get3A_36 = arith.constant 0 : index
    %get3A_37 = arith.constant 0 : index
    %get3A_38 = vector.load %arg8[%get3A_36, %get3A_37] : memref<1x128xf32, #tpu.memory_space<vmem>>, vector<1x128xf32>
    %mul3A_39 = vector.broadcast %get3A_38 : vector<1x128xf32> to vector<128x128xf32>
    %mul3A_40 = arith.mulf %add3A_35, %mul3A_39 : vector<128x128xf32>
    %get3A_41 = arith.constant 0 : index
    %get3A_42 = arith.constant 0 : index
    %get3A_43 = vector.load %arg9[%get3A_41, %get3A_42] : memref<1x128xf32, #tpu.memory_space<vmem>>, vector<1x128xf32>
    %add3A_44 = vector.broadcast %get3A_43 : vector<1x128xf32> to vector<128x128xf32>
    %add3A_45 = arith.addf %mul3A_40, %add3A_44 : vector<128x128xf32>
    %max3A_46 = arith.constant 0.000000e+00 : f32
    %max3A_47 = vector.broadcast %max3A_46 : f32 to vector<128x128xf32>
    %max3A_48 = arith.maximumf %add3A_45, %max3A_47 : vector<128x128xf32>
    %swap3A = arith.constant 0 : index
    %swap3A_49 = arith.constant 0 : index
    %swap3A_50 = vector.load %arg10[%swap3A, %swap3A_49] : memref<128x128xf32, #tpu.memory_space<vmem>>, vector<128x128xf32>
    tpu.vector_store %arg10[%swap3A, %swap3A_49], %max3A_48 {strides = array<i32>} : memref<128x128xf32, #tpu.memory_space<vmem>>, vector<128x128xf32>,
    return
  }
}

module attributes {stable_mosaic.version = 14 : i64} {
  func.func @_gadd_body(%arg0: i32, %arg1: memref<2000x128xf32, #tpu.memory_space<vmem>>, %arg2: memref<2000x1xf32, #tpu.memory_space<vmem>>, %arg3: memref<128x128xf32, #tpu.memory_space<vmem>>, %arg4: memref<2000x128xf32, #tpu.memory_space<vmem>>) attributes {dimension_semantics = [#tpu.dimension_semantics<arbitrary>], iteration_bounds = array<i64: 5>, scalar_prefetch = 0 : i64, scratch_operands = 0 : i64, tpu.core_type = #tpu.core_type<tc>, window_params = [{transform_indices = @transform_0, window_bounds = array<i64: 2000, 128>}, {transform_indices = @transform_1, window_bounds = array<i64: 2000, 1>}, {pipeline_mode = #tpu.pipeline_mode<synchronous>, transform_indices = @transform_2, window_bounds = array<i64: 128, 128>}, {transform_indices = @transform_3, window_bounds = array<i64: 2000, 128>}]} {
    %iota3A = tpu.iota {dimensions = array<i32: 1>} : vector<2000x128xi32>
    %convert_element_type3A = arith.sitofp %iota3A : vector<2000x128xi32> to vector<2000x128xf32>
    %get3A = arith.constant 0 : index
    %get3A_0 = arith.constant 0 : index
    %get3A_1 = vector.load %arg2[%get3A, %get3A_0] : memref<2000x1xf32, #tpu.memory_space<vmem>>, vector<2000x1xf32>
    %eq3A = vector.broadcast %get3A_1 : vector<2000x1xf32> to vector<2000x128xf32>
    %eq3A_2 = arith.cmpf oeq, %eq3A, %convert_element_type3A : vector<2000x128xf32>
    %jit3A = arith.constant 1.000000e+00 : f32
    %jit3A_3 = arith.constant 0.000000e+00 : f32
    %broadcast_in_dim3A = vector.broadcast %jit3A : f32 to vector<2000x128xf32>
    %broadcast_in_dim3A_4 = vector.broadcast %jit3A_3 : f32 to vector<2000x128xf32>
    %select_n3A = arith.select %eq3A_2, %broadcast_in_dim3A, %broadcast_in_dim3A_4 : vector<2000x128xi1>, vector<2000x128xf32>
    %get3A_5 = arith.constant 0 : index
    %get3A_6 = arith.constant 0 : index
    %get3A_7 = vector.load %arg1[%get3A_5, %get3A_6] : memref<2000x128xf32, #tpu.memory_space<vmem>>, vector<2000x128xf32>
    %get3A_8 = arith.constant 0 : index
    %get3A_9 = arith.constant 0 : index
    %get3A_10 = vector.load %arg3[%get3A_8, %get3A_9] : memref<128x128xf32, #tpu.memory_space<vmem>>, vector<128x128xf32>
    %dot_general3A = arith.constant dense<0.000000e+00> : vector<2000x128xf32>
    %dot_general3A_11 = tpu.matmul %select_n3A, %get3A_10, %dot_general3A {dimension_numbers = #tpu.dot_dimension_numbers<[1], [0], [0], [1], [0, 0, 1, 1], [], []>, transpose_lhs_hint = false} : vector<2000x128xf32>, vector<128x128xf32>, vector<2000x128xf32> -> vector<2000x128xf32>
    %add3A = arith.addf %get3A_7, %dot_general3A_11 : vector<2000x128xf32>
    %swap3A = arith.constant 0 : index
    %swap3A_12 = arith.constant 0 : index
    %swap3A_13 = vector.load %arg4[%swap3A, %swap3A_12] : memref<2000x128xf32, #tpu.memory_space<vmem>>, vector<2000x128xf32>
    tpu.vector_store %arg4[%swap3A, %swap3A_12], %add3A {strides = array<i32>} : memref<2000x128xf32, #tpu.memory_space<vmem>>, vector<2000x128xf32>,
    return
  }
  func.func @transform_0(%arg0: i32) -> (i32, i32) {
    %c0_i32 = arith.constant 0 : i32
    %c0_i32_0 = arith.constant 0 : i32
    return %arg0, %c0_i32 : i32, i32
  }
  func.func @transform_1(%arg0: i32) -> (i32, i32) {
    %c0_i32 = arith.constant 0 : i32
    %c0_i32_0 = arith.constant 0 : i32
    return %arg0, %c0_i32 : i32, i32
  }
  func.func @transform_2(%arg0: i32) -> (i32, i32) {
    %c0_i32 = arith.constant 0 : i32
    %c0_i32_0 = arith.constant 0 : i32
    %c0_i32_1 = arith.constant 0 : i32
    return %c0_i32, %c0_i32_0 : i32, i32
  }
  func.func @transform_3(%arg0: i32) -> (i32, i32) {
    %c0_i32 = arith.constant 0 : i32
    %c0_i32_0 = arith.constant 0 : i32
    return %arg0, %c0_i32 : i32, i32
  }
}

module attributes {stable_mosaic.version = 14 : i64} {
  func.func @_mlp_body(%arg0: i32, %arg1: memref<2000x128xf32, #tpu.memory_space<vmem>>, %arg2: memref<2000x128xf32, #tpu.memory_space<vmem>>, %arg3: memref<2000x128xf32, #tpu.memory_space<vmem>>, %arg4: memref<128x256xf32, #tpu.memory_space<vmem>>, %arg5: memref<1x256xf32, #tpu.memory_space<vmem>>, %arg6: memref<1x256xf32, #tpu.memory_space<vmem>>, %arg7: memref<1x256xf32, #tpu.memory_space<vmem>>, %arg8: memref<256x128xf32, #tpu.memory_space<vmem>>, %arg9: memref<1x128xf32, #tpu.memory_space<vmem>>, %arg10: memref<1x128xf32, #tpu.memory_space<vmem>>, %arg11: memref<1x128xf32, #tpu.memory_space<vmem>>, %arg12: memref<1x128xf32, #tpu.memory_space<vmem>>, %arg13: memref<2000x128xf32, #tpu.memory_space<vmem>>) attributes {dimension_semantics = [#tpu.dimension_semantics<arbitrary>], iteration_bounds = array<i64: 5>, scalar_prefetch = 0 : i64, scratch_operands = 0 : i64, tpu.core_type = #tpu.core_type<tc>, window_params = [{transform_indices = @transform_0, window_bounds = array<i64: 2000, 128>}, {transform_indices = @transform_1, window_bounds = array<i64: 2000, 128>}, {transform_indices = @transform_2, window_bounds = array<i64: 2000, 128>}, {pipeline_mode = #tpu.pipeline_mode<synchronous>, transform_indices = @transform_3, window_bounds = array<i64: 128, 256>}, {pipeline_mode = #tpu.pipeline_mode<synchronous>, transform_indices = @transform_4, window_bounds = array<i64: 1, 256>}, {pipeline_mode = #tpu.pipeline_mode<synchronous>, transform_indices = @transform_5, window_bounds = array<i64: 1, 256>}, {pipeline_mode = #tpu.pipeline_mode<synchronous>, transform_indices = @transform_6, window_bounds = array<i64: 1, 256>}, {pipeline_mode = #tpu.pipeline_mode<synchronous>, transform_indices = @transform_7, window_bounds = array<i64: 256, 128>}, {pipeline_mode = #tpu.pipeline_mode<synchronous>, transform_indices = @transform_8, window_bounds = array<i64: 1, 128>}, {pipeline_mode = #tpu.pipeline_mode<synchronous>, transform_indices = @transform_9, window_bounds = array<i64: 1, 128>}, {pipeline_mode = #tpu.pipeline_mode<synchronous>, transform_indices = @transform_10, window_bounds = array<i64: 1, 128>}, {pipeline_mode = #tpu.pipeline_mode<synchronous>, transform_indices = @transform_11, window_bounds = array<i64: 1, 128>}, {transform_indices = @transform_12, window_bounds = array<i64: 2000, 128>}]} {
    %get3A = arith.constant 0 : index
    %get3A_0 = arith.constant 0 : index
    %get3A_1 = vector.load %arg1[%get3A, %get3A_0] : memref<2000x128xf32, #tpu.memory_space<vmem>>, vector<2000x128xf32>
    %get3A_2 = arith.constant 0 : index
    %get3A_3 = arith.constant 0 : index
    %get3A_4 = vector.load %arg2[%get3A_2, %get3A_3] : memref<2000x128xf32, #tpu.memory_space<vmem>>, vector<2000x128xf32>
    %add3A = arith.addf %get3A_1, %get3A_4 : vector<2000x128xf32>
    %get3A_5 = arith.constant 0 : index
    %get3A_6 = arith.constant 0 : index
    %get3A_7 = vector.load %arg3[%get3A_5, %get3A_6] : memref<2000x128xf32, #tpu.memory_space<vmem>>, vector<2000x128xf32>
    %add3A_8 = arith.addf %add3A, %get3A_7 : vector<2000x128xf32>
    %get3A_9 = arith.constant 0 : index
    %get3A_10 = arith.constant 0 : index
    %get3A_11 = vector.load %arg4[%get3A_9, %get3A_10] : memref<128x256xf32, #tpu.memory_space<vmem>>, vector<128x256xf32>
    %dot_general3A = arith.constant dense<0.000000e+00> : vector<2000x256xf32>
    %dot_general3A_12 = tpu.matmul %add3A_8, %get3A_11, %dot_general3A {dimension_numbers = #tpu.dot_dimension_numbers<[1], [0], [0], [1], [0, 0, 1, 1], [], []>, transpose_lhs_hint = false} : vector<2000x128xf32>, vector<128x256xf32>, vector<2000x256xf32> -> vector<2000x256xf32>
    %get3A_13 = arith.constant 0 : index
    %get3A_14 = arith.constant 0 : index
    %get3A_15 = vector.load %arg5[%get3A_13, %get3A_14] : memref<1x256xf32, #tpu.memory_space<vmem>>, vector<1x256xf32>
    %add3A_16 = vector.broadcast %get3A_15 : vector<1x256xf32> to vector<2000x256xf32>
    %add3A_17 = arith.addf %dot_general3A_12, %add3A_16 : vector<2000x256xf32>
    %get3A_18 = arith.constant 0 : index
    %get3A_19 = arith.constant 0 : index
    %get3A_20 = vector.load %arg6[%get3A_18, %get3A_19] : memref<1x256xf32, #tpu.memory_space<vmem>>, vector<1x256xf32>
    %mul3A = vector.broadcast %get3A_20 : vector<1x256xf32> to vector<2000x256xf32>
    %mul3A_21 = arith.mulf %add3A_17, %mul3A : vector<2000x256xf32>
    %get3A_22 = arith.constant 0 : index
    %get3A_23 = arith.constant 0 : index
    %get3A_24 = vector.load %arg7[%get3A_22, %get3A_23] : memref<1x256xf32, #tpu.memory_space<vmem>>, vector<1x256xf32>
    %add3A_25 = vector.broadcast %get3A_24 : vector<1x256xf32> to vector<2000x256xf32>
    %add3A_26 = arith.addf %mul3A_21, %add3A_25 : vector<2000x256xf32>
    %max3A = arith.constant 0.000000e+00 : f32
    %max3A_27 = vector.broadcast %max3A : f32 to vector<2000x256xf32>
    %max3A_28 = arith.maximumf %add3A_26, %max3A_27 : vector<2000x256xf32>
    %get3A_29 = arith.constant 0 : index
    %get3A_30 = arith.constant 0 : index
    %get3A_31 = vector.load %arg8[%get3A_29, %get3A_30] : memref<256x128xf32, #tpu.memory_space<vmem>>, vector<256x128xf32>
    %dot_general3A_32 = arith.constant dense<0.000000e+00> : vector<2000x128xf32>
    %dot_general3A_33 = tpu.matmul %max3A_28, %get3A_31, %dot_general3A_32 {dimension_numbers = #tpu.dot_dimension_numbers<[1], [0], [0], [1], [0, 0, 1, 1], [], []>, transpose_lhs_hint = false} : vector<2000x256xf32>, vector<256x128xf32>, vector<2000x128xf32> -> vector<2000x128xf32>
    %get3A_34 = arith.constant 0 : index
    %get3A_35 = arith.constant 0 : index
    %get3A_36 = vector.load %arg9[%get3A_34, %get3A_35] : memref<1x128xf32, #tpu.memory_space<vmem>>, vector<1x128xf32>
    %add3A_37 = vector.broadcast %get3A_36 : vector<1x128xf32> to vector<2000x128xf32>
    %add3A_38 = arith.addf %dot_general3A_33, %add3A_37 : vector<2000x128xf32>
    %get3A_39 = arith.constant 0 : index
    %get3A_40 = arith.constant 0 : index
    %get3A_41 = vector.load %arg10[%get3A_39, %get3A_40] : memref<1x128xf32, #tpu.memory_space<vmem>>, vector<1x128xf32>
    %mul3A_42 = vector.broadcast %get3A_41 : vector<1x128xf32> to vector<2000x128xf32>
    %mul3A_43 = arith.mulf %add3A_38, %mul3A_42 : vector<2000x128xf32>
    %get3A_44 = arith.constant 0 : index
    %get3A_45 = arith.constant 0 : index
    %get3A_46 = vector.load %arg11[%get3A_44, %get3A_45] : memref<1x128xf32, #tpu.memory_space<vmem>>, vector<1x128xf32>
    %add3A_47 = vector.broadcast %get3A_46 : vector<1x128xf32> to vector<2000x128xf32>
    %add3A_48 = arith.addf %mul3A_43, %add3A_47 : vector<2000x128xf32>
    %get3A_49 = arith.constant 0 : index
    %get3A_50 = arith.constant 0 : index
    %get3A_51 = vector.load %arg12[%get3A_49, %get3A_50] : memref<1x128xf32, #tpu.memory_space<vmem>>, vector<1x128xf32>
    %add3A_52 = vector.broadcast %get3A_51 : vector<1x128xf32> to vector<2000x128xf32>
    %add3A_53 = arith.addf %add3A_48, %add3A_52 : vector<2000x128xf32>
    %swap3A = arith.constant 0 : index
    %swap3A_54 = arith.constant 0 : index
    %swap3A_55 = vector.load %arg13[%swap3A, %swap3A_54] : memref<2000x128xf32, #tpu.memory_space<vmem>>, vector<2000x128xf32>
    tpu.vector_store %arg13[%swap3A, %swap3A_54], %add3A_53 {strides = array<i32>} : memref<2000x128xf32, #tpu.memory_space<vmem>>, vector<2000x128xf32>,
    return
  }
  func.func @transform_0(%arg0: i32) -> (i32, i32) {
    %c0_i32 = arith.constant 0 : i32
    %c0_i32_0 = arith.constant 0 : i32
    return %arg0, %c0_i32 : i32, i32
  }
  func.func @transform_1(%arg0: i32) -> (i32, i32) {
    %c0_i32 = arith.constant 0 : i32
    %c0_i32_0 = arith.constant 0 : i32
    return %arg0, %c0_i32 : i32, i32
  }
  func.func @transform_2(%arg0: i32) -> (i32, i32) {
    %add3A = arith.constant 5 : i32
    %add3A_0 = arith.addi %arg0, %add3A : i32
    %c0_i32 = arith.constant 0 : i32
    %c0_i32_1 = arith.constant 0 : i32
    return %add3A_0, %c0_i32 : i32, i32
  }
  func.func @transform_3(%arg0: i32) -> (i32, i32) {
    %c0_i32 = arith.constant 0 : i32
    %c0_i32_0 = arith.constant 0 : i32
    %c0_i32_1 = arith.constant 0 : i32
    return %c0_i32, %c0_i32_0 : i32, i32
  }
  func.func @transform_4(%arg0: i32) -> (i32, i32) {
    %c0_i32 = arith.constant 0 : i32
    %c0_i32_0 = arith.constant 0 : i32
    %c0_i32_1 = arith.constant 0 : i32
    return %c0_i32, %c0_i32_0 : i32, i32
  }
  func.func @transform_5(%arg0: i32) -> (i32, i32) {
    %c0_i32 = arith.constant 0 : i32
    %c0_i32_0 = arith.constant 0 : i32
    %c0_i32_1 = arith.constant 0 : i32
    return %c0_i32, %c0_i32_0 : i32, i32
  }
  func.func @transform_6(%arg0: i32) -> (i32, i32) {
    %c0_i32 = arith.constant 0 : i32
    %c0_i32_0 = arith.constant 0 : i32
    %c0_i32_1 = arith.constant 0 : i32
    return %c0_i32, %c0_i32_0 : i32, i32
  }
  func.func @transform_7(%arg0: i32) -> (i32, i32) {
    %c0_i32 = arith.constant 0 : i32
    %c0_i32_0 = arith.constant 0 : i32
    %c0_i32_1 = arith.constant 0 : i32
    return %c0_i32, %c0_i32_0 : i32, i32
  }
  func.func @transform_8(%arg0: i32) -> (i32, i32) {
    %c0_i32 = arith.constant 0 : i32
    %c0_i32_0 = arith.constant 0 : i32
    %c0_i32_1 = arith.constant 0 : i32
    return %c0_i32, %c0_i32_0 : i32, i32
  }
  func.func @transform_9(%arg0: i32) -> (i32, i32) {
    %c0_i32 = arith.constant 0 : i32
    %c0_i32_0 = arith.constant 0 : i32
    %c0_i32_1 = arith.constant 0 : i32
    return %c0_i32, %c0_i32_0 : i32, i32
  }
  func.func @transform_10(%arg0: i32) -> (i32, i32) {
    %c0_i32 = arith.constant 0 : i32
    %c0_i32_0 = arith.constant 0 : i32
    %c0_i32_1 = arith.constant 0 : i32
    return %c0_i32, %c0_i32_0 : i32, i32
  }
  func.func @transform_11(%arg0: i32) -> (i32, i32) {
    %c0_i32 = arith.constant 0 : i32
    %c0_i32_0 = arith.constant 0 : i32
    %c0_i32_1 = arith.constant 0 : i32
    return %c0_i32, %c0_i32_0 : i32, i32
  }
  func.func @transform_12(%arg0: i32) -> (i32, i32) {
    %c0_i32 = arith.constant 0 : i32
    %c0_i32_0 = arith.constant 0 : i32
    return %arg0, %c0_i32 : i32, i32
  }
}

module attributes {stable_mosaic.version = 14 : i64} {
  func.func @_pool_body(%arg0: i32, %arg1: memref<2000x128xf32, #tpu.memory_space<vmem>>, %arg2: memref<2000x1xf32, #tpu.memory_space<vmem>>, %arg3: memref<128x128xf32, #tpu.memory_space<vmem>>, %arg4: memref<128x128xf32, #tpu.memory_space<vmem>>, %arg5: memref<128x128xf32, #tpu.memory_space<vmem>>, %arg6: memref<128x128xf32, #tpu.memory_space<vmem>>) attributes {dimension_semantics = [#tpu.dimension_semantics<arbitrary>], iteration_bounds = array<i64: 5>, scalar_prefetch = 0 : i64, scratch_operands = 2 : i64, tpu.core_type = #tpu.core_type<tc>, window_params = [{transform_indices = @transform_0, window_bounds = array<i64: 2000, 128>}, {transform_indices = @transform_1, window_bounds = array<i64: 2000, 1>}, {pipeline_mode = #tpu.pipeline_mode<synchronous>, transform_indices = @transform_2, window_bounds = array<i64: 128, 128>}, {pipeline_mode = #tpu.pipeline_mode<synchronous>, transform_indices = @transform_3, window_bounds = array<i64: 128, 128>}]} {
    %eq3A = arith.constant 0 : i32
    %eq3A_0 = arith.cmpi eq, %arg0, %eq3A : i32
    %convert_element_type3A = arith.extui %eq3A_0 : i1 to i32
    %cond3A = arith.constant 0 : i32
    %cond3A_1 = arith.cmpi ne, %convert_element_type3A, %cond3A : i32
    scf.if %cond3A_1 {
      %broadcast_in_dim3A_34 = arith.constant 0.000000e+00 : f32
      %broadcast_in_dim3A_35 = vector.broadcast %broadcast_in_dim3A_34 : f32 to vector<128x128xf32>
      %swap3A_36 = arith.constant 0 : index
      %swap3A_37 = arith.constant 0 : index
      %swap3A_38 = vector.load %arg5[%swap3A_36, %swap3A_37] : memref<128x128xf32, #tpu.memory_space<vmem>>, vector<128x128xf32>
      tpu.vector_store %arg5[%swap3A_36, %swap3A_37], %broadcast_in_dim3A_35 {strides = array<i32>} : memref<128x128xf32, #tpu.memory_space<vmem>>, vector<128x128xf32>,
      %broadcast_in_dim3A_39 = arith.constant 0.000000e+00 : f32
      %broadcast_in_dim3A_40 = vector.broadcast %broadcast_in_dim3A_39 : f32 to vector<128x128xf32>
      %swap3A_41 = arith.constant 0 : index
      %swap3A_42 = arith.constant 0 : index
      %swap3A_43 = vector.load %arg6[%swap3A_41, %swap3A_42] : memref<128x128xf32, #tpu.memory_space<vmem>>, vector<128x128xf32>
      tpu.vector_store %arg6[%swap3A_41, %swap3A_42], %broadcast_in_dim3A_40 {strides = array<i32>} : memref<128x128xf32, #tpu.memory_space<vmem>>, vector<128x128xf32>,
    } else {
    }
    %iota3A = tpu.iota {dimensions = array<i32: 1>} : vector<2000x128xi32>
    %convert_element_type3A_2 = arith.sitofp %iota3A : vector<2000x128xi32> to vector<2000x128xf32>
    %get3A = arith.constant 0 : index
    %get3A_3 = arith.constant 0 : index
    %get3A_4 = vector.load %arg2[%get3A, %get3A_3] : memref<2000x1xf32, #tpu.memory_space<vmem>>, vector<2000x1xf32>
    %eq3A_5 = vector.broadcast %get3A_4 : vector<2000x1xf32> to vector<2000x128xf32>
    %eq3A_6 = arith.cmpf oeq, %eq3A_5, %convert_element_type3A_2 : vector<2000x128xf32>
    %jit3A = arith.constant 1.000000e+00 : f32
    %jit3A_7 = arith.constant 0.000000e+00 : f32
    %broadcast_in_dim3A = vector.broadcast %jit3A : f32 to vector<2000x128xf32>
    %broadcast_in_dim3A_8 = vector.broadcast %jit3A_7 : f32 to vector<2000x128xf32>
    %select_n3A = arith.select %eq3A_6, %broadcast_in_dim3A, %broadcast_in_dim3A_8 : vector<2000x128xi1>, vector<2000x128xf32>
    %get3A_9 = arith.constant 0 : index
    %get3A_10 = arith.constant 0 : index
    %get3A_11 = vector.load %arg5[%get3A_9, %get3A_10] : memref<128x128xf32, #tpu.memory_space<vmem>>, vector<128x128xf32>
    %get3A_12 = arith.constant 0 : index
    %get3A_13 = arith.constant 0 : index
    %get3A_14 = vector.load %arg1[%get3A_12, %get3A_13] : memref<2000x128xf32, #tpu.memory_space<vmem>>, vector<2000x128xf32>
    %dot_general3A = arith.constant dense<0.000000e+00> : vector<128x128xf32>
    %dot_general3A_15 = tpu.matmul %select_n3A, %get3A_14, %dot_general3A {dimension_numbers = #tpu.dot_dimension_numbers<[0], [0], [1], [1], [0, 1, 1, 1], [], []>, transpose_lhs_hint = false} : vector<2000x128xf32>, vector<2000x128xf32>, vector<128x128xf32> -> vector<128x128xf32>
    %add3A = arith.addf %get3A_11, %dot_general3A_15 : vector<128x128xf32>
    %swap3A = arith.constant 0 : index
    %swap3A_16 = arith.constant 0 : index
    %swap3A_17 = vector.load %arg5[%swap3A, %swap3A_16] : memref<128x128xf32, #tpu.memory_space<vmem>>, vector<128x128xf32>
    tpu.vector_store %arg5[%swap3A, %swap3A_16], %add3A {strides = array<i32>} : memref<128x128xf32, #tpu.memory_space<vmem>>, vector<128x128xf32>,
    %get3A_18 = arith.constant 0 : index
    %get3A_19 = arith.constant 0 : index
    %get3A_20 = vector.load %arg6[%get3A_18, %get3A_19] : memref<128x128xf32, #tpu.memory_space<vmem>>, vector<128x128xf32>
    %broadcast_in_dim3A_21 = arith.constant 1.000000e+00 : f32
    %broadcast_in_dim3A_22 = vector.broadcast %broadcast_in_dim3A_21 : f32 to vector<2000x128xf32>
    %dot_general3A_23 = arith.constant dense<0.000000e+00> : vector<128x128xf32>
    %dot_general3A_24 = tpu.matmul %select_n3A, %broadcast_in_dim3A_22, %dot_general3A_23 {dimension_numbers = #tpu.dot_dimension_numbers<[0], [0], [1], [1], [0, 1, 1, 1], [], []>, transpose_lhs_hint = false} : vector<2000x128xf32>, vector<2000x128xf32>, vector<128x128xf32> -> vector<128x128xf32>
    %add3A_25 = arith.addf %get3A_20, %dot_general3A_24 : vector<128x128xf32>
    %swap3A_26 = arith.constant 0 : index
    %swap3A_27 = arith.constant 0 : index
    %swap3A_28 = vector.load %arg6[%swap3A_26, %swap3A_27] : memref<128x128xf32, #tpu.memory_space<vmem>>, vector<128x128xf32>
    tpu.vector_store %arg6[%swap3A_26, %swap3A_27], %add3A_25 {strides = array<i32>} : memref<128x128xf32, #tpu.memory_space<vmem>>, vector<128x128xf32>,
    %eq3A_29 = arith.constant 4 : i32
    %eq3A_30 = arith.cmpi eq, %arg0, %eq3A_29 : i32
    %convert_element_type3A_31 = arith.extui %eq3A_30 : i1 to i32
    %cond3A_32 = arith.constant 0 : i32
    %cond3A_33 = arith.cmpi ne, %convert_element_type3A_31, %cond3A_32 : i32
    scf.if %cond3A_33 {
      %get3A_34 = arith.constant 0 : index
      %get3A_35 = arith.constant 0 : index
      %get3A_36 = vector.load %arg5[%get3A_34, %get3A_35] : memref<128x128xf32, #tpu.memory_space<vmem>>, vector<128x128xf32>
      %swap3A_37 = arith.constant 0 : index
      %swap3A_38 = arith.constant 0 : index
      %swap3A_39 = vector.load %arg3[%swap3A_37, %swap3A_38] : memref<128x128xf32, #tpu.memory_space<vmem>>, vector<128x128xf32>
      tpu.vector_store %arg3[%swap3A_37, %swap3A_38], %get3A_36 {strides = array<i32>} : memref<128x128xf32, #tpu.memory_space<vmem>>, vector<128x128xf32>,
      %get3A_40 = arith.constant 0 : index
      %get3A_41 = arith.constant 0 : index
      %get3A_42 = vector.load %arg5[%get3A_40, %get3A_41] : memref<128x128xf32, #tpu.memory_space<vmem>>, vector<128x128xf32>
      %get3A_43 = arith.constant 0 : index
      %get3A_44 = arith.constant 0 : index
      %get3A_45 = vector.load %arg6[%get3A_43, %get3A_44] : memref<128x128xf32, #tpu.memory_space<vmem>>, vector<128x128xf32>
      %max3A = arith.constant 1.000000e+00 : f32
      %max3A_46 = vector.broadcast %max3A : f32 to vector<128x128xf32>
      %max3A_47 = arith.maximumf %get3A_45, %max3A_46 : vector<128x128xf32>
      %div3A = arith.divf %get3A_42, %max3A_47 : vector<128x128xf32>
      %swap3A_48 = arith.constant 0 : index
      %swap3A_49 = arith.constant 0 : index
      %swap3A_50 = vector.load %arg4[%swap3A_48, %swap3A_49] : memref<128x128xf32, #tpu.memory_space<vmem>>, vector<128x128xf32>
      tpu.vector_store %arg4[%swap3A_48, %swap3A_49], %div3A {strides = array<i32>} : memref<128x128xf32, #tpu.memory_space<vmem>>, vector<128x128xf32>,
    } else {
    }
    return
  }
  func.func @transform_0(%arg0: i32) -> (i32, i32) {
    %c0_i32 = arith.constant 0 : i32
    %c0_i32_0 = arith.constant 0 : i32
    return %arg0, %c0_i32 : i32, i32
  }
  func.func @transform_1(%arg0: i32) -> (i32, i32) {
    %c0_i32 = arith.constant 0 : i32
    %c0_i32_0 = arith.constant 0 : i32
    return %arg0, %c0_i32 : i32, i32
  }
  func.func @transform_2(%arg0: i32) -> (i32, i32) {
    %c0_i32 = arith.constant 0 : i32
    %c0_i32_0 = arith.constant 0 : i32
    %c0_i32_1 = arith.constant 0 : i32
    return %c0_i32, %c0_i32_0 : i32, i32
  }
  func.func @transform_3(%arg0: i32) -> (i32, i32) {
    %c0_i32 = arith.constant 0 : i32
    %c0_i32_0 = arith.constant 0 : i32
    %c0_i32_1 = arith.constant 0 : i32
    return %c0_i32, %c0_i32_0 : i32, i32
  }
}

</mosaic_0001>

<sc_bundles>
// kernel: kernel.12.cloned.1.call-start
scs
__scs_entry_jumppad:
0x0: {  	(pc) =	sbr.rel $0x88, $3  }
0x1: {  	(tag) =	ssettag $0x0;
	lr =	simm.s32 $0x1  }
0x2: {  	[smem:$0x3F8D] =	sst lr;
	_ =	strace $0xD0000000  }
0x3: {  	_ = 	snop  }
0x4: {  	_ = 	snop  }
0x5: {  	_ = 	snop  }
0x6: {  	_ = 	snop  }
0x7: {  	_ = 	snop  }
__scs_overlays_trampoline_lowered:
0x8: {  	[smem:$0x3F9C] =	sst s0  }
0x9: {  	[smem:$0x3F9D] =	sst s1  }
0xa: {  	[smem:$0x3F9E] =	sst s2  }
0xb: {  	[smem:$0x3F9F] =	sst s3  }
0xc: {  	[smem:$0x3FA0] =	sst s4  }
0xd: {  	[smem:$0x3FA1] =	sst s5  }
0xe: {  	[smem:$0x3FA2] =	sst s6  }
0xf: {  	[smem:$0x3FA3] =	sst s7  }
0x10: {  	[smem:$0x3FA4] =	sst s8  }
0x11: {  	[smem:$0x3FA5] =	sst s9;
	s0 =	simm.s32 @!p0 $0x0  }
0x12: {  	s1 =	sld [smem:$0x3F8B];
	s0 =	simm.s32 @p0 $0x1  }
0x13: {  	[smem:$0x3FA6] =	sst s0;
	s0 =	simm.s32 @!p1 $0x0  }
0x14: {  	s2 =	sld [smem:$0x3F8A];
	s0 =	simm.s32 @p1 $0x1  }
0x15: {  	[smem:$0x3FA7] =	sst s0;
	s0 =	simm.s32 @!p2 $0x0  }
0x16: {  	s3 =	sld [smem:$0x3FDB];
	s0 =	simm.s32 @p2 $0x1  }
0x17: {  	s4 =	simm.s32 $0x1BF5;
	[smem:$0x3FA9] =	sst s0  }
0x18: {  	s0 =	sld [smem:$0x3F8C];
	_ =	swait.ge [sflag:s4], $0x0  }
0x19: {  	s7 =	sld [smem:$0x3F8D]  }
0x1a: {  	s8 =	sadd.s32 $0xFFFFE003, lr  }
0x1b: {  	s9 =	sadd.s32 $0xFFFFFEF7, lr;
	s5 =	simm.s32 $0xFFFFFFFF;
	p2 =	slt.u32 s8, $0xFFFFF086  }
0x1c: {  	p1 =	slt.u32 s9, $0xF7A;
	s5 =	simm.s32 @!p2 $0x0  }
0x1d: {  	s5 =	simm.s32 @p1 $0x1;
	p0 =	seq.s32 s7, s2  }
0x1e: {  	s7 =	smul.u32 @!p0 $0xF7A, s2;
	p2 =	seq.s32 @!p0 s5, $0x0  }
0x1f: {  	s9 =	smul.u32 $0xF7A, s1;
	s8 =	simm.s32 @!p0 $0x1BF5;
	p2 =	por !p2, p0  }
0x20: {  	[sflag:s8] =	ssyncset.s32 @!p0 $0xFFFFF086;
	s6 =	sadd.s32 @!p0 s3, s7;
	s7 =	simm.s32 @!p0 $0x108  }
0x21: {  	s3 =	sadd.s32 s3, s9;
	s6 =	sadd.s32 @!p0 $0x88, s6;
	s7 =	simm.s32 @p2 $0x1082  }
0x22: {  	[simem:s7], [sflag:s8] =	dma.local @!p0 [hbm:s6], $0xF7A  }
0x23: {  	s9 =	sor.u32 $0xD0000000, s2;
	s6 =	simm.s32 $0x108;
	_ =	swait.ge @!p0 [sflag:s8], $0x0  }
0x24: {  	s3 =	sadd.s32 $0x88, s3;
	s6 =	simm.s32 @!p1 $0x1082;
	[sflag:s4] =	ssyncset.s32 $0xFFFFF086  }
0x25: {  	[simem:s6], [sflag:s4] =	dma.local [hbm:s3], $0xF7A  }
0x26: {  	[smem:$0x3F8D] =	sst s1;
	(tag) =	ssettag s2;
	_ =	strace s9  }
0x27: {  	s1 =	sld [smem:$0x3F9D]  }
0x28: {  	s2 =	sld [smem:$0x3F9E]  }
0x29: {  	s4 =	sld [smem:$0x3FA0]  }
0x2a: {  	p0 =	seq.s32 s5, $0x0;
	s5 =	sld [smem:$0x3FA1]  }
0x2b: {  	s6 =	sld [smem:$0x3FA2]  }
0x2c: {  	s7 =	sld [smem:$0x3FA3]  }
0x2d: {  	s3 =	simm.s32 $0x108;
	s8 =	sld [smem:$0x3FA4]  }
0x2e: {  	s3 =	simm.s32 @!p0 $0x1082;
	s9 =	sld [smem:$0x3FA5]  }
0x2f: {  	lr =	sadd.s32 s0, s3;
	s0 =	sld [smem:$0x3F9C]  }
0x30: {  	s3 =	sld [smem:$0x3F9F]  }
0x31: {  	[smem:$0x3FA8] =	sst s10  }
0x32: {  	s10 =	sld [smem:$0x3FA6];
	_ =	sdelay $0x3  }
0x33: {  	p0 =	seq.s32 s10, $0x1;
	s10 =	sld [smem:$0x3FA8];
	_ =	sdelay $0x3  }
0x34: {  	[smem:$0x3FA8] =	sst s10  }
0x35: {  	s10 =	sld [smem:$0x3FA7];
	_ =	sdelay $0x3  }
0x36: {  	p1 =	seq.s32 s10, $0x1;
	s10 =	sld [smem:$0x3FA8];
	_ =	sdelay $0x3  }
0x37: {  	[smem:$0x3FA8] =	sst s10  }
0x38: {  	s10 =	sld [smem:$0x3FA9]  }
0x39: {  	_ = 	snop;
	(pc) =	sbr.ind lr, $3  }
0x3a: {  	_ = 	snop  }
0x3b: {  	_ = 	snop  }
0x3c: {  	p2 =	seq.s32 s10, $0x1;
	s10 =	sld [smem:$0x3FA8]  }
0x3d: {  	_ =	shalt  }
0x3e: {  	_ =	shalt  }
0x3f: {  	_ =	shalt  }
0x40: {  	_ =	shalt  }
0x41: {  	_ =	shalt  }
0x42: {  	_ =	shalt  }
0x43: {  	_ =	shalt  }
0x44: {  	_ =	shalt  }
0x45: {  	_ =	shalt  }
0x46: {  	_ =	shalt  }
0x47: {  	_ =	shalt  }
0x48: {  	_ =	shalt  }
0x49: {  	_ =	shalt  }
0x4a: {  	_ =	shalt  }
0x4b: {  	_ =	shalt  }
0x4c: {  	_ =	shalt  }
0x4d: {  	_ =	shalt  }
0x4e: {  	_ =	shalt  }
0x4f: {  	_ =	shalt  }
0x50: {  	_ =	shalt  }
0x51: {  	_ =	shalt  }
0x52: {  	_ =	shalt  }
0x53: {  	_ =	shalt  }
0x54: {  	_ =	shalt  }
0x55: {  	_ =	shalt  }
0x56: {  	_ =	shalt  }
0x57: {  	_ =	shalt  }
0x58: {  	_ =	shalt  }
0x59: {  	_ =	shalt  }
0x5a: {  	_ =	shalt  }
0x5b: {  	_ =	shalt  }
0x5c: {  	_ =	shalt  }
0x5d: {  	_ =	shalt  }
0x5e: {  	_ =	shalt  }
0x5f: {  	_ =	shalt  }
0x60: {  	_ =	shalt  }
0x61: {  	_ =	shalt  }
0x62: {  	_ =	shalt  }
0x63: {  	_ =	shalt  }
0x64: {  	_ =	shalt  }
0x65: {  	_ =	shalt  }
0x66: {  	_ =	shalt  }
0x67: {  	_ =	shalt  }
0x68: {  	_ =	shalt  }
0x69: {  	_ =	shalt  }
0x6a: {  	_ =	shalt  }
0x6b: {  	_ =	shalt  }
0x6c: {  	_ =	shalt  }
0x6d: {  	_ =	shalt  }
0x6e: {  	_ =	shalt  }
0x6f: {  	_ =	shalt  }
0x70: {  	_ =	shalt  }
0x71: {  	_ =	shalt  }
0x72: {  	_ =	shalt  }
0x73: {  	_ =	shalt  }
0x74: {  	_ =	shalt  }
0x75: {  	_ =	shalt  }
0x76: {  	_ =	shalt  }
0x77: {  	_ =	shalt  }
0x78: {  	_ =	shalt  }
0x79: {  	_ =	shalt  }
0x7a: {  	_ =	shalt  }
0x7b: {  	_ =	shalt  }
0x7c: {  	_ =	shalt  }
0x7d: {  	_ =	shalt  }
0x7e: {  	_ =	shalt  }
0x7f: {  	_ =	shalt  }
0x80: {  	_ =	shalt  }
0x81: {  	_ =	shalt  }
0x82: {  	_ =	shalt  }
0x83: {  	_ =	shalt  }
0x84: {  	_ =	shalt  }
0x85: {  	_ =	shalt  }
0x86: {  	_ =	shalt  }
0x87: {  	_ =	shalt  }
.Lfunc_end0:
.L_simem_size_0:
called_computation_lowered:
.L_overlay_start_0:
0x88: {  	s2 =	sld [smem:$0x3FD9]  }
0x89: {  	s3 =	sld [smem:$0x3FFE];
	_ =	sdelay $0x1  }
0x8a: {  	s1 =	srdreg.scid  }
0x8b: {  	s0 =	sand.u32 $0x1, s1  }
0x8c: {  	s17 =	sshll.u32 s0, $0xA;
	s2 =	sadd.s32 s3, s2  }
0x8d: {  	s2 =	sadd.s32 s2, s17  }
0x8e: {  	[smem:$0x3FB4] =	sst s2  }
0x8f: {  	_ = 	snop  }
0x90: {  	s2 =	sld [smem:$0x3FC9];
	(tm) =	ssettm $0x1  }
0x91: {  	s18 =	sld [smem:$0x3FFB];
	_ =	sdelay $0x3  }
0x92: {  	_ =	strace s18  }
0x93: {  	s3 =	sld [smem:$0x3FFC];
	_ =	sdelay $0x3  }
0x94: {  	_ =	strace s3  }
0x95: {  	s3 =	sld [smem:$0x3FFD];
	_ =	sdelay $0x3  }
0x96: {  	_ =	strace s3  }
0x97: {  	_ =	strace $0x8FFFFFFF  }
0x98: {  	s19 =	sld [smem:$0x3FDB];
	_ =	sdelay $0x1  }
0x99: {  	s4 =	simm.s32 $_scs_section_size  }
0x9a: {  	s5 =	simm.s32 $_size__tile_overlayer_lowered;
	s6 =	simm.s32 $_tile_overlayer_lowered  }
0x9b: {  	s22 =	simm.s32 $0x1BFF;
	s21 =	sshll.u32 s6, $0x1;
	s3 =	sadd.s32 s4, s19  }
0x9c: {  	s7 =	simm.s32 $0x0;
	s20 =	sshll.u32 s5, $0x1;
	s5 =	sadd.s32 s21, s3  }
0x9d: {  	[timem:s7], [sflag:s22] =	dma.local [hbm:s5], s20  }
0x9e: {  	_ =	swait.ge [sflag:s22], s20  }
0x9f: {  	s4 =	ssub.s32 $0x0, s20;
	[sflag:s22] =	ssyncset.done $0x0  }
0xa0: {  	[sflag:s22] =	ssyncadd.s32 s4;
	_ =	sdelay $0x1  }
0xa1: {  	s23 =	simm.s32 $0x1B8B  }
0xa2: {  	_ =	swait.ge [sflag:s23], $0x1  }
0xa3: {  	[sflag:s23] =	ssyncset.done $0x0  }
0xa4: {  	s25 =	simm.s32 $0x1B8E;
	s24 =	sld [smem:$0x3FFE];
	[sflag:s23] =	ssyncadd.s32 $0xFFFFFFFF  }
0xa5: {  	s26 =	simm.s32 $execute0_lowered;
	[smem:$0x3FD2] =	sst s25  }
0xa6: {  	s5 =	sshll.u32 s26, $0x1;
	_ =	strace $0x80000046;
	[dreg:$0x1] =	wrdreg $0xFFFFFFFF  }
0xa7: {  	s28 =	simm.s32 $_size_execute0_lowered;
	s3 =	sadd.s32 s3, s5;
	[dreg:$0x0] =	wrdreg $0x0  }
0xa8: {  	s5 =	sshll.u32 s28, $0x1;
	[dreg:$0x2] =	wrdreg s3  }
0xa9: {  	[dreg:$0x3] =	wrdreg s5  }
0xaa: {  	[dreg:$0x4] =	wrdreg $0xC0  }
0xab: {  	_ =	task [dreg:s7], $0x5FFFF  }
0xac: {  	[dreg:$0x1] =	wrdreg $0xFFFFFFFF  }
0xad: {  	[dreg:$0x0] =	wrdreg $0x60  }
0xae: {  	[dreg:$0x2] =	wrdreg s2  }
0xaf: {  	[dreg:$0x3] =	wrdreg s24  }
0xb0: {  	[dreg:$0x4] =	wrdreg $0x0  }
0xb1: {  	[dreg:$0x5] =	wrdreg $0x9  }
0xb2: {  	_ =	task.clear_ibuf [dreg:s7], $0x6FFFF;
	_ =	strace $0x90000046  }
0xb3: {  	s29 =	simm.s32 $0x9;
	_ =	strace $0x80000048  }
0xb4: {  	_ =	swait.ge [sflag:s29], $0x1  }
0xb5: {  	[sflag:s29] =	ssyncadd.s32 $0xFFFFFFFF  }
0xb6: {  	_ =	strace $0x90000048  }
0xb7: {  	_ =	sfence  }
0xb8: {  	s30 =	sld [smem:$0x0];
	_ =	sdelay $0x2  }
0xb9: {  	s31 =	sshll.u32 s1, $0xD;
	s1 =	sshrl.u32 s1, $0x2  }
0xba: {  	s3 =	sand.u32 $0x4000, s31;
	s1 =	sadd.s32 s1, s30  }
0xbb: {  	s0 =	sor.u32 s3, s0;
	s1 =	sshll.u32 s1, $0x11  }
0xbc: {  	s0 =	sor.u32 s1, s0  }
0xbd: {  	s0 =	sadd.s32 $0x8F2B, s0  }
0xbe: {  	[sflag:s0] =	ssyncadd.remote.s32 $0x1  }
0xbf: {  	_ =	sfence.sel $0xFFFF  }
0xc0: {  	[dreg:$0x0] =	wrdreg $0xFFFFFFFF;
	(pc) =	sbr.abs _section_cstart, $3  }
0xc1: {  	[dreg:$0x1] =	wrdreg $0xFFFFFFFF  }
0xc2: {  	_ =	task.clear_ibuf [dreg:s7], $0x2FFFF;
	_ =	strace $0x9FFFFFFF  }
0xc3: {  	(tm) =	ssettm $0x7FFFFFFF  }
tec
execute0_lowered:
.L_overlay_start_1:
0x0: {  	(tag) =	ssettag $0x1  }
0x1: {  	s0 =	srdreg.scid;
	s1 =	rddreg [dreg:$0x0]  }
0x2: {  	s2 =	rddreg [dreg:$0x1];
	s22 =	stileid.u32  }
0x3: {  	s3 =	rddreg [dreg:$0x2];
	s17 =	simm.s32 $0x14000;
	s18 =	simm.s32 $0x80  }
0x4: {  	s19 =	simm.s32 $0x16900;
	s20 =	simm.s32 $0x16800;
	s6 =	smul.u32 $0x50000, s22  }
0x5: {  	s21 =	simm.s32 $0x1A900;
	s28 =	simm.s32 $0x4;
	s10 =	smul.u32 $0x4F000, s22  }
0x6: {  	s29 =	simm.s32 $0x2;
	s31 =	simm.s32 $0x0;
	s24 =	smul.u32 $0x2780, s22  }
0x7: {  	s0 =	sand.u32 $0x1, s0;
	s14 =	sadd.s32 $0xF200, s2;
	s16 =	smul.u32 $0x2800, s22  }
0x8: {  	s23 =	sadd.s32 $0x19200, s2;
	s25 =	sshll.u32 s22, $0x6;
	s12 =	smul.u32 $0x27100, s0  }
0x9: {  	p0 =	seq.s32 s22, $0xF;
	s4 =	sshll.u32 s0, $0x4;
	s13 =	smul.u32 $0x138800, s0  }
0xa: {  	s9 =	ssub.s32 $0x2, s0;
	s0 =	smul.u32 $0x28000, s0;
	s5 =	sor.u32 s22, s4  }
0xb: {  	s4 =	simm.s32 $0x0;
	s11 =	sshrl.u32 s9, $0x1;
	s6 =	sshrl.u32 s6, $0x2  }
0xc: {  	s10 =	sshrl.u32 s10, $0x2;
	s22 =	simm.s32 $0x16880;
	s5 =	smul.u32 $0x2800, s5  }
0xd: {  	[smem:$0x7FF] =	sst s4;
	s11 =	ssub.s32 s9, s11;
	s15 =	sadd.s32 s6, s3  }
0xe: {  	s6 =	sor.u32 $0x1C05, s25;
	s25 =	sadd.s32 s10, s3;
	s9 =	sadd.s32 s24, s12  }
0xf: {  	s26 =	sshrl.u32 s13, $0x3;
	s0 =	sadd.s32 s16, s0;
	s24 =	sadd.s32 $0x128400, s3  }
0x10: {  	s16 =	simm.s32 $0x5;
	_ =	strace $0x80000047;
	[dreg:$0x4] =	wrdreg s23  }
0x11: {  	s30 =	sor.u32 $0x80, s0;
	s11 =	smax.u32 s11, $0x1;
	s0 =	sor.u32 $0x100, s0  }
0x12: {  	s15 =	sshrl.u32 s15, $0x3;
	s23 =	simm.s32 $0x3;
	s24 =	sshrl.u32 @p0 s24, $0x3  }
0x13: {  	s25 =	sshrl.u32 @!p0 s25, $0x3;
	s8 =	sshrl.u32 s5, $0x3;
	s0 =	sshrl.u32 s0, $0x3  }
0x14: {  	s7 =	sadd.s32 s8, s2;
	s2 =	sadd.s32 $0x1BA00, s2;
	s8 =	sadd.s32 s14, s8  }
0x15: {  	s7 =	sadd.s32 $0x5200, s7;
	s9 =	sadd.s32 s2, s9;
	s2 =	sadd.s32 s2, s26  }
0x16: {  	s12 =	sadd.s32 $0x4F0, s8;
	s10 =	sadd.s32 $0x25080, s2;
	s2 =	sshrl.u32 s30, $0x3  }
0x17: {  	s26 =	simm.s32 $0x1;
	s13 =	sadd.s32 s2, s14;
	s14 =	sadd.s32 s0, s14  }
.LBB2_1:
0x18: {  	s0 =	rddreg [dreg:$0x4]  }
0x19: {  	[spmem:s15], [sflag:s6] =	dma.local [hbm:s0], $0x2800  }
0x1a: {  	_ =	swait.ge [sflag:s16], $0x2800  }
0x1b: {  	[sflag:s16] =	ssyncset.done $0x0  }
0x1c: {  	[sflag:s16] =	ssyncadd.s32 $0xFFFFD800  }
0x1d: {  	[bflag:$0x0] =	sbarrier.arrive $0xFFFF  }
0x1e: {  	[tilespmem:s17], [sflag:$0x5] =	stream.linear.gather [hbm4b:s7+s4], $0x2800, $0x38;
	[tilespmem:$0x1E900] =	vst v63  }
0x1f: {  	_ =	swait.ge [sflag:s16], $0x2800  }
0x20: {  	[sflag:s16] =	ssyncset.done $0x0  }
0x21: {  	[sflag:s16] =	ssyncadd.s32 $0xFFFFD800  }
0x22: {  	[tilespmem:s19], [sflag:$0x1] =	stream.indirect.gather [hbm4b:s1+s18], $0x80, s17, s18, $0xb8;
	[tilespmem:$0x1E900] =	vst v63  }
0x23: {  	_ = 	snop  }
0x24: {  	[tilespmem:s20], [sflag:$0x3] =	stream.linear.gather [hbm4b:s8+s4], $0x80, $0x38;
	[tilespmem:$0x1E900] =	vst v63  }
0x25: {  	s2 =	simm.s32 $0x14080  }
0x26: {  	[tilespmem:s21], [sflag:$0x2] =	stream.indirect.gather [hbm4b:s1+s18], $0x80, s2, s18, $0xb8;
	[tilespmem:$0x1E900] =	vst v63  }
0x27: {  	s30 =	sadd.s32 $0x0, s13  }
0x28: {  	[tilespmem:s22], [sflag:$0x4] =	stream.linear.gather [hbm4b:s30+s4], $0x80, $0x38;
	[tilespmem:$0x1E900] =	vst v63  }
0x29: {  	_ =	swait.ge [sflag:s23], $0x80  }
0x2a: {  	[sflag:s23] =	ssyncset.done $0x0  }
0x2b: {  	[sflag:s23] =	ssyncadd.s32 $0xFFFFFF80  }
0x2c: {  	_ =	swait.ge [sflag:s26], $0x4000  }
0x2d: {  	[sflag:s26] =	ssyncset.done $0x0  }
0x2e: {  	[sflag:s26] =	ssyncadd.s32 $0xFFFFC000  }
0x2f: {  	[spmem:s3] =	stream.indirect.scatter.add.f32 [tilespmem:s19], [sflag:$0x5], $0x80, s20, s18, $0xb8;
	[tilespmem:$0x1E900] =	vst v63  }
0x30: {  	_ =	swait.ge [sflag:s16], $0x4000  }
0x31: {  	[sflag:s16] =	ssyncset.done $0x0  }
0x32: {  	s5 =	simm.s32 $0x14100;
	[sflag:s16] =	ssyncadd.s32 $0xFFFFC000  }
0x33: {  	[tilespmem:s19], [sflag:$0x1] =	stream.indirect.gather [hbm4b:s1+s18], $0x80, s5, s18, $0xb8;
	[tilespmem:$0x1E900] =	vst v63  }
0x34: {  	s30 =	sadd.s32 $0x0, s14  }
0x35: {  	[tilespmem:s20], [sflag:$0x3] =	stream.linear.gather [hbm4b:s30+s4], $0x80, $0x38;
	[tilespmem:$0x1E900] =	vst v63  }
0x36: {  	_ =	swait.ge [sflag:s28], $0x80  }
0x37: {  	[sflag:s28] =	ssyncset.done $0x0  }
0x38: {  	[sflag:s28] =	ssyncadd.s32 $0xFFFFFF80  }
0x39: {  	_ =	swait.ge [sflag:s29], $0x4000  }
0x3a: {  	[sflag:s29] =	ssyncset.done $0x0  }
0x3b: {  	[sflag:s29] =	ssyncadd.s32 $0xFFFFC000  }
0x3c: {  	[spmem:s3] =	stream.indirect.scatter.add.f32 [tilespmem:s21], [sflag:$0x5], $0x80, s22, s18, $0xb8;
	[tilespmem:$0x1E900] =	vst v63  }
0x3d: {  	_ =	swait.ge [sflag:s16], $0x4000  }
0x3e: {  	s0 =	simm.s32 $0x20;
	[sflag:s16] =	ssyncset.done $0x0  }
.LBB2_2:
0x3f: {  	p1 =	sne.s32 s0, $0x4C0;
	[sflag:s16] =	ssyncadd.s32 $0xFFFFC000;
	s2 =	sadd.s32 $0x100, s2  }
0x40: {  	[tilespmem:s21], [sflag:$0x2] =	stream.indirect.gather [hbm4b:s1+s18], $0x80, s2, s18, $0xb8;
	[tilespmem:$0x1E900] =	vst v63  }
0x41: {  	s30 =	sadd.s32 s0, s13;
	s5 =	smov.u32 s0;
	s0 =	sadd.s32 $0x20, s0  }
0x42: {  	[tilespmem:s22], [sflag:$0x4] =	stream.linear.gather [hbm4b:s30+s4], $0x80, $0x38;
	[tilespmem:$0x1E900] =	vst v63  }
0x43: {  	_ =	swait.ge [sflag:s23], $0x80  }
0x44: {  	[sflag:s23] =	ssyncset.done $0x0  }
0x45: {  	[sflag:s23] =	ssyncadd.s32 $0xFFFFFF80  }
0x46: {  	_ =	swait.ge [sflag:s26], $0x4000  }
0x47: {  	[sflag:s26] =	ssyncset.done $0x0  }
0x48: {  	[sflag:s26] =	ssyncadd.s32 $0xFFFFC000  }
0x49: {  	[spmem:s3] =	stream.indirect.scatter.add.f32 [tilespmem:s19], [sflag:$0x5], $0x80, s20, s18, $0xb8;
	[tilespmem:$0x1E900] =	vst v63  }
0x4a: {  	_ =	swait.ge [sflag:s16], $0x4000  }
0x4b: {  	[sflag:s16] =	ssyncset.done $0x0  }
0x4c: {  	s30 =	sadd.s32 $0x80, s2;
	[sflag:s16] =	ssyncadd.s32 $0xFFFFC000  }
0x4d: {  	[tilespmem:s19], [sflag:$0x1] =	stream.indirect.gather [hbm4b:s1+s18], $0x80, s30, s18, $0xb8;
	[tilespmem:$0x1E900] =	vst v63  }
0x4e: {  	s5 =	sadd.s32 s5, s14  }
0x4f: {  	[tilespmem:s20], [sflag:$0x3] =	stream.linear.gather [hbm4b:s5+s4], $0x80, $0x38;
	[tilespmem:$0x1E900] =	vst v63  }
0x50: {  	_ =	swait.ge [sflag:s28], $0x80  }
0x51: {  	[sflag:s28] =	ssyncset.done $0x0  }
0x52: {  	[sflag:s28] =	ssyncadd.s32 $0xFFFFFF80  }
0x53: {  	_ =	swait.ge [sflag:s29], $0x4000  }
.Ltmp0:
0x54: {  	[sflag:s29] =	ssyncset.done $0x0;
	(pc) =	sbr.rel @p1 .LBB2_2-.Ltmp0, $4  }
0x55: {  	[sflag:s29] =	ssyncadd.s32 $0xFFFFC000  }
0x56: {  	[spmem:s3] =	stream.indirect.scatter.add.f32 [tilespmem:s21], [sflag:$0x5], $0x80, s22, s18, $0xb8;
	[tilespmem:$0x1E900] =	vst v63  }
0x57: {  	_ =	swait.ge [sflag:s16], $0x4000  }
0x58: {  	[sflag:s16] =	ssyncset.done $0x0  }
0x59: {  	[sflag:s16] =	ssyncadd.s32 $0xFFFFC000;
	s0 =	simm.s32 $0x16780  }
0x5a: {  	[tilespmem:s21], [sflag:$0x2] =	stream.indirect.gather [hbm4b:s1+s18], $0x80, s0, s18, $0xb8;
	[tilespmem:$0x1E900] =	vst v63  }
0x5b: {  	_ = 	snop  }
0x5c: {  	[tilespmem:s22], [sflag:$0x4] =	stream.linear.gather [hbm4b:s12+s4], $0x80, $0x38;
	[tilespmem:$0x1E900] =	vst v63  }
0x5d: {  	_ =	swait.ge [sflag:s23], $0x80  }
0x5e: {  	[sflag:s23] =	ssyncset.done $0x0  }
0x5f: {  	[sflag:s23] =	ssyncadd.s32 $0xFFFFFF80  }
0x60: {  	_ =	swait.ge [sflag:s26], $0x4000  }
0x61: {  	[sflag:s26] =	ssyncset.done $0x0  }
0x62: {  	[sflag:s26] =	ssyncadd.s32 $0xFFFFC000  }
0x63: {  	[spmem:s3] =	stream.indirect.scatter.add.f32 [tilespmem:s19], [sflag:$0x5], $0x80, s20, s18, $0xb8;
	[tilespmem:$0x1E900] =	vst v63  }
0x64: {  	_ =	swait.ge [sflag:s16], $0x4000  }
0x65: {  	[sflag:s16] =	ssyncset.done $0x0  }
0x66: {  	[sflag:s16] =	ssyncadd.s32 $0xFFFFC000  }
0x67: {  	_ =	swait.ge [sflag:s28], $0x80  }
0x68: {  	[sflag:s28] =	ssyncset.done $0x0  }
0x69: {  	[sflag:s28] =	ssyncadd.s32 $0xFFFFFF80  }
0x6a: {  	_ =	swait.ge [sflag:s29], $0x4000  }
0x6b: {  	[sflag:s29] =	ssyncset.done $0x0  }
0x6c: {  	[sflag:s29] =	ssyncadd.s32 $0xFFFFC000  }
0x6d: {  	[spmem:s3] =	stream.indirect.scatter.add.f32 [tilespmem:s21], [sflag:$0x5], $0x80, s22, s18, $0xb8;
	[tilespmem:$0x1E900] =	vst v63  }
0x6e: {  	_ =	swait.ge [sflag:s16], $0x4000  }
0x6f: {  	[sflag:s16] =	ssyncset.done $0x0  }
0x70: {  	[sflag:s16] =	ssyncadd.s32 $0xFFFFC000  }
0x71: {  	s0 =	simm.s32 @p0 $0x5;
	[bflag:$0x0] =	sbarrier.arrive $0xFFFF  }
0x72: {  	[hbm:s10], [sflag:s6] =	dma.local @p0 [spmem:s24], $0x2080  }
0x73: {  	s31 =	sadd.s32 $0x1, s31;
	_ =	swait.ge @p0 [sflag:s0], $0x2080  }
0x74: {  	p1 =	sne.s32 s31, s11;
	[sflag:s0] =	ssyncset.done @p0 $0x0  }
.Ltmp1:
0x75: {  	[sflag:s0] =	ssyncadd.s32 @p0 $0xFFFFDF80;
	s0 =	simm.s32 @!p0 $0x5;
	(pc) =	sbr.rel @p1 .LBB2_1-.Ltmp1, $4  }
0x76: {  	[hbm:s9], [sflag:s6] =	dma.local @!p0 [spmem:s25], $0x2780  }
0x77: {  	_ =	swait.ge @!p0 [sflag:s0], $0x2780  }
0x78: {  	[sflag:s0] =	ssyncset.done @!p0 $0x0  }
0x79: {  	[sflag:s0] =	ssyncadd.s32 @!p0 $0xFFFFD880  }
0x7a: {  	_ =	sfence.sel $0x180000  }
0x7b: {  	[bflag:$0x0] =	sbarrier.arrive $0xFFFF  }
0x7c: {  	_ =	strace $0x90000047  }
0x7d: {  	s0 =	stileid.u32;
	[bflag:$0x2] =	sbarrier.arrive $0xFFFF  }
0x7e: {  	p0 =	sne.s32 s0, $0x0;
	s0 =	rddreg [dreg:$0x3]  }
0x7f: {  	s0 =	sadd.s32 @!p0 $0x100000, s0  }
0x80: {  	[sflag:s0] =	ssyncadd.tile.s32 @!p0 $0x1;
	_ =	shalt  }
.Lfunc_end2:
_tile_overlayer_lowered:
.L_overlay_start_2:
0x81: {  	(tag) =	ssettag $0x2  }
0x82: {  	s0 =	rddreg [dreg:$0x0];
	s2 =	stileid.u32  }
0x83: {  	s1 =	rddreg [dreg:$0x1];
	p0 =	sne.s32 s2, $0x0  }
0x84: {  	s3 =	rddreg [dreg:$0x2];
	[bflag:$0x3] =	sbarrier.arrive $0xFFFF;
	s2 =	simm.s32 @!p0 $0x1C05  }
0x85: {  	[timem:s3], [sflag:s2] =	dma.local @!p0 [hbm:s0], s1  }
0x86: {  	s0 =	simm.s32 @!p0 $0x5  }
0x87: {  	_ =	swait.ge @!p0 [sflag:s0], s1  }
0x88: {  	s1 =	ssub.s32 @!p0 $0x0, s1;
	[sflag:s0] =	ssyncset.done @!p0 $0x0  }
0x89: {  	[sflag:s0] =	ssyncadd.s32 @!p0 s1  }
0x8a: {  	[bflag:$0x3] =	sbarrier.arrive $0xFFFF  }
0x8b: {  	_ =	shalt  }

// kernel: kernel.15.cloned.1.call-start
scs
__scs_entry_jumppad:
0x0: {  	(pc) =	sbr.rel $0x88, $3  }
0x1: {  	(tag) =	ssettag $0x0;
	lr =	simm.s32 $0x1  }
0x2: {  	[smem:$0x3F8D] =	sst lr;
	_ =	strace $0xD0000000  }
0x3: {  	_ = 	snop  }
0x4: {  	_ = 	snop  }
0x5: {  	_ = 	snop  }
0x6: {  	_ = 	snop  }
0x7: {  	_ = 	snop  }
__scs_overlays_trampoline_lowered:
0x8: {  	[smem:$0x3F9C] =	sst s0  }
0x9: {  	[smem:$0x3F9D] =	sst s1  }
0xa: {  	[smem:$0x3F9E] =	sst s2  }
0xb: {  	[smem:$0x3F9F] =	sst s3  }
0xc: {  	[smem:$0x3FA0] =	sst s4  }
0xd: {  	[smem:$0x3FA1] =	sst s5  }
0xe: {  	[smem:$0x3FA2] =	sst s6  }
0xf: {  	[smem:$0x3FA3] =	sst s7  }
0x10: {  	[smem:$0x3FA4] =	sst s8  }
0x11: {  	[smem:$0x3FA5] =	sst s9;
	s0 =	simm.s32 @!p0 $0x0  }
0x12: {  	s1 =	sld [smem:$0x3F8B];
	s0 =	simm.s32 @p0 $0x1  }
0x13: {  	[smem:$0x3FA6] =	sst s0;
	s0 =	simm.s32 @!p1 $0x0  }
0x14: {  	s2 =	sld [smem:$0x3F8A];
	s0 =	simm.s32 @p1 $0x1  }
0x15: {  	[smem:$0x3FA7] =	sst s0;
	s0 =	simm.s32 @!p2 $0x0  }
0x16: {  	s3 =	sld [smem:$0x3FDB];
	s0 =	simm.s32 @p2 $0x1  }
0x17: {  	s4 =	simm.s32 $0x1BF5;
	[smem:$0x3FA9] =	sst s0  }
0x18: {  	s0 =	sld [smem:$0x3F8C];
	_ =	swait.ge [sflag:s4], $0x0  }
0x19: {  	s7 =	sld [smem:$0x3F8D]  }
0x1a: {  	s8 =	sadd.s32 $0xFFFFE003, lr  }
0x1b: {  	s9 =	sadd.s32 $0xFFFFFEF7, lr;
	s5 =	simm.s32 $0xFFFFFFFF;
	p2 =	slt.u32 s8, $0xFFFFF086  }
0x1c: {  	p1 =	slt.u32 s9, $0xF7A;
	s5 =	simm.s32 @!p2 $0x0  }
0x1d: {  	s5 =	simm.s32 @p1 $0x1;
	p0 =	seq.s32 s7, s2  }
0x1e: {  	s7 =	smul.u32 @!p0 $0xF7A, s2;
	p2 =	seq.s32 @!p0 s5, $0x0  }
0x1f: {  	s9 =	smul.u32 $0xF7A, s1;
	s8 =	simm.s32 @!p0 $0x1BF5;
	p2 =	por !p2, p0  }
0x20: {  	[sflag:s8] =	ssyncset.s32 @!p0 $0xFFFFF086;
	s6 =	sadd.s32 @!p0 s3, s7;
	s7 =	simm.s32 @!p0 $0x108  }
0x21: {  	s3 =	sadd.s32 s3, s9;
	s6 =	sadd.s32 @!p0 $0x88, s6;
	s7 =	simm.s32 @p2 $0x1082  }
0x22: {  	[simem:s7], [sflag:s8] =	dma.local @!p0 [hbm:s6], $0xF7A  }
0x23: {  	s9 =	sor.u32 $0xD0000000, s2;
	s6 =	simm.s32 $0x108;
	_ =	swait.ge @!p0 [sflag:s8], $0x0  }
0x24: {  	s3 =	sadd.s32 $0x88, s3;
	s6 =	simm.s32 @!p1 $0x1082;
	[sflag:s4] =	ssyncset.s32 $0xFFFFF086  }
0x25: {  	[simem:s6], [sflag:s4] =	dma.local [hbm:s3], $0xF7A  }
0x26: {  	[smem:$0x3F8D] =	sst s1;
	(tag) =	ssettag s2;
	_ =	strace s9  }
0x27: {  	s1 =	sld [smem:$0x3F9D]  }
0x28: {  	s2 =	sld [smem:$0x3F9E]  }
0x29: {  	s4 =	sld [smem:$0x3FA0]  }
0x2a: {  	p0 =	seq.s32 s5, $0x0;
	s5 =	sld [smem:$0x3FA1]  }
0x2b: {  	s6 =	sld [smem:$0x3FA2]  }
0x2c: {  	s7 =	sld [smem:$0x3FA3]  }
0x2d: {  	s3 =	simm.s32 $0x108;
	s8 =	sld [smem:$0x3FA4]  }
0x2e: {  	s3 =	simm.s32 @!p0 $0x1082;
	s9 =	sld [smem:$0x3FA5]  }
0x2f: {  	lr =	sadd.s32 s0, s3;
	s0 =	sld [smem:$0x3F9C]  }
0x30: {  	s3 =	sld [smem:$0x3F9F]  }
0x31: {  	[smem:$0x3FA8] =	sst s10  }
0x32: {  	s10 =	sld [smem:$0x3FA6];
	_ =	sdelay $0x3  }
0x33: {  	p0 =	seq.s32 s10, $0x1;
	s10 =	sld [smem:$0x3FA8];
	_ =	sdelay $0x3  }
0x34: {  	[smem:$0x3FA8] =	sst s10  }
0x35: {  	s10 =	sld [smem:$0x3FA7];
	_ =	sdelay $0x3  }
0x36: {  	p1 =	seq.s32 s10, $0x1;
	s10 =	sld [smem:$0x3FA8];
	_ =	sdelay $0x3  }
0x37: {  	[smem:$0x3FA8] =	sst s10  }
0x38: {  	s10 =	sld [smem:$0x3FA9]  }
0x39: {  	_ = 	snop;
	(pc) =	sbr.ind lr, $3  }
0x3a: {  	_ = 	snop  }
0x3b: {  	_ = 	snop  }
0x3c: {  	p2 =	seq.s32 s10, $0x1;
	s10 =	sld [smem:$0x3FA8]  }
0x3d: {  	_ =	shalt  }
0x3e: {  	_ =	shalt  }
0x3f: {  	_ =	shalt  }
0x40: {  	_ =	shalt  }
0x41: {  	_ =	shalt  }
0x42: {  	_ =	shalt  }
0x43: {  	_ =	shalt  }
0x44: {  	_ =	shalt  }
0x45: {  	_ =	shalt  }
0x46: {  	_ =	shalt  }
0x47: {  	_ =	shalt  }
0x48: {  	_ =	shalt  }
0x49: {  	_ =	shalt  }
0x4a: {  	_ =	shalt  }
0x4b: {  	_ =	shalt  }
0x4c: {  	_ =	shalt  }
0x4d: {  	_ =	shalt  }
0x4e: {  	_ =	shalt  }
0x4f: {  	_ =	shalt  }
0x50: {  	_ =	shalt  }
0x51: {  	_ =	shalt  }
0x52: {  	_ =	shalt  }
0x53: {  	_ =	shalt  }
0x54: {  	_ =	shalt  }
0x55: {  	_ =	shalt  }
0x56: {  	_ =	shalt  }
0x57: {  	_ =	shalt  }
0x58: {  	_ =	shalt  }
0x59: {  	_ =	shalt  }
0x5a: {  	_ =	shalt  }
0x5b: {  	_ =	shalt  }
0x5c: {  	_ =	shalt  }
0x5d: {  	_ =	shalt  }
0x5e: {  	_ =	shalt  }
0x5f: {  	_ =	shalt  }
0x60: {  	_ =	shalt  }
0x61: {  	_ =	shalt  }
0x62: {  	_ =	shalt  }
0x63: {  	_ =	shalt  }
0x64: {  	_ =	shalt  }
0x65: {  	_ =	shalt  }
0x66: {  	_ =	shalt  }
0x67: {  	_ =	shalt  }
0x68: {  	_ =	shalt  }
0x69: {  	_ =	shalt  }
0x6a: {  	_ =	shalt  }
0x6b: {  	_ =	shalt  }
0x6c: {  	_ =	shalt  }
0x6d: {  	_ =	shalt  }
0x6e: {  	_ =	shalt  }
0x6f: {  	_ =	shalt  }
0x70: {  	_ =	shalt  }
0x71: {  	_ =	shalt  }
0x72: {  	_ =	shalt  }
0x73: {  	_ =	shalt  }
0x74: {  	_ =	shalt  }
0x75: {  	_ =	shalt  }
0x76: {  	_ =	shalt  }
0x77: {  	_ =	shalt  }
0x78: {  	_ =	shalt  }
0x79: {  	_ =	shalt  }
0x7a: {  	_ =	shalt  }
0x7b: {  	_ =	shalt  }
0x7c: {  	_ =	shalt  }
0x7d: {  	_ =	shalt  }
0x7e: {  	_ =	shalt  }
0x7f: {  	_ =	shalt  }
0x80: {  	_ =	shalt  }
0x81: {  	_ =	shalt  }
0x82: {  	_ =	shalt  }
0x83: {  	_ =	shalt  }
0x84: {  	_ =	shalt  }
0x85: {  	_ =	shalt  }
0x86: {  	_ =	shalt  }
0x87: {  	_ =	shalt  }
.Lfunc_end0:
.L_simem_size_0:
called_computation.1_lowered:
.L_overlay_start_0:
0x88: {  	s2 =	sld [smem:$0x3FD9]  }
0x89: {  	s3 =	sld [smem:$0x3FFE];
	_ =	sdelay $0x1  }
0x8a: {  	s1 =	srdreg.scid  }
0x8b: {  	s0 =	sand.u32 $0x1, s1  }
0x8c: {  	s14 =	sshll.u32 s0, $0xA;
	s2 =	sadd.s32 s3, s2  }
0x8d: {  	s2 =	sadd.s32 s2, s14  }
0x8e: {  	[smem:$0x3FB4] =	sst s2  }
0x8f: {  	_ = 	snop  }
0x90: {  	s2 =	sld [smem:$0x3FD0];
	_ =	sdelay $0x2  }
0x91: {  	s15 =	simm.s32 $0xA;
	s4 =	simm.s32 $0x10  }
0x92: {  	[smem:s4], [sflag:s15] =	dma.local [hbm:s2], $0x1  }
0x93: {  	_ =	swait.eq [sflag:s15], $0x1  }
0x94: {  	[sflag:s15] =	ssyncset.done $0x0  }
0x95: {  	[sflag:s15] =	ssyncadd.s32 $0xFFFFFFFF  }
0x96: {  	s16 =	sld [smem:$0x10];
	(tm) =	ssettm $0x1  }
0x97: {  	s17 =	sld [smem:$0x3FFB];
	_ =	sdelay $0x3  }
0x98: {  	_ =	strace s17  }
0x99: {  	s3 =	sld [smem:$0x3FFC];
	_ =	sdelay $0x3  }
0x9a: {  	_ =	strace s3  }
0x9b: {  	s3 =	sld [smem:$0x3FFD];
	_ =	sdelay $0x3  }
0x9c: {  	_ =	strace s3  }
0x9d: {  	_ =	strace $0x8FFFFFFF  }
0x9e: {  	s18 =	sld [smem:$0x3FDB];
	_ =	sdelay $0x1  }
0x9f: {  	s19 =	simm.s32 $_scs_section_size  }
0xa0: {  	s5 =	simm.s32 $_size__tile_overlayer_lowered;
	s6 =	simm.s32 $_tile_overlayer_lowered  }
0xa1: {  	s22 =	simm.s32 $0x1BFF;
	s21 =	sshll.u32 s6, $0x1;
	s3 =	sadd.s32 s19, s18  }
0xa2: {  	s7 =	simm.s32 $0x0;
	s20 =	sshll.u32 s5, $0x1;
	s5 =	sadd.s32 s21, s3  }
0xa3: {  	[timem:s7], [sflag:s22] =	dma.local [hbm:s5], s20  }
0xa4: {  	_ =	swait.ge [sflag:s22], s20  }
0xa5: {  	s4 =	ssub.s32 $0x0, s20;
	[sflag:s22] =	ssyncset.done $0x0  }
0xa6: {  	[sflag:s22] =	ssyncadd.s32 s4;
	_ =	sdelay $0x1  }
0xa7: {  	s23 =	simm.s32 $0x1B8B  }
0xa8: {  	_ =	swait.ge [sflag:s23], $0x1  }
0xa9: {  	[sflag:s23] =	ssyncset.done $0x0  }
0xaa: {  	s25 =	simm.s32 $0x1B8E;
	s24 =	sld [smem:$0x3FFE];
	[sflag:s23] =	ssyncadd.s32 $0xFFFFFFFF  }
0xab: {  	s26 =	simm.s32 $execute0_lowered;
	[smem:$0x3FD2] =	sst s25  }
0xac: {  	s5 =	sshll.u32 s26, $0x1;
	_ =	strace $0x80000049;
	[dreg:$0x1] =	wrdreg $0xFFFFFFFF  }
0xad: {  	s28 =	simm.s32 $_size_execute0_lowered;
	s3 =	sadd.s32 s3, s5;
	[dreg:$0x0] =	wrdreg $0x0  }
0xae: {  	s5 =	sshll.u32 s28, $0x1;
	[dreg:$0x2] =	wrdreg s3  }
0xaf: {  	[dreg:$0x3] =	wrdreg s5  }
0xb0: {  	[dreg:$0x4] =	wrdreg $0xC0  }
0xb1: {  	_ =	task [dreg:s7], $0x5FFFF  }
0xb2: {  	[dreg:$0x1] =	wrdreg $0xFFFFFFFF  }
0xb3: {  	[dreg:$0x0] =	wrdreg $0x60  }
0xb4: {  	[dreg:$0x2] =	wrdreg s16  }
0xb5: {  	[dreg:$0x3] =	wrdreg s24  }
0xb6: {  	[dreg:$0x4] =	wrdreg $0x0  }
0xb7: {  	[dreg:$0x5] =	wrdreg $0x9  }
0xb8: {  	_ =	task.clear_ibuf [dreg:s7], $0x6FFFF;
	_ =	strace $0x90000049  }
0xb9: {  	s29 =	simm.s32 $0x9;
	_ =	strace $0x8000004B  }
0xba: {  	_ =	swait.ge [sflag:s29], $0x1  }
0xbb: {  	[sflag:s29] =	ssyncadd.s32 $0xFFFFFFFF  }
0xbc: {  	_ =	strace $0x9000004B  }
0xbd: {  	_ =	sfence  }
0xbe: {  	s30 =	sld [smem:$0x0];
	_ =	sdelay $0x2  }
0xbf: {  	s31 =	sshll.u32 s1, $0xD;
	s1 =	sshrl.u32 s1, $0x2  }
0xc0: {  	s3 =	sand.u32 $0x4000, s31;
	s1 =	sadd.s32 s1, s30  }
0xc1: {  	s0 =	sor.u32 s3, s0;
	s1 =	sshll.u32 s1, $0x11  }
0xc2: {  	s0 =	sor.u32 s1, s0  }
0xc3: {  	s0 =	sadd.s32 $0x8F2B, s0  }
0xc4: {  	[sflag:s0] =	ssyncadd.remote.s32 $0x1  }
0xc5: {  	_ =	sfence.sel $0xFFFF  }
0xc6: {  	[dreg:$0x0] =	wrdreg $0xFFFFFFFF;
	(pc) =	sbr.abs _section_cstart, $3  }
0xc7: {  	[dreg:$0x1] =	wrdreg $0xFFFFFFFF  }
0xc8: {  	_ =	task.clear_ibuf [dreg:s7], $0x2FFFF;
	_ =	strace $0x9FFFFFFF  }
0xc9: {  	(tm) =	ssettm $0x7FFFFFFF  }
tec
execute0_lowered:
.L_overlay_start_1:
0x0: {  	(tag) =	ssettag $0x1  }
0x1: {  	s0 =	srdreg.scid;
	s1 =	rddreg [dreg:$0x0]  }
0x2: {  	s2 =	rddreg [dreg:$0x1];
	s22 =	stileid.u32  }
0x3: {  	s3 =	rddreg [dreg:$0x2];
	s17 =	simm.s32 $0x14000;
	s18 =	simm.s32 $0x80  }
0x4: {  	s19 =	simm.s32 $0x16900;
	s20 =	simm.s32 $0x16800;
	s6 =	smul.u32 $0x50000, s22  }
0x5: {  	s21 =	simm.s32 $0x1A900;
	s28 =	simm.s32 $0x4;
	s10 =	smul.u32 $0x4F000, s22  }
0x6: {  	s29 =	simm.s32 $0x2;
	s31 =	simm.s32 $0x0;
	s24 =	smul.u32 $0x2780, s22  }
0x7: {  	s0 =	sand.u32 $0x1, s0;
	s14 =	sadd.s32 $0xF200, s2;
	s16 =	smul.u32 $0x2800, s22  }
0x8: {  	s23 =	sadd.s32 $0x19200, s2;
	s25 =	sshll.u32 s22, $0x6;
	s12 =	smul.u32 $0x27100, s0  }
0x9: {  	p0 =	seq.s32 s22, $0xF;
	s4 =	sshll.u32 s0, $0x4;
	s13 =	smul.u32 $0x138800, s0  }
0xa: {  	s9 =	ssub.s32 $0x2, s0;
	s0 =	smul.u32 $0x28000, s0;
	s5 =	sor.u32 s22, s4  }
0xb: {  	s4 =	simm.s32 $0x0;
	s11 =	sshrl.u32 s9, $0x1;
	s6 =	sshrl.u32 s6, $0x2  }
0xc: {  	s10 =	sshrl.u32 s10, $0x2;
	s22 =	simm.s32 $0x16880;
	s5 =	smul.u32 $0x2800, s5  }
0xd: {  	[smem:$0x7FF] =	sst s4;
	s11 =	ssub.s32 s9, s11;
	s15 =	sadd.s32 s6, s3  }
0xe: {  	s6 =	sor.u32 $0x1C05, s25;
	s25 =	sadd.s32 s10, s3;
	s9 =	sadd.s32 s24, s12  }
0xf: {  	s26 =	sshrl.u32 s13, $0x3;
	s0 =	sadd.s32 s16, s0;
	s24 =	sadd.s32 $0x128400, s3  }
0x10: {  	s16 =	simm.s32 $0x5;
	_ =	strace $0x8000004A;
	[dreg:$0x4] =	wrdreg s23  }
0x11: {  	s30 =	sor.u32 $0x80, s0;
	s11 =	smax.u32 s11, $0x1;
	s0 =	sor.u32 $0x100, s0  }
0x12: {  	s15 =	sshrl.u32 s15, $0x3;
	s23 =	simm.s32 $0x3;
	s24 =	sshrl.u32 @p0 s24, $0x3  }
0x13: {  	s25 =	sshrl.u32 @!p0 s25, $0x3;
	s8 =	sshrl.u32 s5, $0x3;
	s0 =	sshrl.u32 s0, $0x3  }
0x14: {  	s7 =	sadd.s32 s8, s2;
	s2 =	sadd.s32 $0x1BA00, s2;
	s8 =	sadd.s32 s14, s8  }
0x15: {  	s7 =	sadd.s32 $0x5200, s7;
	s9 =	sadd.s32 s2, s9;
	s2 =	sadd.s32 s2, s26  }
0x16: {  	s12 =	sadd.s32 $0x4F0, s8;
	s10 =	sadd.s32 $0x25080, s2;
	s2 =	sshrl.u32 s30, $0x3  }
0x17: {  	s26 =	simm.s32 $0x1;
	s13 =	sadd.s32 s2, s14;
	s14 =	sadd.s32 s0, s14  }
.LBB2_1:
0x18: {  	s0 =	rddreg [dreg:$0x4]  }
0x19: {  	[spmem:s15], [sflag:s6] =	dma.local [hbm:s0], $0x2800  }
0x1a: {  	_ =	swait.ge [sflag:s16], $0x2800  }
0x1b: {  	[sflag:s16] =	ssyncset.done $0x0  }
0x1c: {  	[sflag:s16] =	ssyncadd.s32 $0xFFFFD800  }
0x1d: {  	[bflag:$0x0] =	sbarrier.arrive $0xFFFF  }
0x1e: {  	[tilespmem:s17], [sflag:$0x5] =	stream.linear.gather [hbm4b:s7+s4], $0x2800, $0x38;
	[tilespmem:$0x1E900] =	vst v63  }
0x1f: {  	_ =	swait.ge [sflag:s16], $0x2800  }
0x20: {  	[sflag:s16] =	ssyncset.done $0x0  }
0x21: {  	[sflag:s16] =	ssyncadd.s32 $0xFFFFD800  }
0x22: {  	[tilespmem:s19], [sflag:$0x1] =	stream.indirect.gather [hbm4b:s1+s18], $0x80, s17, s18, $0xb8;
	[tilespmem:$0x1E900] =	vst v63  }
0x23: {  	_ = 	snop  }
0x24: {  	[tilespmem:s20], [sflag:$0x3] =	stream.linear.gather [hbm4b:s8+s4], $0x80, $0x38;
	[tilespmem:$0x1E900] =	vst v63  }
0x25: {  	s2 =	simm.s32 $0x14080  }
0x26: {  	[tilespmem:s21], [sflag:$0x2] =	stream.indirect.gather [hbm4b:s1+s18], $0x80, s2, s18, $0xb8;
	[tilespmem:$0x1E900] =	vst v63  }
0x27: {  	s30 =	sadd.s32 $0x0, s13  }
0x28: {  	[tilespmem:s22], [sflag:$0x4] =	stream.linear.gather [hbm4b:s30+s4], $0x80, $0x38;
	[tilespmem:$0x1E900] =	vst v63  }
0x29: {  	_ =	swait.ge [sflag:s23], $0x80  }
0x2a: {  	[sflag:s23] =	ssyncset.done $0x0  }
0x2b: {  	[sflag:s23] =	ssyncadd.s32 $0xFFFFFF80  }
0x2c: {  	_ =	swait.ge [sflag:s26], $0x4000  }
0x2d: {  	[sflag:s26] =	ssyncset.done $0x0  }
0x2e: {  	[sflag:s26] =	ssyncadd.s32 $0xFFFFC000  }
0x2f: {  	[spmem:s3] =	stream.indirect.scatter.add.f32 [tilespmem:s19], [sflag:$0x5], $0x80, s20, s18, $0xb8;
	[tilespmem:$0x1E900] =	vst v63  }
0x30: {  	_ =	swait.ge [sflag:s16], $0x4000  }
0x31: {  	[sflag:s16] =	ssyncset.done $0x0  }
0x32: {  	s5 =	simm.s32 $0x14100;
	[sflag:s16] =	ssyncadd.s32 $0xFFFFC000  }
0x33: {  	[tilespmem:s19], [sflag:$0x1] =	stream.indirect.gather [hbm4b:s1+s18], $0x80, s5, s18, $0xb8;
	[tilespmem:$0x1E900] =	vst v63  }
0x34: {  	s30 =	sadd.s32 $0x0, s14  }
0x35: {  	[tilespmem:s20], [sflag:$0x3] =	stream.linear.gather [hbm4b:s30+s4], $0x80, $0x38;
	[tilespmem:$0x1E900] =	vst v63  }
0x36: {  	_ =	swait.ge [sflag:s28], $0x80  }
0x37: {  	[sflag:s28] =	ssyncset.done $0x0  }
0x38: {  	[sflag:s28] =	ssyncadd.s32 $0xFFFFFF80  }
0x39: {  	_ =	swait.ge [sflag:s29], $0x4000  }
0x3a: {  	[sflag:s29] =	ssyncset.done $0x0  }
0x3b: {  	[sflag:s29] =	ssyncadd.s32 $0xFFFFC000  }
0x3c: {  	[spmem:s3] =	stream.indirect.scatter.add.f32 [tilespmem:s21], [sflag:$0x5], $0x80, s22, s18, $0xb8;
	[tilespmem:$0x1E900] =	vst v63  }
0x3d: {  	_ =	swait.ge [sflag:s16], $0x4000  }
0x3e: {  	s0 =	simm.s32 $0x20;
	[sflag:s16] =	ssyncset.done $0x0  }
.LBB2_2:
0x3f: {  	p1 =	sne.s32 s0, $0x4C0;
	[sflag:s16] =	ssyncadd.s32 $0xFFFFC000;
	s2 =	sadd.s32 $0x100, s2  }
0x40: {  	[tilespmem:s21], [sflag:$0x2] =	stream.indirect.gather [hbm4b:s1+s18], $0x80, s2, s18, $0xb8;
	[tilespmem:$0x1E900] =	vst v63  }
0x41: {  	s30 =	sadd.s32 s0, s13;
	s5 =	smov.u32 s0;
	s0 =	sadd.s32 $0x20, s0  }
0x42: {  	[tilespmem:s22], [sflag:$0x4] =	stream.linear.gather [hbm4b:s30+s4], $0x80, $0x38;
	[tilespmem:$0x1E900] =	vst v63  }
0x43: {  	_ =	swait.ge [sflag:s23], $0x80  }
0x44: {  	[sflag:s23] =	ssyncset.done $0x0  }
0x45: {  	[sflag:s23] =	ssyncadd.s32 $0xFFFFFF80  }
0x46: {  	_ =	swait.ge [sflag:s26], $0x4000  }
0x47: {  	[sflag:s26] =	ssyncset.done $0x0  }
0x48: {  	[sflag:s26] =	ssyncadd.s32 $0xFFFFC000  }
0x49: {  	[spmem:s3] =	stream.indirect.scatter.add.f32 [tilespmem:s19], [sflag:$0x5], $0x80, s20, s18, $0xb8;
	[tilespmem:$0x1E900] =	vst v63  }
0x4a: {  	_ =	swait.ge [sflag:s16], $0x4000  }
0x4b: {  	[sflag:s16] =	ssyncset.done $0x0  }
0x4c: {  	s30 =	sadd.s32 $0x80, s2;
	[sflag:s16] =	ssyncadd.s32 $0xFFFFC000  }
0x4d: {  	[tilespmem:s19], [sflag:$0x1] =	stream.indirect.gather [hbm4b:s1+s18], $0x80, s30, s18, $0xb8;
	[tilespmem:$0x1E900] =	vst v63  }
0x4e: {  	s5 =	sadd.s32 s5, s14  }
0x4f: {  	[tilespmem:s20], [sflag:$0x3] =	stream.linear.gather [hbm4b:s5+s4], $0x80, $0x38;
	[tilespmem:$0x1E900] =	vst v63  }
0x50: {  	_ =	swait.ge [sflag:s28], $0x80  }
0x51: {  	[sflag:s28] =	ssyncset.done $0x0  }
0x52: {  	[sflag:s28] =	ssyncadd.s32 $0xFFFFFF80  }
0x53: {  	_ =	swait.ge [sflag:s29], $0x4000  }
.Ltmp0:
0x54: {  	[sflag:s29] =	ssyncset.done $0x0;
	(pc) =	sbr.rel @p1 .LBB2_2-.Ltmp0, $4  }
0x55: {  	[sflag:s29] =	ssyncadd.s32 $0xFFFFC000  }
0x56: {  	[spmem:s3] =	stream.indirect.scatter.add.f32 [tilespmem:s21], [sflag:$0x5], $0x80, s22, s18, $0xb8;
	[tilespmem:$0x1E900] =	vst v63  }
0x57: {  	_ =	swait.ge [sflag:s16], $0x4000  }
0x58: {  	[sflag:s16] =	ssyncset.done $0x0  }
0x59: {  	[sflag:s16] =	ssyncadd.s32 $0xFFFFC000;
	s0 =	simm.s32 $0x16780  }
0x5a: {  	[tilespmem:s21], [sflag:$0x2] =	stream.indirect.gather [hbm4b:s1+s18], $0x80, s0, s18, $0xb8;
	[tilespmem:$0x1E900] =	vst v63  }
0x5b: {  	_ = 	snop  }
0x5c: {  	[tilespmem:s22], [sflag:$0x4] =	stream.linear.gather [hbm4b:s12+s4], $0x80, $0x38;
	[tilespmem:$0x1E900] =	vst v63  }
0x5d: {  	_ =	swait.ge [sflag:s23], $0x80  }
0x5e: {  	[sflag:s23] =	ssyncset.done $0x0  }
0x5f: {  	[sflag:s23] =	ssyncadd.s32 $0xFFFFFF80  }
0x60: {  	_ =	swait.ge [sflag:s26], $0x4000  }
0x61: {  	[sflag:s26] =	ssyncset.done $0x0  }
0x62: {  	[sflag:s26] =	ssyncadd.s32 $0xFFFFC000  }
0x63: {  	[spmem:s3] =	stream.indirect.scatter.add.f32 [tilespmem:s19], [sflag:$0x5], $0x80, s20, s18, $0xb8;
	[tilespmem:$0x1E900] =	vst v63  }
0x64: {  	_ =	swait.ge [sflag:s16], $0x4000  }
0x65: {  	[sflag:s16] =	ssyncset.done $0x0  }
0x66: {  	[sflag:s16] =	ssyncadd.s32 $0xFFFFC000  }
0x67: {  	_ =	swait.ge [sflag:s28], $0x80  }
0x68: {  	[sflag:s28] =	ssyncset.done $0x0  }
0x69: {  	[sflag:s28] =	ssyncadd.s32 $0xFFFFFF80  }
0x6a: {  	_ =	swait.ge [sflag:s29], $0x4000  }
0x6b: {  	[sflag:s29] =	ssyncset.done $0x0  }
0x6c: {  	[sflag:s29] =	ssyncadd.s32 $0xFFFFC000  }
0x6d: {  	[spmem:s3] =	stream.indirect.scatter.add.f32 [tilespmem:s21], [sflag:$0x5], $0x80, s22, s18, $0xb8;
	[tilespmem:$0x1E900] =	vst v63  }
0x6e: {  	_ =	swait.ge [sflag:s16], $0x4000  }
0x6f: {  	[sflag:s16] =	ssyncset.done $0x0  }
0x70: {  	[sflag:s16] =	ssyncadd.s32 $0xFFFFC000  }
0x71: {  	s0 =	simm.s32 @p0 $0x5;
	[bflag:$0x0] =	sbarrier.arrive $0xFFFF  }
0x72: {  	[hbm:s10], [sflag:s6] =	dma.local @p0 [spmem:s24], $0x2080  }
0x73: {  	s31 =	sadd.s32 $0x1, s31;
	_ =	swait.ge @p0 [sflag:s0], $0x2080  }
0x74: {  	p1 =	sne.s32 s31, s11;
	[sflag:s0] =	ssyncset.done @p0 $0x0  }
.Ltmp1:
0x75: {  	[sflag:s0] =	ssyncadd.s32 @p0 $0xFFFFDF80;
	s0 =	simm.s32 @!p0 $0x5;
	(pc) =	sbr.rel @p1 .LBB2_1-.Ltmp1, $4  }
0x76: {  	[hbm:s9], [sflag:s6] =	dma.local @!p0 [spmem:s25], $0x2780  }
0x77: {  	_ =	swait.ge @!p0 [sflag:s0], $0x2780  }
0x78: {  	[sflag:s0] =	ssyncset.done @!p0 $0x0  }
0x79: {  	[sflag:s0] =	ssyncadd.s32 @!p0 $0xFFFFD880  }
0x7a: {  	_ =	sfence.sel $0x180000  }
0x7b: {  	[bflag:$0x0] =	sbarrier.arrive $0xFFFF  }
0x7c: {  	_ =	strace $0x9000004A  }
0x7d: {  	s0 =	stileid.u32;
	[bflag:$0x2] =	sbarrier.arrive $0xFFFF  }
0x7e: {  	p0 =	sne.s32 s0, $0x0;
	s0 =	rddreg [dreg:$0x3]  }
0x7f: {  	s0 =	sadd.s32 @!p0 $0x100000, s0  }
0x80: {  	[sflag:s0] =	ssyncadd.tile.s32 @!p0 $0x1;
	_ =	shalt  }
.Lfunc_end2:
_tile_overlayer_lowered:
.L_overlay_start_2:
0x81: {  	(tag) =	ssettag $0x2  }
0x82: {  	s0 =	rddreg [dreg:$0x0];
	s2 =	stileid.u32  }
0x83: {  	s1 =	rddreg [dreg:$0x1];
	p0 =	sne.s32 s2, $0x0  }
0x84: {  	s3 =	rddreg [dreg:$0x2];
	[bflag:$0x3] =	sbarrier.arrive $0xFFFF;
	s2 =	simm.s32 @!p0 $0x1C05  }
0x85: {  	[timem:s3], [sflag:s2] =	dma.local @!p0 [hbm:s0], s1  }
0x86: {  	s0 =	simm.s32 @!p0 $0x5  }
0x87: {  	_ =	swait.ge @!p0 [sflag:s0], s1  }
0x88: {  	s1 =	ssub.s32 @!p0 $0x0, s1;
	[sflag:s0] =	ssyncset.done @!p0 $0x0  }
0x89: {  	[sflag:s0] =	ssyncadd.s32 @!p0 s1  }
0x8a: {  	[bflag:$0x3] =	sbarrier.arrive $0xFFFF  }
0x8b: {  	_ =	shalt  }

// kernel: kernel.18.cloned.1.call-start
scs
__scs_entry_jumppad:
0x0: {  	(pc) =	sbr.rel $0x88, $3  }
0x1: {  	(tag) =	ssettag $0x0;
	lr =	simm.s32 $0x1  }
0x2: {  	[smem:$0x3F8D] =	sst lr;
	_ =	strace $0xD0000000  }
0x3: {  	_ = 	snop  }
0x4: {  	_ = 	snop  }
0x5: {  	_ = 	snop  }
0x6: {  	_ = 	snop  }
0x7: {  	_ = 	snop  }
__scs_overlays_trampoline_lowered:
0x8: {  	[smem:$0x3F9C] =	sst s0  }
0x9: {  	[smem:$0x3F9D] =	sst s1  }
0xa: {  	[smem:$0x3F9E] =	sst s2  }
0xb: {  	[smem:$0x3F9F] =	sst s3  }
0xc: {  	[smem:$0x3FA0] =	sst s4  }
0xd: {  	[smem:$0x3FA1] =	sst s5  }
0xe: {  	[smem:$0x3FA2] =	sst s6  }
0xf: {  	[smem:$0x3FA3] =	sst s7  }
0x10: {  	[smem:$0x3FA4] =	sst s8  }
0x11: {  	[smem:$0x3FA5] =	sst s9;
	s0 =	simm.s32 @!p0 $0x0  }
0x12: {  	s1 =	sld [smem:$0x3F8B];
	s0 =	simm.s32 @p0 $0x1  }
0x13: {  	[smem:$0x3FA6] =	sst s0;
	s0 =	simm.s32 @!p1 $0x0  }
0x14: {  	s2 =	sld [smem:$0x3F8A];
	s0 =	simm.s32 @p1 $0x1  }
0x15: {  	[smem:$0x3FA7] =	sst s0;
	s0 =	simm.s32 @!p2 $0x0  }
0x16: {  	s3 =	sld [smem:$0x3FDB];
	s0 =	simm.s32 @p2 $0x1  }
0x17: {  	s4 =	simm.s32 $0x1BF5;
	[smem:$0x3FA9] =	sst s0  }
0x18: {  	s0 =	sld [smem:$0x3F8C];
	_ =	swait.ge [sflag:s4], $0x0  }
0x19: {  	s7 =	sld [smem:$0x3F8D]  }
0x1a: {  	s8 =	sadd.s32 $0xFFFFE003, lr  }
0x1b: {  	s9 =	sadd.s32 $0xFFFFFEF7, lr;
	s5 =	simm.s32 $0xFFFFFFFF;
	p2 =	slt.u32 s8, $0xFFFFF086  }
0x1c: {  	p1 =	slt.u32 s9, $0xF7A;
	s5 =	simm.s32 @!p2 $0x0  }
0x1d: {  	s5 =	simm.s32 @p1 $0x1;
	p0 =	seq.s32 s7, s2  }
0x1e: {  	s7 =	smul.u32 @!p0 $0xF7A, s2;
	p2 =	seq.s32 @!p0 s5, $0x0  }
0x1f: {  	s9 =	smul.u32 $0xF7A, s1;
	s8 =	simm.s32 @!p0 $0x1BF5;
	p2 =	por !p2, p0  }
0x20: {  	[sflag:s8] =	ssyncset.s32 @!p0 $0xFFFFF086;
	s6 =	sadd.s32 @!p0 s3, s7;
	s7 =	simm.s32 @!p0 $0x108  }
0x21: {  	s3 =	sadd.s32 s3, s9;
	s6 =	sadd.s32 @!p0 $0x88, s6;
	s7 =	simm.s32 @p2 $0x1082  }
0x22: {  	[simem:s7], [sflag:s8] =	dma.local @!p0 [hbm:s6], $0xF7A  }
0x23: {  	s9 =	sor.u32 $0xD0000000, s2;
	s6 =	simm.s32 $0x108;
	_ =	swait.ge @!p0 [sflag:s8], $0x0  }
0x24: {  	s3 =	sadd.s32 $0x88, s3;
	s6 =	simm.s32 @!p1 $0x1082;
	[sflag:s4] =	ssyncset.s32 $0xFFFFF086  }
0x25: {  	[simem:s6], [sflag:s4] =	dma.local [hbm:s3], $0xF7A  }
0x26: {  	[smem:$0x3F8D] =	sst s1;
	(tag) =	ssettag s2;
	_ =	strace s9  }
0x27: {  	s1 =	sld [smem:$0x3F9D]  }
0x28: {  	s2 =	sld [smem:$0x3F9E]  }
0x29: {  	s4 =	sld [smem:$0x3FA0]  }
0x2a: {  	p0 =	seq.s32 s5, $0x0;
	s5 =	sld [smem:$0x3FA1]  }
0x2b: {  	s6 =	sld [smem:$0x3FA2]  }
0x2c: {  	s7 =	sld [smem:$0x3FA3]  }
0x2d: {  	s3 =	simm.s32 $0x108;
	s8 =	sld [smem:$0x3FA4]  }
0x2e: {  	s3 =	simm.s32 @!p0 $0x1082;
	s9 =	sld [smem:$0x3FA5]  }
0x2f: {  	lr =	sadd.s32 s0, s3;
	s0 =	sld [smem:$0x3F9C]  }
0x30: {  	s3 =	sld [smem:$0x3F9F]  }
0x31: {  	[smem:$0x3FA8] =	sst s10  }
0x32: {  	s10 =	sld [smem:$0x3FA6];
	_ =	sdelay $0x3  }
0x33: {  	p0 =	seq.s32 s10, $0x1;
	s10 =	sld [smem:$0x3FA8];
	_ =	sdelay $0x3  }
0x34: {  	[smem:$0x3FA8] =	sst s10  }
0x35: {  	s10 =	sld [smem:$0x3FA7];
	_ =	sdelay $0x3  }
0x36: {  	p1 =	seq.s32 s10, $0x1;
	s10 =	sld [smem:$0x3FA8];
	_ =	sdelay $0x3  }
0x37: {  	[smem:$0x3FA8] =	sst s10  }
0x38: {  	s10 =	sld [smem:$0x3FA9]  }
0x39: {  	_ = 	snop;
	(pc) =	sbr.ind lr, $3  }
0x3a: {  	_ = 	snop  }
0x3b: {  	_ = 	snop  }
0x3c: {  	p2 =	seq.s32 s10, $0x1;
	s10 =	sld [smem:$0x3FA8]  }
0x3d: {  	_ =	shalt  }
0x3e: {  	_ =	shalt  }
0x3f: {  	_ =	shalt  }
0x40: {  	_ =	shalt  }
0x41: {  	_ =	shalt  }
0x42: {  	_ =	shalt  }
0x43: {  	_ =	shalt  }
0x44: {  	_ =	shalt  }
0x45: {  	_ =	shalt  }
0x46: {  	_ =	shalt  }
0x47: {  	_ =	shalt  }
0x48: {  	_ =	shalt  }
0x49: {  	_ =	shalt  }
0x4a: {  	_ =	shalt  }
0x4b: {  	_ =	shalt  }
0x4c: {  	_ =	shalt  }
0x4d: {  	_ =	shalt  }
0x4e: {  	_ =	shalt  }
0x4f: {  	_ =	shalt  }
0x50: {  	_ =	shalt  }
0x51: {  	_ =	shalt  }
0x52: {  	_ =	shalt  }
0x53: {  	_ =	shalt  }
0x54: {  	_ =	shalt  }
0x55: {  	_ =	shalt  }
0x56: {  	_ =	shalt  }
0x57: {  	_ =	shalt  }
0x58: {  	_ =	shalt  }
0x59: {  	_ =	shalt  }
0x5a: {  	_ =	shalt  }
0x5b: {  	_ =	shalt  }
0x5c: {  	_ =	shalt  }
0x5d: {  	_ =	shalt  }
0x5e: {  	_ =	shalt  }
0x5f: {  	_ =	shalt  }
0x60: {  	_ =	shalt  }
0x61: {  	_ =	shalt  }
0x62: {  	_ =	shalt  }
0x63: {  	_ =	shalt  }
0x64: {  	_ =	shalt  }
0x65: {  	_ =	shalt  }
0x66: {  	_ =	shalt  }
0x67: {  	_ =	shalt  }
0x68: {  	_ =	shalt  }
0x69: {  	_ =	shalt  }
0x6a: {  	_ =	shalt  }
0x6b: {  	_ =	shalt  }
0x6c: {  	_ =	shalt  }
0x6d: {  	_ =	shalt  }
0x6e: {  	_ =	shalt  }
0x6f: {  	_ =	shalt  }
0x70: {  	_ =	shalt  }
0x71: {  	_ =	shalt  }
0x72: {  	_ =	shalt  }
0x73: {  	_ =	shalt  }
0x74: {  	_ =	shalt  }
0x75: {  	_ =	shalt  }
0x76: {  	_ =	shalt  }
0x77: {  	_ =	shalt  }
0x78: {  	_ =	shalt  }
0x79: {  	_ =	shalt  }
0x7a: {  	_ =	shalt  }
0x7b: {  	_ =	shalt  }
0x7c: {  	_ =	shalt  }
0x7d: {  	_ =	shalt  }
0x7e: {  	_ =	shalt  }
0x7f: {  	_ =	shalt  }
0x80: {  	_ =	shalt  }
0x81: {  	_ =	shalt  }
0x82: {  	_ =	shalt  }
0x83: {  	_ =	shalt  }
0x84: {  	_ =	shalt  }
0x85: {  	_ =	shalt  }
0x86: {  	_ =	shalt  }
0x87: {  	_ =	shalt  }
.Lfunc_end0:
.L_simem_size_0:
called_computation.2_lowered:
.L_overlay_start_0:
0x88: {  	s2 =	sld [smem:$0x3FD9]  }
0x89: {  	s3 =	sld [smem:$0x3FFE];
	_ =	sdelay $0x1  }
0x8a: {  	s1 =	srdreg.scid  }
0x8b: {  	s0 =	sand.u32 $0x1, s1  }
0x8c: {  	s14 =	sshll.u32 s0, $0xA;
	s2 =	sadd.s32 s3, s2  }
0x8d: {  	s2 =	sadd.s32 s2, s14  }
0x8e: {  	[smem:$0x3FB4] =	sst s2  }
0x8f: {  	_ = 	snop  }
0x90: {  	s2 =	sld [smem:$0x3FD0];
	_ =	sdelay $0x2  }
0x91: {  	s15 =	simm.s32 $0xA;
	s4 =	simm.s32 $0x10  }
0x92: {  	[smem:s4], [sflag:s15] =	dma.local [hbm:s2], $0x1  }
0x93: {  	_ =	swait.eq [sflag:s15], $0x1  }
0x94: {  	[sflag:s15] =	ssyncset.done $0x0  }
0x95: {  	[sflag:s15] =	ssyncadd.s32 $0xFFFFFFFF  }
0x96: {  	s16 =	sld [smem:$0x10];
	(tm) =	ssettm $0x1  }
0x97: {  	s17 =	sld [smem:$0x3FFB];
	_ =	sdelay $0x3  }
0x98: {  	_ =	strace s17  }
0x99: {  	s3 =	sld [smem:$0x3FFC];
	_ =	sdelay $0x3  }
0x9a: {  	_ =	strace s3  }
0x9b: {  	s3 =	sld [smem:$0x3FFD];
	_ =	sdelay $0x3  }
0x9c: {  	_ =	strace s3  }
0x9d: {  	_ =	strace $0x8FFFFFFF  }
0x9e: {  	s18 =	sld [smem:$0x3FDB];
	_ =	sdelay $0x1  }
0x9f: {  	s19 =	simm.s32 $_scs_section_size  }
0xa0: {  	s5 =	simm.s32 $_size__tile_overlayer_lowered;
	s6 =	simm.s32 $_tile_overlayer_lowered  }
0xa1: {  	s22 =	simm.s32 $0x1BFF;
	s21 =	sshll.u32 s6, $0x1;
	s3 =	sadd.s32 s19, s18  }
0xa2: {  	s7 =	simm.s32 $0x0;
	s20 =	sshll.u32 s5, $0x1;
	s5 =	sadd.s32 s21, s3  }
0xa3: {  	[timem:s7], [sflag:s22] =	dma.local [hbm:s5], s20  }
0xa4: {  	_ =	swait.ge [sflag:s22], s20  }
0xa5: {  	s4 =	ssub.s32 $0x0, s20;
	[sflag:s22] =	ssyncset.done $0x0  }
0xa6: {  	[sflag:s22] =	ssyncadd.s32 s4;
	_ =	sdelay $0x1  }
0xa7: {  	s23 =	simm.s32 $0x1B8B  }
0xa8: {  	_ =	swait.ge [sflag:s23], $0x1  }
0xa9: {  	[sflag:s23] =	ssyncset.done $0x0  }
0xaa: {  	s25 =	simm.s32 $0x1B8E;
	s24 =	sld [smem:$0x3FFE];
	[sflag:s23] =	ssyncadd.s32 $0xFFFFFFFF  }
0xab: {  	s26 =	simm.s32 $execute0_lowered;
	[smem:$0x3FD2] =	sst s25  }
0xac: {  	s5 =	sshll.u32 s26, $0x1;
	_ =	strace $0x8000004C;
	[dreg:$0x1] =	wrdreg $0xFFFFFFFF  }
0xad: {  	s28 =	simm.s32 $_size_execute0_lowered;
	s3 =	sadd.s32 s3, s5;
	[dreg:$0x0] =	wrdreg $0x0  }
0xae: {  	s5 =	sshll.u32 s28, $0x1;
	[dreg:$0x2] =	wrdreg s3  }
0xaf: {  	[dreg:$0x3] =	wrdreg s5  }
0xb0: {  	[dreg:$0x4] =	wrdreg $0xC0  }
0xb1: {  	_ =	task [dreg:s7], $0x5FFFF  }
0xb2: {  	[dreg:$0x1] =	wrdreg $0xFFFFFFFF  }
0xb3: {  	[dreg:$0x0] =	wrdreg $0x60  }
0xb4: {  	[dreg:$0x2] =	wrdreg s16  }
0xb5: {  	[dreg:$0x3] =	wrdreg s24  }
0xb6: {  	[dreg:$0x4] =	wrdreg $0x0  }
0xb7: {  	[dreg:$0x5] =	wrdreg $0x9  }
0xb8: {  	_ =	task.clear_ibuf [dreg:s7], $0x6FFFF;
	_ =	strace $0x9000004C  }
0xb9: {  	s29 =	simm.s32 $0x9;
	_ =	strace $0x8000004E  }
0xba: {  	_ =	swait.ge [sflag:s29], $0x1  }
0xbb: {  	[sflag:s29] =	ssyncadd.s32 $0xFFFFFFFF  }
0xbc: {  	_ =	strace $0x9000004E  }
0xbd: {  	_ =	sfence  }
0xbe: {  	s30 =	sld [smem:$0x0];
	_ =	sdelay $0x2  }
0xbf: {  	s31 =	sshll.u32 s1, $0xD;
	s1 =	sshrl.u32 s1, $0x2  }
0xc0: {  	s3 =	sand.u32 $0x4000, s31;
	s1 =	sadd.s32 s1, s30  }
0xc1: {  	s0 =	sor.u32 s3, s0;
	s1 =	sshll.u32 s1, $0x11  }
0xc2: {  	s0 =	sor.u32 s1, s0  }
0xc3: {  	s0 =	sadd.s32 $0x8F2B, s0  }
0xc4: {  	[sflag:s0] =	ssyncadd.remote.s32 $0x1  }
0xc5: {  	_ =	sfence.sel $0xFFFF  }
0xc6: {  	[dreg:$0x0] =	wrdreg $0xFFFFFFFF;
	(pc) =	sbr.abs _section_cstart, $3  }
0xc7: {  	[dreg:$0x1] =	wrdreg $0xFFFFFFFF  }
0xc8: {  	_ =	task.clear_ibuf [dreg:s7], $0x2FFFF;
	_ =	strace $0x9FFFFFFF  }
0xc9: {  	(tm) =	ssettm $0x7FFFFFFF  }
tec
execute0_lowered:
.L_overlay_start_1:
0x0: {  	(tag) =	ssettag $0x1  }
0x1: {  	s0 =	srdreg.scid;
	s1 =	rddreg [dreg:$0x0]  }
0x2: {  	s2 =	rddreg [dreg:$0x1];
	s22 =	stileid.u32  }
0x3: {  	s3 =	rddreg [dreg:$0x2];
	s17 =	simm.s32 $0x14000;
	s18 =	simm.s32 $0x80  }
0x4: {  	s19 =	simm.s32 $0x16900;
	s20 =	simm.s32 $0x16800;
	s6 =	smul.u32 $0x50000, s22  }
0x5: {  	s21 =	simm.s32 $0x1A900;
	s28 =	simm.s32 $0x4;
	s10 =	smul.u32 $0x4F000, s22  }
0x6: {  	s29 =	simm.s32 $0x2;
	s31 =	simm.s32 $0x0;
	s24 =	smul.u32 $0x2780, s22  }
0x7: {  	s0 =	sand.u32 $0x1, s0;
	s14 =	sadd.s32 $0xF200, s2;
	s16 =	smul.u32 $0x2800, s22  }
0x8: {  	s23 =	sadd.s32 $0x19200, s2;
	s25 =	sshll.u32 s22, $0x6;
	s12 =	smul.u32 $0x27100, s0  }
0x9: {  	p0 =	seq.s32 s22, $0xF;
	s4 =	sshll.u32 s0, $0x4;
	s13 =	smul.u32 $0x138800, s0  }
0xa: {  	s9 =	ssub.s32 $0x2, s0;
	s0 =	smul.u32 $0x28000, s0;
	s5 =	sor.u32 s22, s4  }
0xb: {  	s4 =	simm.s32 $0x0;
	s11 =	sshrl.u32 s9, $0x1;
	s6 =	sshrl.u32 s6, $0x2  }
0xc: {  	s10 =	sshrl.u32 s10, $0x2;
	s22 =	simm.s32 $0x16880;
	s5 =	smul.u32 $0x2800, s5  }
0xd: {  	[smem:$0x7FF] =	sst s4;
	s11 =	ssub.s32 s9, s11;
	s15 =	sadd.s32 s6, s3  }
0xe: {  	s6 =	sor.u32 $0x1C05, s25;
	s25 =	sadd.s32 s10, s3;
	s9 =	sadd.s32 s24, s12  }
0xf: {  	s26 =	sshrl.u32 s13, $0x3;
	s0 =	sadd.s32 s16, s0;
	s24 =	sadd.s32 $0x128400, s3  }
0x10: {  	s16 =	simm.s32 $0x5;
	_ =	strace $0x8000004D;
	[dreg:$0x4] =	wrdreg s23  }
0x11: {  	s30 =	sor.u32 $0x80, s0;
	s11 =	smax.u32 s11, $0x1;
	s0 =	sor.u32 $0x100, s0  }
0x12: {  	s15 =	sshrl.u32 s15, $0x3;
	s23 =	simm.s32 $0x3;
	s24 =	sshrl.u32 @p0 s24, $0x3  }
0x13: {  	s25 =	sshrl.u32 @!p0 s25, $0x3;
	s8 =	sshrl.u32 s5, $0x3;
	s0 =	sshrl.u32 s0, $0x3  }
0x14: {  	s7 =	sadd.s32 s8, s2;
	s2 =	sadd.s32 $0x1BA00, s2;
	s8 =	sadd.s32 s14, s8  }
0x15: {  	s7 =	sadd.s32 $0x5200, s7;
	s9 =	sadd.s32 s2, s9;
	s2 =	sadd.s32 s2, s26  }
0x16: {  	s12 =	sadd.s32 $0x4F0, s8;
	s10 =	sadd.s32 $0x25080, s2;
	s2 =	sshrl.u32 s30, $0x3  }
0x17: {  	s26 =	simm.s32 $0x1;
	s13 =	sadd.s32 s2, s14;
	s14 =	sadd.s32 s0, s14  }
.LBB2_1:
0x18: {  	s0 =	rddreg [dreg:$0x4]  }
0x19: {  	[spmem:s15], [sflag:s6] =	dma.local [hbm:s0], $0x2800  }
0x1a: {  	_ =	swait.ge [sflag:s16], $0x2800  }
0x1b: {  	[sflag:s16] =	ssyncset.done $0x0  }
0x1c: {  	[sflag:s16] =	ssyncadd.s32 $0xFFFFD800  }
0x1d: {  	[bflag:$0x0] =	sbarrier.arrive $0xFFFF  }
0x1e: {  	[tilespmem:s17], [sflag:$0x5] =	stream.linear.gather [hbm4b:s7+s4], $0x2800, $0x38;
	[tilespmem:$0x1E900] =	vst v63  }
0x1f: {  	_ =	swait.ge [sflag:s16], $0x2800  }
0x20: {  	[sflag:s16] =	ssyncset.done $0x0  }
0x21: {  	[sflag:s16] =	ssyncadd.s32 $0xFFFFD800  }
0x22: {  	[tilespmem:s19], [sflag:$0x1] =	stream.indirect.gather [hbm4b:s1+s18], $0x80, s17, s18, $0xb8;
	[tilespmem:$0x1E900] =	vst v63  }
0x23: {  	_ = 	snop  }
0x24: {  	[tilespmem:s20], [sflag:$0x3] =	stream.linear.gather [hbm4b:s8+s4], $0x80, $0x38;
	[tilespmem:$0x1E900] =	vst v63  }
0x25: {  	s2 =	simm.s32 $0x14080  }
0x26: {  	[tilespmem:s21], [sflag:$0x2] =	stream.indirect.gather [hbm4b:s1+s18], $0x80, s2, s18, $0xb8;
	[tilespmem:$0x1E900] =	vst v63  }
0x27: {  	s30 =	sadd.s32 $0x0, s13  }
0x28: {  	[tilespmem:s22], [sflag:$0x4] =	stream.linear.gather [hbm4b:s30+s4], $0x80, $0x38;
	[tilespmem:$0x1E900] =	vst v63  }
0x29: {  	_ =	swait.ge [sflag:s23], $0x80  }
0x2a: {  	[sflag:s23] =	ssyncset.done $0x0  }
0x2b: {  	[sflag:s23] =	ssyncadd.s32 $0xFFFFFF80  }
0x2c: {  	_ =	swait.ge [sflag:s26], $0x4000  }
0x2d: {  	[sflag:s26] =	ssyncset.done $0x0  }
0x2e: {  	[sflag:s26] =	ssyncadd.s32 $0xFFFFC000  }
0x2f: {  	[spmem:s3] =	stream.indirect.scatter.add.f32 [tilespmem:s19], [sflag:$0x5], $0x80, s20, s18, $0xb8;
	[tilespmem:$0x1E900] =	vst v63  }
0x30: {  	_ =	swait.ge [sflag:s16], $0x4000  }
0x31: {  	[sflag:s16] =	ssyncset.done $0x0  }
0x32: {  	s5 =	simm.s32 $0x14100;
	[sflag:s16] =	ssyncadd.s32 $0xFFFFC000  }
0x33: {  	[tilespmem:s19], [sflag:$0x1] =	stream.indirect.gather [hbm4b:s1+s18], $0x80, s5, s18, $0xb8;
	[tilespmem:$0x1E900] =	vst v63  }
0x34: {  	s30 =	sadd.s32 $0x0, s14  }
0x35: {  	[tilespmem:s20], [sflag:$0x3] =	stream.linear.gather [hbm4b:s30+s4], $0x80, $0x38;
	[tilespmem:$0x1E900] =	vst v63  }
0x36: {  	_ =	swait.ge [sflag:s28], $0x80  }
0x37: {  	[sflag:s28] =	ssyncset.done $0x0  }
0x38: {  	[sflag:s28] =	ssyncadd.s32 $0xFFFFFF80  }
0x39: {  	_ =	swait.ge [sflag:s29], $0x4000  }
0x3a: {  	[sflag:s29] =	ssyncset.done $0x0  }
0x3b: {  	[sflag:s29] =	ssyncadd.s32 $0xFFFFC000  }
0x3c: {  	[spmem:s3] =	stream.indirect.scatter.add.f32 [tilespmem:s21], [sflag:$0x5], $0x80, s22, s18, $0xb8;
	[tilespmem:$0x1E900] =	vst v63  }
0x3d: {  	_ =	swait.ge [sflag:s16], $0x4000  }
0x3e: {  	s0 =	simm.s32 $0x20;
	[sflag:s16] =	ssyncset.done $0x0  }
.LBB2_2:
0x3f: {  	p1 =	sne.s32 s0, $0x4C0;
	[sflag:s16] =	ssyncadd.s32 $0xFFFFC000;
	s2 =	sadd.s32 $0x100, s2  }
0x40: {  	[tilespmem:s21], [sflag:$0x2] =	stream.indirect.gather [hbm4b:s1+s18], $0x80, s2, s18, $0xb8;
	[tilespmem:$0x1E900] =	vst v63  }
0x41: {  	s30 =	sadd.s32 s0, s13;
	s5 =	smov.u32 s0;
	s0 =	sadd.s32 $0x20, s0  }
0x42: {  	[tilespmem:s22], [sflag:$0x4] =	stream.linear.gather [hbm4b:s30+s4], $0x80, $0x38;
	[tilespmem:$0x1E900] =	vst v63  }
0x43: {  	_ =	swait.ge [sflag:s23], $0x80  }
0x44: {  	[sflag:s23] =	ssyncset.done $0x0  }
0x45: {  	[sflag:s23] =	ssyncadd.s32 $0xFFFFFF80  }
0x46: {  	_ =	swait.ge [sflag:s26], $0x4000  }
0x47: {  	[sflag:s26] =	ssyncset.done $0x0  }
0x48: {  	[sflag:s26] =	ssyncadd.s32 $0xFFFFC000  }
0x49: {  	[spmem:s3] =	stream.indirect.scatter.add.f32 [tilespmem:s19], [sflag:$0x5], $0x80, s20, s18, $0xb8;
	[tilespmem:$0x1E900] =	vst v63  }
0x4a: {  	_ =	swait.ge [sflag:s16], $0x4000  }
0x4b: {  	[sflag:s16] =	ssyncset.done $0x0  }
0x4c: {  	s30 =	sadd.s32 $0x80, s2;
	[sflag:s16] =	ssyncadd.s32 $0xFFFFC000  }
0x4d: {  	[tilespmem:s19], [sflag:$0x1] =	stream.indirect.gather [hbm4b:s1+s18], $0x80, s30, s18, $0xb8;
	[tilespmem:$0x1E900] =	vst v63  }
0x4e: {  	s5 =	sadd.s32 s5, s14  }
0x4f: {  	[tilespmem:s20], [sflag:$0x3] =	stream.linear.gather [hbm4b:s5+s4], $0x80, $0x38;
	[tilespmem:$0x1E900] =	vst v63  }
0x50: {  	_ =	swait.ge [sflag:s28], $0x80  }
0x51: {  	[sflag:s28] =	ssyncset.done $0x0  }
0x52: {  	[sflag:s28] =	ssyncadd.s32 $0xFFFFFF80  }
0x53: {  	_ =	swait.ge [sflag:s29], $0x4000  }
.Ltmp0:
0x54: {  	[sflag:s29] =	ssyncset.done $0x0;
	(pc) =	sbr.rel @p1 .LBB2_2-.Ltmp0, $4  }
0x55: {  	[sflag:s29] =	ssyncadd.s32 $0xFFFFC000  }
0x56: {  	[spmem:s3] =	stream.indirect.scatter.add.f32 [tilespmem:s21], [sflag:$0x5], $0x80, s22, s18, $0xb8;
	[tilespmem:$0x1E900] =	vst v63  }
0x57: {  	_ =	swait.ge [sflag:s16], $0x4000  }
0x58: {  	[sflag:s16] =	ssyncset.done $0x0  }
0x59: {  	[sflag:s16] =	ssyncadd.s32 $0xFFFFC000;
	s0 =	simm.s32 $0x16780  }
0x5a: {  	[tilespmem:s21], [sflag:$0x2] =	stream.indirect.gather [hbm4b:s1+s18], $0x80, s0, s18, $0xb8;
	[tilespmem:$0x1E900] =	vst v63  }
0x5b: {  	_ = 	snop  }
0x5c: {  	[tilespmem:s22], [sflag:$0x4] =	stream.linear.gather [hbm4b:s12+s4], $0x80, $0x38;
	[tilespmem:$0x1E900] =	vst v63  }
0x5d: {  	_ =	swait.ge [sflag:s23], $0x80  }
0x5e: {  	[sflag:s23] =	ssyncset.done $0x0  }
0x5f: {  	[sflag:s23] =	ssyncadd.s32 $0xFFFFFF80  }
0x60: {  	_ =	swait.ge [sflag:s26], $0x4000  }
0x61: {  	[sflag:s26] =	ssyncset.done $0x0  }
0x62: {  	[sflag:s26] =	ssyncadd.s32 $0xFFFFC000  }
0x63: {  	[spmem:s3] =	stream.indirect.scatter.add.f32 [tilespmem:s19], [sflag:$0x5], $0x80, s20, s18, $0xb8;
	[tilespmem:$0x1E900] =	vst v63  }
0x64: {  	_ =	swait.ge [sflag:s16], $0x4000  }
0x65: {  	[sflag:s16] =	ssyncset.done $0x0  }
0x66: {  	[sflag:s16] =	ssyncadd.s32 $0xFFFFC000  }
0x67: {  	_ =	swait.ge [sflag:s28], $0x80  }
0x68: {  	[sflag:s28] =	ssyncset.done $0x0  }
0x69: {  	[sflag:s28] =	ssyncadd.s32 $0xFFFFFF80  }
0x6a: {  	_ =	swait.ge [sflag:s29], $0x4000  }
0x6b: {  	[sflag:s29] =	ssyncset.done $0x0  }
0x6c: {  	[sflag:s29] =	ssyncadd.s32 $0xFFFFC000  }
0x6d: {  	[spmem:s3] =	stream.indirect.scatter.add.f32 [tilespmem:s21], [sflag:$0x5], $0x80, s22, s18, $0xb8;
	[tilespmem:$0x1E900] =	vst v63  }
0x6e: {  	_ =	swait.ge [sflag:s16], $0x4000  }
0x6f: {  	[sflag:s16] =	ssyncset.done $0x0  }
0x70: {  	[sflag:s16] =	ssyncadd.s32 $0xFFFFC000  }
0x71: {  	s0 =	simm.s32 @p0 $0x5;
	[bflag:$0x0] =	sbarrier.arrive $0xFFFF  }
0x72: {  	[hbm:s10], [sflag:s6] =	dma.local @p0 [spmem:s24], $0x2080  }
0x73: {  	s31 =	sadd.s32 $0x1, s31;
	_ =	swait.ge @p0 [sflag:s0], $0x2080  }
0x74: {  	p1 =	sne.s32 s31, s11;
	[sflag:s0] =	ssyncset.done @p0 $0x0  }
.Ltmp1:
0x75: {  	[sflag:s0] =	ssyncadd.s32 @p0 $0xFFFFDF80;
	s0 =	simm.s32 @!p0 $0x5;
	(pc) =	sbr.rel @p1 .LBB2_1-.Ltmp1, $4  }
0x76: {  	[hbm:s9], [sflag:s6] =	dma.local @!p0 [spmem:s25], $0x2780  }
0x77: {  	_ =	swait.ge @!p0 [sflag:s0], $0x2780  }
0x78: {  	[sflag:s0] =	ssyncset.done @!p0 $0x0  }
0x79: {  	[sflag:s0] =	ssyncadd.s32 @!p0 $0xFFFFD880  }
0x7a: {  	_ =	sfence.sel $0x180000  }
0x7b: {  	[bflag:$0x0] =	sbarrier.arrive $0xFFFF  }
0x7c: {  	_ =	strace $0x9000004D  }
0x7d: {  	s0 =	stileid.u32;
	[bflag:$0x2] =	sbarrier.arrive $0xFFFF  }
0x7e: {  	p0 =	sne.s32 s0, $0x0;
	s0 =	rddreg [dreg:$0x3]  }
0x7f: {  	s0 =	sadd.s32 @!p0 $0x100000, s0  }
0x80: {  	[sflag:s0] =	ssyncadd.tile.s32 @!p0 $0x1;
	_ =	shalt  }
.Lfunc_end2:
_tile_overlayer_lowered:
.L_overlay_start_2:
0x81: {  	(tag) =	ssettag $0x2  }
0x82: {  	s0 =	rddreg [dreg:$0x0];
	s2 =	stileid.u32  }
0x83: {  	s1 =	rddreg [dreg:$0x1];
	p0 =	sne.s32 s2, $0x0  }
0x84: {  	s3 =	rddreg [dreg:$0x2];
	[bflag:$0x3] =	sbarrier.arrive $0xFFFF;
	s2 =	simm.s32 @!p0 $0x1C05  }
0x85: {  	[timem:s3], [sflag:s2] =	dma.local @!p0 [hbm:s0], s1  }
0x86: {  	s0 =	simm.s32 @!p0 $0x5  }
0x87: {  	_ =	swait.ge @!p0 [sflag:s0], s1  }
0x88: {  	s1 =	ssub.s32 @!p0 $0x0, s1;
	[sflag:s0] =	ssyncset.done @!p0 $0x0  }
0x89: {  	[sflag:s0] =	ssyncadd.s32 @!p0 s1  }
0x8a: {  	[bflag:$0x3] =	sbarrier.arrive $0xFFFF  }
0x8b: {  	_ =	shalt  }

</sc_bundles>
